<compile_context>
chip_gen: v7x
topology: tpu7x:2x2x1
jax: 0.10.2.dev20260603
libtpu: 0.0.44.dev20260713+nightly
codegen_flags: <defaults>
</compile_context>

<pallas_src>
import functools

import jax
import jax.numpy as jnp
from jax import lax
from jax.experimental import pallas as pl
from jax.experimental.pallas import tpu as pltpu
from jax.experimental.pallas import tpu_sc as plsc

N = 10000
D = 128
K = 5000
NP = 10240
IT = 1024
KP = 5120
NW = 32
R_PER = KP // NW
CP = 5008
GRP = 8


def _scores_body(h_ref, w_ref, b_ref, out_ref, outr_ref):
    i = pl.program_id(0)
    w = jnp.dot(h_ref[...], w_ref[...], preferred_element_type=jnp.float32)
    s = jax.nn.sigmoid(w + b_ref[0, 0])
    row = i * IT + lax.broadcasted_iota(jnp.int32, (IT, 1), 0)
    s = jnp.where(row < N, s, -1.0)
    out_ref[...] = s
    outr_ref[...] = s.reshape(1, IT)


def _ranks_body(scol_ref, sflat_ref, out_ref):
    i = pl.program_id(0)
    j = pl.program_id(1)

    @pl.when(j == 0)
    def _():
        out_ref[...] = jnp.zeros_like(out_ref)

    s_i = scol_ref[...]
    s_j = sflat_ref[...]
    ig = i * IT + lax.broadcasted_iota(jnp.int32, (IT, 1), 0)
    jg = j * IT + lax.broadcasted_iota(jnp.int32, (1, IT), 1)
    m = (s_j > s_i).astype(jnp.float32) + ((s_j == s_i) & (jg < ig)).astype(jnp.float32)
    ones = jnp.ones((IT, 1), jnp.float32)
    out_ref[...] += jnp.dot(m, ones, preferred_element_type=jnp.float32).astype(jnp.int32)


def _select_body(rcol_ref, scol_ref, idx_ref, val_ref):
    p = pl.program_id(0)
    i = pl.program_id(1)

    @pl.when(i == 0)
    def _():
        idx_ref[...] = jnp.zeros_like(idx_ref)
        val_ref[...] = jnp.zeros_like(val_ref)

    r_i = rcol_ref[...]
    s_i = scol_ref[...]
    pg = p * IT + lax.broadcasted_iota(jnp.int32, (1, IT), 1)
    ig = i * IT + lax.broadcasted_iota(jnp.int32, (IT, 1), 0)
    eq = (r_i == pg)
    idx_ref[...] += jnp.sum(jnp.where(eq, ig, 0), axis=0, keepdims=True)
    val_ref[...] += jnp.sum(jnp.where(eq, s_i, 0.0), axis=0, keepdims=True)


def _topk_idx_values(h, W, b):
    h_pad = jnp.pad(h, ((0, NP - N), (0, 0)))
    scores_col, scores_flat = pl.pallas_call(
        _scores_body,
        grid=(NP // IT,),
        in_specs=[
            pl.BlockSpec((IT, D), lambda i: (i, 0)),
            pl.BlockSpec((D, 1), lambda i: (0, 0)),
            pl.BlockSpec((1, 1), lambda i: (0, 0)),
        ],
        out_specs=[
            pl.BlockSpec((IT, 1), lambda i: (i, 0)),
            pl.BlockSpec((1, IT), lambda i: (0, i)),
        ],
        out_shape=[
            jax.ShapeDtypeStruct((NP, 1), jnp.float32),
            jax.ShapeDtypeStruct((1, NP), jnp.float32),
        ],
    )(h_pad, W, b.reshape(1, 1))

    ranks_col = pl.pallas_call(
        _ranks_body,
        grid=(NP // IT, NP // IT),
        in_specs=[
            pl.BlockSpec((IT, 1), lambda i, j: (i, 0)),
            pl.BlockSpec((1, IT), lambda i, j: (0, j)),
        ],
        out_specs=pl.BlockSpec((IT, 1), lambda i, j: (i, 0)),
        out_shape=jax.ShapeDtypeStruct((NP, 1), jnp.int32),
    )(scores_col, scores_flat)

    idx_row, val_row = pl.pallas_call(
        _select_body,
        grid=(KP // IT, NP // IT),
        in_specs=[
            pl.BlockSpec((IT, 1), lambda p, i: (i, 0)),
            pl.BlockSpec((IT, 1), lambda p, i: (i, 0)),
        ],
        out_specs=[
            pl.BlockSpec((1, IT), lambda p, i: (0, p)),
            pl.BlockSpec((1, IT), lambda p, i: (0, p)),
        ],
        out_shape=[
            jax.ShapeDtypeStruct((1, KP), jnp.int32),
            jax.ShapeDtypeStruct((1, KP), jnp.float32),
        ],
    )(ranks_col, scores_col)

    return idx_row.reshape(KP), val_row.reshape(KP)


def _sc_body(g_hbm, h_hbm, idx_hbm, vrep_hbm, ung_hbm, newh_hbm,
             idxv, rowbuf, outa, outb, hbuf, vrepv, sem, sema, semb):
    wid = lax.axis_index("s") * 2 + lax.axis_index("c")
    base = wid * R_PER
    count = jnp.minimum(R_PER, K - base)

    pltpu.sync_copy(idx_hbm, idxv)
    pltpu.sync_copy(vrep_hbm.at[pl.ds(base * 16, R_PER * 16)], vrepv)

    cps = [
        pltpu.async_copy(
            h_hbm.at[idxv.at[pl.ds(base + q * 80, 80)]],
            hbuf.at[pl.ds(q * 80, 80)], sem)
        for q in range(R_PER // 80)
    ]
    for cp in cps:
        cp.wait()

    def _scale_row(jj, carry):
        vb = vrepv[pl.ds(jj * 16, 16)]
        for c in range(D // 16):
            hv = hbuf[jj, pl.ds(c * 16, 16)]
            hbuf[jj, pl.ds(c * 16, 16)] = hv * vb
        return carry

    lax.fori_loop(0, count, _scale_row, 0, unroll=False)
    pltpu.sync_copy(hbuf, newh_hbm.at[pl.ds(base, R_PER)])

    def _group(q, carry):
        i0 = base + q * GRP
        pltpu.async_copy(g_hbm.at[idxv.at[pl.ds(i0, GRP)]], rowbuf, sem).wait()

        descs = []
        for jj in range(GRP):
            row_sel = jnp.full((16,), jj, jnp.int32)
            ob = outa if jj % 2 == 0 else outb
            osem = sema if jj % 2 == 0 else semb
            if jj >= 2:
                descs[jj - 2].wait()

            @plsc.parallel_loop(0, CP, step=16, unroll=4)
            def _chunks(c, ob=ob, row_sel=row_sel):
                ic = idxv[pl.ds(c, 16)]
                vals = plsc.load_gather(rowbuf, [row_sel, ic])
                ob[0, pl.ds(c, 16)] = (vals != 0.0).astype(jnp.float32)

            i = i0 + jj
            ci = (i // 16) * 16
            lane = jnp.full((16,), i % 16, jnp.int32)
            dsel = (lax.iota(jnp.int32, 16) == lane).astype(jnp.float32)
            ob[0, pl.ds(ci, 16)] = ob[0, pl.ds(ci, 16)] + dsel
            descs.append(pltpu.async_copy(ob.at[:, pl.ds(0, K)],
                                          ung_hbm.at[pl.ds(i, 1)], osem))
        descs[-2].wait()
        descs[-1].wait()
        return carry

    lax.fori_loop(0, count // GRP, _group, 0, unroll=False)


def _sc_gather(g, h, idx_pad, vrep):
    mesh = plsc.VectorSubcoreMesh(core_axis_name="c", subcore_axis_name="s")
    f = pl.kernel(
        _sc_body,
        out_type=[
            jax.ShapeDtypeStruct((K, K), jnp.float32),
            jax.ShapeDtypeStruct((KP, D), jnp.float32),
        ],
        mesh=mesh,
        compiler_params=pltpu.CompilerParams(
            use_tc_tiling_on_sc=False, needs_layout_passes=False),
        scratch_types=[
            pltpu.VMEM((KP,), jnp.int32),
            pltpu.VMEM((GRP, N), jnp.float32),
            pltpu.VMEM((1, CP), jnp.float32),
            pltpu.VMEM((1, CP), jnp.float32),
            pltpu.VMEM((R_PER, D), jnp.float32),
            pltpu.VMEM((R_PER * 16,), jnp.float32),
            pltpu.SemaphoreType.DMA,
            pltpu.SemaphoreType.DMA,
            pltpu.SemaphoreType.DMA,
        ],
    )
    return f(g, h, idx_pad, vrep)


def kernel(g, h, W, b):
    idx_pad, val_pad = _topk_idx_values(h, W, b)
    vrep = jnp.broadcast_to(val_pad[:, None], (KP, 16)).reshape(KP * 16)
    un_g, newh_pad = _sc_gather(g, h, idx_pad, vrep)
    return (un_g, newh_pad[:K], idx_pad[:K])

# --- scband reference (transcript-rebuilt; emitter-appended) ---
"""Pipeline reference for scband-pool-66529043415276 (READ-ONLY COPY).

The authoritative reference and input builder live on the scoring server;
editing this copy changes nothing except your own understanding.
"""

import jax, jax.numpy as jnp
import numpy as np

N = 10000
D = 128
K_RATIO = 0.5


def setup_inputs(seed: int = 0) -> dict:
    key = jax.random.key(seed)
    kg, kh, kw = jax.random.split(key, 3)
    g = jax.random.uniform(kg, (N, N), dtype=jnp.float32)
    h = jax.random.normal(kh, (N, D), dtype=jnp.float32)
    W = jax.random.normal(kw, (D, 1), dtype=jnp.float32) * (1.0 / np.sqrt(D))
    b = jnp.zeros((1,), dtype=jnp.float32)
    return {"g": g, "h": h, "W": W, "b": b}


def reference(g, h, W, b):
    # proj: Linear(in_dim, 1) then squeeze -> [N]
    weights = (h @ W + b).squeeze(-1)
    # dropout p=0 -> identity
    scores = jax.nn.sigmoid(weights)
    num_nodes = g.shape[0]
    k = max(2, int(K_RATIO * num_nodes))
    # top_k_graph
    values, idx = jax.lax.top_k(scores, k)
    new_h = h[idx, :] * values[:, None]
    un_g = (g != 0).astype(jnp.float32)
    # rw == 'self-loop'
    un_g = un_g + jnp.eye(num_nodes, dtype=jnp.float32)
    un_g = un_g[idx, :]
    un_g = un_g[:, idx]
    return (un_g, new_h, idx)

if __name__ == "__main__":
    import jax
    _d = setup_inputs()
    print(jax.jit(kernel)(*tuple(_d.values())))

</pallas_src>

<mosaic_0001>
#map = affine_map<(d0, d1) -> (0, 0)>
#map1 = affine_map<(d0, d1) -> (0)>
module attributes {stable_mosaic.version = 14 : i64} {
  func.func @_sc_body(%arg0: i32, %arg1: i32, %arg2: memref<10000x10000xf32, #tpu.memory_space<hbm>>, %arg3: memref<10000x128xf32, #tpu.memory_space<hbm>>, %arg4: memref<5120xi32, #tpu.memory_space<hbm>>, %arg5: memref<81920xf32, #tpu.memory_space<hbm>>, %arg6: memref<5000x5000xf32, #tpu.memory_space<hbm>>, %arg7: memref<5120x128xf32, #tpu.memory_space<hbm>>, %arg8: memref<5120xi32, #tpu.memory_space<vmem>>, %arg9: memref<8x10000xf32, #tpu.memory_space<vmem>>, %arg10: memref<1x5008xf32, #tpu.memory_space<vmem>>, %arg11: memref<1x5008xf32, #tpu.memory_space<vmem>>, %arg12: memref<160x128xf32, #tpu.memory_space<vmem>>, %arg13: memref<2560xf32, #tpu.memory_space<vmem>>, %arg14: memref<!tpu.dma_semaphore, #tpu.memory_space<semaphore_mem>>, %arg15: memref<!tpu.dma_semaphore, #tpu.memory_space<semaphore_mem>>, %arg16: memref<!tpu.dma_semaphore, #tpu.memory_space<semaphore_mem>>) attributes {dimension_semantics = [#tpu.dimension_semantics<core_parallel>, #tpu.dimension_semantics<subcore_parallel>], iteration_bounds = array<i64: 2, 16>, scalar_prefetch = 0 : i64, scratch_operands = 9 : i64, tpu.core_type = #tpu.core_type<sc_vector_subcore>, window_params = [{transform_indices = #map}, {transform_indices = #map}, {transform_indices = #map1}, {transform_indices = #map1}, {transform_indices = #map}, {transform_indices = #map}]} {
    %mul3A = arith.constant 2 : i32
    %mul3A_0 = arith.muli %arg1, %mul3A : i32
    %add3A = arith.addi %mul3A_0, %arg0 : i32
    %mul3A_1 = arith.constant 160 : i32
    %mul3A_2 = arith.muli %add3A, %mul3A_1 : i32
    %sub3A = arith.constant 5000 : i32
    %sub3A_3 = arith.subi %sub3A, %mul3A_2 : i32
    %min3A = arith.constant 160 : i32
    %min3A_4 = arith.minsi %min3A, %sub3A_3 : i32
    "tpu.region"() ({
      %run_scoped3A = tpu.sem_alloc : memref<!tpu.dma_semaphore, #tpu.memory_space<semaphore_mem>>
      tpu.enqueue_dma source(%arg4 : memref<5120xi32, #tpu.memory_space<hbm>>) target(%arg8 : memref<5120xi32, #tpu.memory_space<vmem>>) target_semaphore(%run_scoped3A : memref<!tpu.dma_semaphore, #tpu.memory_space<semaphore_mem>>)
      tpu.wait_dma2 semaphore(%run_scoped3A : memref<!tpu.dma_semaphore, #tpu.memory_space<semaphore_mem>>) src(%arg4 : memref<5120xi32, #tpu.memory_space<hbm>>) dst(%arg8 : memref<5120xi32, #tpu.memory_space<vmem>>)
      tpu.yield
    }) : () -> ()
    %mul3A_5 = arith.constant 16 : i32
    %mul3A_6 = arith.muli %mul3A_2, %mul3A_5 : i32
    "tpu.region"() ({
      %run_scoped3A = tpu.sem_alloc : memref<!tpu.dma_semaphore, #tpu.memory_space<semaphore_mem>>
      %dma_start3A_73 = tpu.memref_slice %arg5[%mul3A_6] : memref<81920xf32, #tpu.memory_space<hbm>> -> memref<2560xf32, #tpu.memory_space<hbm>>
      %dma_start3A_74 = tpu.memref_slice %arg5[%mul3A_6] : memref<81920xf32, #tpu.memory_space<hbm>> -> memref<2560xf32, #tpu.memory_space<hbm>>
      tpu.enqueue_dma source(%dma_start3A_74 : memref<2560xf32, #tpu.memory_space<hbm>>) target(%arg13 : memref<2560xf32, #tpu.memory_space<vmem>>) target_semaphore(%run_scoped3A : memref<!tpu.dma_semaphore, #tpu.memory_space<semaphore_mem>>)
      %dma_wait3A_75 = tpu.memref_slice %arg5[%mul3A_6] : memref<81920xf32, #tpu.memory_space<hbm>> -> memref<2560xf32, #tpu.memory_space<hbm>>
      %dma_wait3A_76 = tpu.memref_slice %arg5[%mul3A_6] : memref<81920xf32, #tpu.memory_space<hbm>> -> memref<2560xf32, #tpu.memory_space<hbm>>
      tpu.wait_dma2 semaphore(%run_scoped3A : memref<!tpu.dma_semaphore, #tpu.memory_space<semaphore_mem>>) src(%dma_wait3A_76 : memref<2560xf32, #tpu.memory_space<hbm>>) dst(%arg13 : memref<2560xf32, #tpu.memory_space<vmem>>)
      tpu.yield
    }) : () -> ()
    %add3A_7 = arith.constant 0 : i32
    %add3A_8 = arith.addi %mul3A_2, %add3A_7 : i32
    %dma_start3A = arith.constant 0 : i32
    %dma_start3A_9 = arith.constant 0 : i32
    %dma_start3A_10 = tpu.memref_slice %arg12[%dma_start3A, %dma_start3A_9] : memref<160x128xf32, #tpu.memory_space<vmem>> -> memref<80x128xf32, #tpu.memory_space<vmem>>
    %dma_start3A_11 = tpu.memref_slice %arg8[%add3A_8] : memref<5120xi32, #tpu.memory_space<vmem>> -> memref<80xi32, #tpu.memory_space<vmem>>
    %dma_start3A_12 = arith.constant 0 : i32
    %dma_start3A_13 = arith.constant 0 : i32
    %dma_start3A_14 = tpu.memref_slice %arg3[%dma_start3A_12, %dma_start3A_13] : memref<10000x128xf32, #tpu.memory_space<hbm>> -> memref<10000x128xf32, #tpu.memory_space<hbm>>
    tpu.enqueue_indirect_dma source(%dma_start3A_14 : memref<10000x128xf32, #tpu.memory_space<hbm>>) target(%dma_start3A_10 : memref<80x128xf32, #tpu.memory_space<vmem>>) offsets(%dma_start3A_11 : memref<80xi32, #tpu.memory_space<vmem>>) semaphore(%arg14 : memref<!tpu.dma_semaphore, #tpu.memory_space<semaphore_mem>>)
    %add3A_15 = arith.constant 80 : i32
    %add3A_16 = arith.addi %mul3A_2, %add3A_15 : i32
    %dma_start3A_17 = arith.constant 80 : i32
    %dma_start3A_18 = arith.constant 0 : i32
    %dma_start3A_19 = tpu.memref_slice %arg12[%dma_start3A_17, %dma_start3A_18] : memref<160x128xf32, #tpu.memory_space<vmem>> -> memref<80x128xf32, #tpu.memory_space<vmem>>
    %dma_start3A_20 = tpu.memref_slice %arg8[%add3A_16] : memref<5120xi32, #tpu.memory_space<vmem>> -> memref<80xi32, #tpu.memory_space<vmem>>
    %dma_start3A_21 = arith.constant 0 : i32
    %dma_start3A_22 = arith.constant 0 : i32
    %dma_start3A_23 = tpu.memref_slice %arg3[%dma_start3A_21, %dma_start3A_22] : memref<10000x128xf32, #tpu.memory_space<hbm>> -> memref<10000x128xf32, #tpu.memory_space<hbm>>
    tpu.enqueue_indirect_dma source(%dma_start3A_23 : memref<10000x128xf32, #tpu.memory_space<hbm>>) target(%dma_start3A_19 : memref<80x128xf32, #tpu.memory_space<vmem>>) offsets(%dma_start3A_20 : memref<80xi32, #tpu.memory_space<vmem>>) semaphore(%arg14 : memref<!tpu.dma_semaphore, #tpu.memory_space<semaphore_mem>>)
    %dma_wait3A = arith.constant 0 : i32
    %dma_wait3A_24 = arith.constant 0 : i32
    %dma_wait3A_25 = tpu.memref_slice %arg12[%dma_wait3A, %dma_wait3A_24] : memref<160x128xf32, #tpu.memory_space<vmem>> -> memref<80x128xf32, #tpu.memory_space<vmem>>
    %dma_wait3A_26 = tpu.memref_slice %arg8[%add3A_8] : memref<5120xi32, #tpu.memory_space<vmem>> -> memref<80xi32, #tpu.memory_space<vmem>>
    %dma_wait3A_27 = arith.constant 0 : i32
    %dma_wait3A_28 = arith.constant 0 : i32
    %dma_wait3A_29 = tpu.memref_slice %arg3[%dma_wait3A_27, %dma_wait3A_28] : memref<10000x128xf32, #tpu.memory_space<hbm>> -> memref<10000x128xf32, #tpu.memory_space<hbm>>
    tpu.wait_indirect_dma semaphore(%arg14 : memref<!tpu.dma_semaphore, #tpu.memory_space<semaphore_mem>>) src(%dma_wait3A_29 : memref<10000x128xf32, #tpu.memory_space<hbm>>) dst(%dma_wait3A_25 : memref<80x128xf32, #tpu.memory_space<vmem>>)
    %dma_wait3A_30 = arith.constant 80 : i32
    %dma_wait3A_31 = arith.constant 0 : i32
    %dma_wait3A_32 = tpu.memref_slice %arg12[%dma_wait3A_30, %dma_wait3A_31] : memref<160x128xf32, #tpu.memory_space<vmem>> -> memref<80x128xf32, #tpu.memory_space<vmem>>
    %dma_wait3A_33 = tpu.memref_slice %arg8[%add3A_16] : memref<5120xi32, #tpu.memory_space<vmem>> -> memref<80xi32, #tpu.memory_space<vmem>>
    %dma_wait3A_34 = arith.constant 0 : i32
    %dma_wait3A_35 = arith.constant 0 : i32
    %dma_wait3A_36 = tpu.memref_slice %arg3[%dma_wait3A_34, %dma_wait3A_35] : memref<10000x128xf32, #tpu.memory_space<hbm>> -> memref<10000x128xf32, #tpu.memory_space<hbm>>
    tpu.wait_indirect_dma semaphore(%arg14 : memref<!tpu.dma_semaphore, #tpu.memory_space<semaphore_mem>>) src(%dma_wait3A_36 : memref<10000x128xf32, #tpu.memory_space<hbm>>) dst(%dma_wait3A_32 : memref<80x128xf32, #tpu.memory_space<vmem>>)
    %while3A = arith.constant 0 : i32
    %while3A_37 = arith.constant 0 : i32
    %while3A_38 = arith.subi %min3A_4, %while3A_37 : i32
    %while3A_39 = arith.addi %while3A_37, %while3A_38 : i32
    %while3A_40 = arith.constant 1 : i32
    %while3A_41 = arith.divsi %while3A_38, %while3A_40 : i32
    %while3A_42 = arith.muli %while3A_41, %while3A_40 : i32
    %while3A_43 = arith.addi %while3A_37, %while3A_42 : i32
    %while3A_44 = arith.constant 1 : i32
    scf.for %while3A_73 = %while3A_37 to %while3A_43 step %while3A_44  : i32 {
      %mul3A_74 = arith.constant 16 : i32
      %mul3A_75 = arith.muli %while3A_73, %mul3A_74 : i32
      %get3A = arith.index_cast %mul3A_75 : i32 to index
      %get3A_76 = tpu.vector_load %arg13[%get3A] {strides = array<i32>} : memref<2560xf32, #tpu.memory_space<vmem>>, vector<16xf32>,
      %get3A_77 = arith.index_cast %while3A_73 : i32 to index
      %get3A_78 = arith.constant 0 : index
      %get3A_79 = tpu.vector_load %arg12[%get3A_77, %get3A_78] {strides = array<i32>} : memref<160x128xf32, #tpu.memory_space<vmem>>, vector<16xf32>,
      %mul3A_80 = arith.mulf %get3A_79, %get3A_76 : vector<16xf32>
      %swap3A = arith.index_cast %while3A_73 : i32 to index
      %swap3A_81 = arith.constant 0 : index
      %swap3A_82 = tpu.vector_load %arg12[%swap3A, %swap3A_81] {strides = array<i32>} : memref<160x128xf32, #tpu.memory_space<vmem>>, vector<16xf32>,
      tpu.vector_store %arg12[%swap3A, %swap3A_81], %mul3A_80 {strides = array<i32>} : memref<160x128xf32, #tpu.memory_space<vmem>>, vector<16xf32>,
      %get3A_83 = arith.index_cast %while3A_73 : i32 to index
      %get3A_84 = arith.constant 16 : index
      %get3A_85 = tpu.vector_load %arg12[%get3A_83, %get3A_84] {strides = array<i32>} : memref<160x128xf32, #tpu.memory_space<vmem>>, vector<16xf32>,
      %mul3A_86 = arith.mulf %get3A_85, %get3A_76 : vector<16xf32>
      %swap3A_87 = arith.index_cast %while3A_73 : i32 to index
      %swap3A_88 = arith.constant 16 : index
      %swap3A_89 = tpu.vector_load %arg12[%swap3A_87, %swap3A_88] {strides = array<i32>} : memref<160x128xf32, #tpu.memory_space<vmem>>, vector<16xf32>,
      tpu.vector_store %arg12[%swap3A_87, %swap3A_88], %mul3A_86 {strides = array<i32>} : memref<160x128xf32, #tpu.memory_space<vmem>>, vector<16xf32>,
      %get3A_90 = arith.index_cast %while3A_73 : i32 to index
      %get3A_91 = arith.constant 32 : index
      %get3A_92 = tpu.vector_load %arg12[%get3A_90, %get3A_91] {strides = array<i32>} : memref<160x128xf32, #tpu.memory_space<vmem>>, vector<16xf32>,
      %mul3A_93 = arith.mulf %get3A_92, %get3A_76 : vector<16xf32>
      %swap3A_94 = arith.index_cast %while3A_73 : i32 to index
      %swap3A_95 = arith.constant 32 : index
      %swap3A_96 = tpu.vector_load %arg12[%swap3A_94, %swap3A_95] {strides = array<i32>} : memref<160x128xf32, #tpu.memory_space<vmem>>, vector<16xf32>,
      tpu.vector_store %arg12[%swap3A_94, %swap3A_95], %mul3A_93 {strides = array<i32>} : memref<160x128xf32, #tpu.memory_space<vmem>>, vector<16xf32>,
      %get3A_97 = arith.index_cast %while3A_73 : i32 to index
      %get3A_98 = arith.constant 48 : index
      %get3A_99 = tpu.vector_load %arg12[%get3A_97, %get3A_98] {strides = array<i32>} : memref<160x128xf32, #tpu.memory_space<vmem>>, vector<16xf32>,
      %mul3A_100 = arith.mulf %get3A_99, %get3A_76 : vector<16xf32>
      %swap3A_101 = arith.index_cast %while3A_73 : i32 to index
      %swap3A_102 = arith.constant 48 : index
      %swap3A_103 = tpu.vector_load %arg12[%swap3A_101, %swap3A_102] {strides = array<i32>} : memref<160x128xf32, #tpu.memory_space<vmem>>, vector<16xf32>,
      tpu.vector_store %arg12[%swap3A_101, %swap3A_102], %mul3A_100 {strides = array<i32>} : memref<160x128xf32, #tpu.memory_space<vmem>>, vector<16xf32>,
      %get3A_104 = arith.index_cast %while3A_73 : i32 to index
      %get3A_105 = arith.constant 64 : index
      %get3A_106 = tpu.vector_load %arg12[%get3A_104, %get3A_105] {strides = array<i32>} : memref<160x128xf32, #tpu.memory_space<vmem>>, vector<16xf32>,
      %mul3A_107 = arith.mulf %get3A_106, %get3A_76 : vector<16xf32>
      %swap3A_108 = arith.index_cast %while3A_73 : i32 to index
      %swap3A_109 = arith.constant 64 : index
      %swap3A_110 = tpu.vector_load %arg12[%swap3A_108, %swap3A_109] {strides = array<i32>} : memref<160x128xf32, #tpu.memory_space<vmem>>, vector<16xf32>,
      tpu.vector_store %arg12[%swap3A_108, %swap3A_109], %mul3A_107 {strides = array<i32>} : memref<160x128xf32, #tpu.memory_space<vmem>>, vector<16xf32>,
      %get3A_111 = arith.index_cast %while3A_73 : i32 to index
      %get3A_112 = arith.constant 80 : index
      %get3A_113 = tpu.vector_load %arg12[%get3A_111, %get3A_112] {strides = array<i32>} : memref<160x128xf32, #tpu.memory_space<vmem>>, vector<16xf32>,
      %mul3A_114 = arith.mulf %get3A_113, %get3A_76 : vector<16xf32>
      %swap3A_115 = arith.index_cast %while3A_73 : i32 to index
      %swap3A_116 = arith.constant 80 : index
      %swap3A_117 = tpu.vector_load %arg12[%swap3A_115, %swap3A_116] {strides = array<i32>} : memref<160x128xf32, #tpu.memory_space<vmem>>, vector<16xf32>,
      tpu.vector_store %arg12[%swap3A_115, %swap3A_116], %mul3A_114 {strides = array<i32>} : memref<160x128xf32, #tpu.memory_space<vmem>>, vector<16xf32>,
      %get3A_118 = arith.index_cast %while3A_73 : i32 to index
      %get3A_119 = arith.constant 96 : index
      %get3A_120 = tpu.vector_load %arg12[%get3A_118, %get3A_119] {strides = array<i32>} : memref<160x128xf32, #tpu.memory_space<vmem>>, vector<16xf32>,
      %mul3A_121 = arith.mulf %get3A_120, %get3A_76 : vector<16xf32>
      %swap3A_122 = arith.index_cast %while3A_73 : i32 to index
      %swap3A_123 = arith.constant 96 : index
      %swap3A_124 = tpu.vector_load %arg12[%swap3A_122, %swap3A_123] {strides = array<i32>} : memref<160x128xf32, #tpu.memory_space<vmem>>, vector<16xf32>,
      tpu.vector_store %arg12[%swap3A_122, %swap3A_123], %mul3A_121 {strides = array<i32>} : memref<160x128xf32, #tpu.memory_space<vmem>>, vector<16xf32>,
      %get3A_125 = arith.index_cast %while3A_73 : i32 to index
      %get3A_126 = arith.constant 112 : index
      %get3A_127 = tpu.vector_load %arg12[%get3A_125, %get3A_126] {strides = array<i32>} : memref<160x128xf32, #tpu.memory_space<vmem>>, vector<16xf32>,
      %mul3A_128 = arith.mulf %get3A_127, %get3A_76 : vector<16xf32>
      %swap3A_129 = arith.index_cast %while3A_73 : i32 to index
      %swap3A_130 = arith.constant 112 : index
      %swap3A_131 = tpu.vector_load %arg12[%swap3A_129, %swap3A_130] {strides = array<i32>} : memref<160x128xf32, #tpu.memory_space<vmem>>, vector<16xf32>,
      tpu.vector_store %arg12[%swap3A_129, %swap3A_130], %mul3A_128 {strides = array<i32>} : memref<160x128xf32, #tpu.memory_space<vmem>>, vector<16xf32>,
    }
    %while3A_45 = arith.constant 1 : i32
    scf.for %while3A_73 = %while3A_43 to %while3A_39 step %while3A_45  : i32 {
      %mul3A_74 = arith.constant 16 : i32
      %mul3A_75 = arith.muli %while3A_73, %mul3A_74 : i32
      %get3A = arith.index_cast %mul3A_75 : i32 to index
      %get3A_76 = tpu.vector_load %arg13[%get3A] {strides = array<i32>} : memref<2560xf32, #tpu.memory_space<vmem>>, vector<16xf32>,
      %get3A_77 = arith.index_cast %while3A_73 : i32 to index
      %get3A_78 = arith.constant 0 : index
      %get3A_79 = tpu.vector_load %arg12[%get3A_77, %get3A_78] {strides = array<i32>} : memref<160x128xf32, #tpu.memory_space<vmem>>, vector<16xf32>,
      %mul3A_80 = arith.mulf %get3A_79, %get3A_76 : vector<16xf32>
      %swap3A = arith.index_cast %while3A_73 : i32 to index
      %swap3A_81 = arith.constant 0 : index
      %swap3A_82 = tpu.vector_load %arg12[%swap3A, %swap3A_81] {strides = array<i32>} : memref<160x128xf32, #tpu.memory_space<vmem>>, vector<16xf32>,
      tpu.vector_store %arg12[%swap3A, %swap3A_81], %mul3A_80 {strides = array<i32>} : memref<160x128xf32, #tpu.memory_space<vmem>>, vector<16xf32>,
      %get3A_83 = arith.index_cast %while3A_73 : i32 to index
      %get3A_84 = arith.constant 16 : index
      %get3A_85 = tpu.vector_load %arg12[%get3A_83, %get3A_84] {strides = array<i32>} : memref<160x128xf32, #tpu.memory_space<vmem>>, vector<16xf32>,
      %mul3A_86 = arith.mulf %get3A_85, %get3A_76 : vector<16xf32>
      %swap3A_87 = arith.index_cast %while3A_73 : i32 to index
      %swap3A_88 = arith.constant 16 : index
      %swap3A_89 = tpu.vector_load %arg12[%swap3A_87, %swap3A_88] {strides = array<i32>} : memref<160x128xf32, #tpu.memory_space<vmem>>, vector<16xf32>,
      tpu.vector_store %arg12[%swap3A_87, %swap3A_88], %mul3A_86 {strides = array<i32>} : memref<160x128xf32, #tpu.memory_space<vmem>>, vector<16xf32>,
      %get3A_90 = arith.index_cast %while3A_73 : i32 to index
      %get3A_91 = arith.constant 32 : index
      %get3A_92 = tpu.vector_load %arg12[%get3A_90, %get3A_91] {strides = array<i32>} : memref<160x128xf32, #tpu.memory_space<vmem>>, vector<16xf32>,
      %mul3A_93 = arith.mulf %get3A_92, %get3A_76 : vector<16xf32>
      %swap3A_94 = arith.index_cast %while3A_73 : i32 to index
      %swap3A_95 = arith.constant 32 : index
      %swap3A_96 = tpu.vector_load %arg12[%swap3A_94, %swap3A_95] {strides = array<i32>} : memref<160x128xf32, #tpu.memory_space<vmem>>, vector<16xf32>,
      tpu.vector_store %arg12[%swap3A_94, %swap3A_95], %mul3A_93 {strides = array<i32>} : memref<160x128xf32, #tpu.memory_space<vmem>>, vector<16xf32>,
      %get3A_97 = arith.index_cast %while3A_73 : i32 to index
      %get3A_98 = arith.constant 48 : index
      %get3A_99 = tpu.vector_load %arg12[%get3A_97, %get3A_98] {strides = array<i32>} : memref<160x128xf32, #tpu.memory_space<vmem>>, vector<16xf32>,
      %mul3A_100 = arith.mulf %get3A_99, %get3A_76 : vector<16xf32>
      %swap3A_101 = arith.index_cast %while3A_73 : i32 to index
      %swap3A_102 = arith.constant 48 : index
      %swap3A_103 = tpu.vector_load %arg12[%swap3A_101, %swap3A_102] {strides = array<i32>} : memref<160x128xf32, #tpu.memory_space<vmem>>, vector<16xf32>,
      tpu.vector_store %arg12[%swap3A_101, %swap3A_102], %mul3A_100 {strides = array<i32>} : memref<160x128xf32, #tpu.memory_space<vmem>>, vector<16xf32>,
      %get3A_104 = arith.index_cast %while3A_73 : i32 to index
      %get3A_105 = arith.constant 64 : index
      %get3A_106 = tpu.vector_load %arg12[%get3A_104, %get3A_105] {strides = array<i32>} : memref<160x128xf32, #tpu.memory_space<vmem>>, vector<16xf32>,
      %mul3A_107 = arith.mulf %get3A_106, %get3A_76 : vector<16xf32>
      %swap3A_108 = arith.index_cast %while3A_73 : i32 to index
      %swap3A_109 = arith.constant 64 : index
      %swap3A_110 = tpu.vector_load %arg12[%swap3A_108, %swap3A_109] {strides = array<i32>} : memref<160x128xf32, #tpu.memory_space<vmem>>, vector<16xf32>,
      tpu.vector_store %arg12[%swap3A_108, %swap3A_109], %mul3A_107 {strides = array<i32>} : memref<160x128xf32, #tpu.memory_space<vmem>>, vector<16xf32>,
      %get3A_111 = arith.index_cast %while3A_73 : i32 to index
      %get3A_112 = arith.constant 80 : index
      %get3A_113 = tpu.vector_load %arg12[%get3A_111, %get3A_112] {strides = array<i32>} : memref<160x128xf32, #tpu.memory_space<vmem>>, vector<16xf32>,
      %mul3A_114 = arith.mulf %get3A_113, %get3A_76 : vector<16xf32>
      %swap3A_115 = arith.index_cast %while3A_73 : i32 to index
      %swap3A_116 = arith.constant 80 : index
      %swap3A_117 = tpu.vector_load %arg12[%swap3A_115, %swap3A_116] {strides = array<i32>} : memref<160x128xf32, #tpu.memory_space<vmem>>, vector<16xf32>,
      tpu.vector_store %arg12[%swap3A_115, %swap3A_116], %mul3A_114 {strides = array<i32>} : memref<160x128xf32, #tpu.memory_space<vmem>>, vector<16xf32>,
      %get3A_118 = arith.index_cast %while3A_73 : i32 to index
      %get3A_119 = arith.constant 96 : index
      %get3A_120 = tpu.vector_load %arg12[%get3A_118, %get3A_119] {strides = array<i32>} : memref<160x128xf32, #tpu.memory_space<vmem>>, vector<16xf32>,
      %mul3A_121 = arith.mulf %get3A_120, %get3A_76 : vector<16xf32>
      %swap3A_122 = arith.index_cast %while3A_73 : i32 to index
      %swap3A_123 = arith.constant 96 : index
      %swap3A_124 = tpu.vector_load %arg12[%swap3A_122, %swap3A_123] {strides = array<i32>} : memref<160x128xf32, #tpu.memory_space<vmem>>, vector<16xf32>,
      tpu.vector_store %arg12[%swap3A_122, %swap3A_123], %mul3A_121 {strides = array<i32>} : memref<160x128xf32, #tpu.memory_space<vmem>>, vector<16xf32>,
      %get3A_125 = arith.index_cast %while3A_73 : i32 to index
      %get3A_126 = arith.constant 112 : index
      %get3A_127 = tpu.vector_load %arg12[%get3A_125, %get3A_126] {strides = array<i32>} : memref<160x128xf32, #tpu.memory_space<vmem>>, vector<16xf32>,
      %mul3A_128 = arith.mulf %get3A_127, %get3A_76 : vector<16xf32>
      %swap3A_129 = arith.index_cast %while3A_73 : i32 to index
      %swap3A_130 = arith.constant 112 : index
      %swap3A_131 = tpu.vector_load %arg12[%swap3A_129, %swap3A_130] {strides = array<i32>} : memref<160x128xf32, #tpu.memory_space<vmem>>, vector<16xf32>,
      tpu.vector_store %arg12[%swap3A_129, %swap3A_130], %mul3A_128 {strides = array<i32>} : memref<160x128xf32, #tpu.memory_space<vmem>>, vector<16xf32>,
    }
    "tpu.region"() ({
      %run_scoped3A = tpu.sem_alloc : memref<!tpu.dma_semaphore, #tpu.memory_space<semaphore_mem>>
      %dma_start3A_73 = arith.constant 0 : i32
      %dma_start3A_74 = tpu.memref_slice %arg7[%mul3A_2, %dma_start3A_73] : memref<5120x128xf32, #tpu.memory_space<hbm>> -> memref<160x128xf32, #tpu.memory_space<hbm>>
      %dma_start3A_75 = arith.constant 0 : i32
      %dma_start3A_76 = tpu.memref_slice %arg7[%mul3A_2, %dma_start3A_75] : memref<5120x128xf32, #tpu.memory_space<hbm>> -> memref<160x128xf32, #tpu.memory_space<hbm>>
      tpu.enqueue_dma source(%arg12 : memref<160x128xf32, #tpu.memory_space<vmem>>) target(%dma_start3A_76 : memref<160x128xf32, #tpu.memory_space<hbm>>) target_semaphore(%run_scoped3A : memref<!tpu.dma_semaphore, #tpu.memory_space<semaphore_mem>>)
      %dma_wait3A_77 = arith.constant 0 : i32
      %dma_wait3A_78 = tpu.memref_slice %arg7[%mul3A_2, %dma_wait3A_77] : memref<5120x128xf32, #tpu.memory_space<hbm>> -> memref<160x128xf32, #tpu.memory_space<hbm>>
      %dma_wait3A_79 = arith.constant 0 : i32
      %dma_wait3A_80 = tpu.memref_slice %arg7[%mul3A_2, %dma_wait3A_79] : memref<5120x128xf32, #tpu.memory_space<hbm>> -> memref<160x128xf32, #tpu.memory_space<hbm>>
      tpu.wait_dma2 semaphore(%run_scoped3A : memref<!tpu.dma_semaphore, #tpu.memory_space<semaphore_mem>>) src(%arg12 : memref<160x128xf32, #tpu.memory_space<vmem>>) dst(%dma_wait3A_80 : memref<160x128xf32, #tpu.memory_space<hbm>>)
      tpu.yield
    }) : () -> ()
    %jit3A = arith.constant 8 : i32
    %div3A = arith.divsi %min3A_4, %jit3A : i32
    %sign3A = arith.constant 0 : i32
    %sign3A_46 = arith.cmpi sgt, %min3A_4, %sign3A : i32
    %sign3A_47 = arith.extui %sign3A_46 : i1 to i32
    %sign3A_48 = arith.constant 0 : i32
    %sign3A_49 = arith.cmpi slt, %min3A_4, %sign3A_48 : i32
    %sign3A_50 = arith.extui %sign3A_49 : i1 to i32
    %sign3A_51 = arith.subi %sign3A_47, %sign3A_50 : i32
    %sign3A_52 = arith.constant 0 : i32
    %sign3A_53 = arith.cmpi sgt, %jit3A, %sign3A_52 : i32
    %sign3A_54 = arith.extui %sign3A_53 : i1 to i32
    %sign3A_55 = arith.constant 0 : i32
    %sign3A_56 = arith.cmpi slt, %jit3A, %sign3A_55 : i32
    %sign3A_57 = arith.extui %sign3A_56 : i1 to i32
    %sign3A_58 = arith.subi %sign3A_54, %sign3A_57 : i32
    %ne3A = arith.cmpi ne, %sign3A_51, %sign3A_58 : i32
    %rem3A = arith.remsi %min3A_4, %jit3A : i32
    %ne3A_59 = arith.constant 0 : i32
    %ne3A_60 = arith.cmpi ne, %rem3A, %ne3A_59 : i32
    %and3A = arith.andi %ne3A, %ne3A_60 : i1
    %sub3A_61 = arith.constant 1 : i32
    %sub3A_62 = arith.subi %div3A, %sub3A_61 : i32
    %select_n3A = arith.select %and3A, %sub3A_62, %div3A : i32
    %while3A_63 = arith.constant 0 : i32
    %while3A_64 = arith.constant 0 : i32
    %while3A_65 = arith.subi %select_n3A, %while3A_64 : i32
    %while3A_66 = arith.addi %while3A_64, %while3A_65 : i32
    %while3A_67 = arith.constant 1 : i32
    %while3A_68 = arith.divsi %while3A_65, %while3A_67 : i32
    %while3A_69 = arith.muli %while3A_68, %while3A_67 : i32
    %while3A_70 = arith.addi %while3A_64, %while3A_69 : i32
    %while3A_71 = arith.constant 1 : i32
    scf.for %while3A_73 = %while3A_64 to %while3A_70 step %while3A_71  : i32 {
      %mul3A_74 = arith.constant 8 : i32
      %mul3A_75 = arith.muli %while3A_73, %mul3A_74 : i32
      %add3A_76 = arith.addi %mul3A_2, %mul3A_75 : i32
      %dma_start3A_77 = tpu.memref_slice %arg8[%add3A_76] : memref<5120xi32, #tpu.memory_space<vmem>> -> memref<8xi32, #tpu.memory_space<vmem>>
      %dma_start3A_78 = arith.constant 0 : i32
      %dma_start3A_79 = arith.constant 0 : i32
      %dma_start3A_80 = tpu.memref_slice %arg2[%dma_start3A_78, %dma_start3A_79] : memref<10000x10000xf32, #tpu.memory_space<hbm>> -> memref<10000x10000xf32, #tpu.memory_space<hbm>>
      tpu.enqueue_indirect_dma source(%dma_start3A_80 : memref<10000x10000xf32, #tpu.memory_space<hbm>>) target(%arg9 : memref<8x10000xf32, #tpu.memory_space<vmem>>) offsets(%dma_start3A_77 : memref<8xi32, #tpu.memory_space<vmem>>) semaphore(%arg14 : memref<!tpu.dma_semaphore, #tpu.memory_space<semaphore_mem>>)
      %dma_wait3A_81 = tpu.memref_slice %arg8[%add3A_76] : memref<5120xi32, #tpu.memory_space<vmem>> -> memref<8xi32, #tpu.memory_space<vmem>>
      %dma_wait3A_82 = arith.constant 0 : i32
      %dma_wait3A_83 = arith.constant 0 : i32
      %dma_wait3A_84 = tpu.memref_slice %arg2[%dma_wait3A_82, %dma_wait3A_83] : memref<10000x10000xf32, #tpu.memory_space<hbm>> -> memref<10000x10000xf32, #tpu.memory_space<hbm>>
      tpu.wait_indirect_dma semaphore(%arg14 : memref<!tpu.dma_semaphore, #tpu.memory_space<semaphore_mem>>) src(%dma_wait3A_84 : memref<10000x10000xf32, #tpu.memory_space<hbm>>) dst(%arg9 : memref<8x10000xf32, #tpu.memory_space<vmem>>)
      %broadcast_in_dim3A = arith.constant 0 : i32
      %broadcast_in_dim3A_85 = vector.broadcast %broadcast_in_dim3A : i32 to vector<16xi32>
      %parallel_loop3A = arith.constant 0 : i32
      %parallel_loop3A_86 = arith.constant 5008 : i32
      %parallel_loop3A_87 = arith.constant 16 : i32
      scf.for %parallel_loop3A_741 = %parallel_loop3A to %parallel_loop3A_86 step %parallel_loop3A_87  : i32 {
        %parallel_loop3A_742 = arith.index_cast %parallel_loop3A_741 : i32 to index
        %parallel_loop3A_743 = tpu.vector_load %arg8[%parallel_loop3A_742] {strides = array<i32>} : memref<5120xi32, #tpu.memory_space<vmem>>, vector<16xi32>,
        %parallel_loop3A_744 = tpu.vector_load_idx %arg9[%broadcast_in_dim3A_85, %parallel_loop3A_743] : memref<8x10000xf32, #tpu.memory_space<vmem>>[vector<16xi32>, vector<16xi32>], vector<16xf32>,
        %parallel_loop3A_745 = arith.constant 0.000000e+00 : f32
        %parallel_loop3A_746 = vector.broadcast %parallel_loop3A_745 : f32 to vector<16xf32>
        %parallel_loop3A_747 = arith.cmpf one, %parallel_loop3A_744, %parallel_loop3A_746 : vector<16xf32>
        %parallel_loop3A_748 = arith.extui %parallel_loop3A_747 : vector<16xi1> to vector<16xi32>
        %parallel_loop3A_749 = arith.sitofp %parallel_loop3A_748 : vector<16xi32> to vector<16xf32>
        %parallel_loop3A_750 = arith.constant 0 : i32
        %parallel_loop3A_751 = arith.index_cast %parallel_loop3A_750 : i32 to index
        %parallel_loop3A_752 = arith.index_cast %parallel_loop3A_741 : i32 to index
        %parallel_loop3A_753 = tpu.vector_load %arg10[%parallel_loop3A_751, %parallel_loop3A_752] {strides = array<i32>} : memref<1x5008xf32, #tpu.memory_space<vmem>>, vector<16xf32>,
        tpu.vector_store %arg10[%parallel_loop3A_751, %parallel_loop3A_752], %parallel_loop3A_749 {strides = array<i32>} : memref<1x5008xf32, #tpu.memory_space<vmem>>, vector<16xf32>,
      } {sc.loop_unroll_factor = 4 : i64, sc.parallel_access}
      %add3A_88 = arith.constant 0 : i32
      %add3A_89 = arith.addi %add3A_76, %add3A_88 : i32
      %jit3A_90 = arith.constant 16 : i32
      %div3A_91 = arith.divsi %add3A_89, %jit3A_90 : i32
      %sign3A_92 = arith.constant 0 : i32
      %sign3A_93 = arith.cmpi sgt, %add3A_89, %sign3A_92 : i32
      %sign3A_94 = arith.extui %sign3A_93 : i1 to i32
      %sign3A_95 = arith.constant 0 : i32
      %sign3A_96 = arith.cmpi slt, %add3A_89, %sign3A_95 : i32
      %sign3A_97 = arith.extui %sign3A_96 : i1 to i32
      %sign3A_98 = arith.subi %sign3A_94, %sign3A_97 : i32
      %sign3A_99 = arith.constant 0 : i32
      %sign3A_100 = arith.cmpi sgt, %jit3A_90, %sign3A_99 : i32
      %sign3A_101 = arith.extui %sign3A_100 : i1 to i32
      %sign3A_102 = arith.constant 0 : i32
      %sign3A_103 = arith.cmpi slt, %jit3A_90, %sign3A_102 : i32
      %sign3A_104 = arith.extui %sign3A_103 : i1 to i32
      %sign3A_105 = arith.subi %sign3A_101, %sign3A_104 : i32
      %ne3A_106 = arith.cmpi ne, %sign3A_98, %sign3A_105 : i32
      %rem3A_107 = arith.remsi %add3A_89, %jit3A_90 : i32
      %ne3A_108 = arith.constant 0 : i32
      %ne3A_109 = arith.cmpi ne, %rem3A_107, %ne3A_108 : i32
      %and3A_110 = arith.andi %ne3A_106, %ne3A_109 : i1
      %sub3A_111 = arith.constant 1 : i32
      %sub3A_112 = arith.subi %div3A_91, %sub3A_111 : i32
      %select_n3A_113 = arith.select %and3A_110, %sub3A_112, %div3A_91 : i32
      %mul3A_114 = arith.constant 16 : i32
      %mul3A_115 = arith.muli %select_n3A_113, %mul3A_114 : i32
      %jit3A_116 = arith.constant 16 : i32
      %eq3A = arith.constant 0 : i32
      %eq3A_117 = arith.cmpi eq, %jit3A_116, %eq3A : i32
      %jit3A_118 = arith.constant 1 : i32
      %select_n3A_119 = arith.select %eq3A_117, %jit3A_118, %jit3A_116 : i32
      %rem3A_120 = arith.remsi %add3A_89, %select_n3A_119 : i32
      %ne3A_121 = arith.constant 0 : i32
      %ne3A_122 = arith.cmpi ne, %rem3A_120, %ne3A_121 : i32
      %lt3A = arith.constant 0 : i32
      %lt3A_123 = arith.cmpi slt, %rem3A_120, %lt3A : i32
      %lt3A_124 = arith.constant 0 : i32
      %lt3A_125 = arith.cmpi slt, %select_n3A_119, %lt3A_124 : i32
      %ne3A_126 = arith.xori %lt3A_123, %lt3A_125 : i1
      %and3A_127 = arith.andi %ne3A_126, %ne3A_122 : i1
      %add3A_128 = arith.addi %rem3A_120, %select_n3A_119 : i32
      %select_n3A_129 = arith.select %and3A_127, %add3A_128, %rem3A_120 : i32
      %broadcast_in_dim3A_130 = vector.broadcast %select_n3A_129 : i32 to vector<16xi32>
      %iota3A = tpu.iota {dimensions = array<i32: 0>} : vector<16xi32>
      %eq3A_131 = arith.cmpi eq, %iota3A, %broadcast_in_dim3A_130 : vector<16xi32>
      %convert_element_type3A = arith.extui %eq3A_131 : vector<16xi1> to vector<16xi32>
      %convert_element_type3A_132 = arith.sitofp %convert_element_type3A : vector<16xi32> to vector<16xf32>
      %get3A = arith.constant 0 : i32
      %get3A_133 = arith.index_cast %get3A : i32 to index
      %get3A_134 = arith.index_cast %mul3A_115 : i32 to index
      %get3A_135 = tpu.vector_load %arg10[%get3A_133, %get3A_134] {strides = array<i32>} : memref<1x5008xf32, #tpu.memory_space<vmem>>, vector<16xf32>,
      %add3A_136 = arith.addf %get3A_135, %convert_element_type3A_132 : vector<16xf32>
      %swap3A = arith.constant 0 : i32
      %swap3A_137 = arith.index_cast %swap3A : i32 to index
      %swap3A_138 = arith.index_cast %mul3A_115 : i32 to index
      %swap3A_139 = tpu.vector_load %arg10[%swap3A_137, %swap3A_138] {strides = array<i32>} : memref<1x5008xf32, #tpu.memory_space<vmem>>, vector<16xf32>,
      tpu.vector_store %arg10[%swap3A_137, %swap3A_138], %add3A_136 {strides = array<i32>} : memref<1x5008xf32, #tpu.memory_space<vmem>>, vector<16xf32>,
      %dma_start3A_140 = arith.constant 0 : i32
      %dma_start3A_141 = arith.constant 0 : i32
      %dma_start3A_142 = tpu.memref_slice %arg10[%dma_start3A_140, %dma_start3A_141] : memref<1x5008xf32, #tpu.memory_space<vmem>> -> memref<1x5000xf32, #tpu.memory_space<vmem>>
      %dma_start3A_143 = arith.constant 0 : i32
      %dma_start3A_144 = tpu.memref_slice %arg6[%add3A_89, %dma_start3A_143] : memref<5000x5000xf32, #tpu.memory_space<hbm>> -> memref<1x5000xf32, #tpu.memory_space<hbm>>
      %dma_start3A_145 = arith.constant 0 : i32
      %dma_start3A_146 = tpu.memref_slice %arg6[%add3A_89, %dma_start3A_145] : memref<5000x5000xf32, #tpu.memory_space<hbm>> -> memref<1x5000xf32, #tpu.memory_space<hbm>>
      %dma_start3A_147 = arith.constant 0 : i32
      %dma_start3A_148 = arith.constant 0 : i32
      %dma_start3A_149 = tpu.memref_slice %arg10[%dma_start3A_147, %dma_start3A_148] : memref<1x5008xf32, #tpu.memory_space<vmem>> -> memref<1x5000xf32, #tpu.memory_space<vmem>>
      tpu.enqueue_dma source(%dma_start3A_149 : memref<1x5000xf32, #tpu.memory_space<vmem>>) target(%dma_start3A_146 : memref<1x5000xf32, #tpu.memory_space<hbm>>) target_semaphore(%arg15 : memref<!tpu.dma_semaphore, #tpu.memory_space<semaphore_mem>>)
      %broadcast_in_dim3A_150 = arith.constant 1 : i32
      %broadcast_in_dim3A_151 = vector.broadcast %broadcast_in_dim3A_150 : i32 to vector<16xi32>
      %parallel_loop3A_152 = arith.constant 0 : i32
      %parallel_loop3A_153 = arith.constant 5008 : i32
      %parallel_loop3A_154 = arith.constant 16 : i32
      scf.for %parallel_loop3A_741 = %parallel_loop3A_152 to %parallel_loop3A_153 step %parallel_loop3A_154  : i32 {
        %parallel_loop3A_742 = arith.index_cast %parallel_loop3A_741 : i32 to index
        %parallel_loop3A_743 = tpu.vector_load %arg8[%parallel_loop3A_742] {strides = array<i32>} : memref<5120xi32, #tpu.memory_space<vmem>>, vector<16xi32>,
        %parallel_loop3A_744 = tpu.vector_load_idx %arg9[%broadcast_in_dim3A_151, %parallel_loop3A_743] : memref<8x10000xf32, #tpu.memory_space<vmem>>[vector<16xi32>, vector<16xi32>], vector<16xf32>,
        %parallel_loop3A_745 = arith.constant 0.000000e+00 : f32
        %parallel_loop3A_746 = vector.broadcast %parallel_loop3A_745 : f32 to vector<16xf32>
        %parallel_loop3A_747 = arith.cmpf one, %parallel_loop3A_744, %parallel_loop3A_746 : vector<16xf32>
        %parallel_loop3A_748 = arith.extui %parallel_loop3A_747 : vector<16xi1> to vector<16xi32>
        %parallel_loop3A_749 = arith.sitofp %parallel_loop3A_748 : vector<16xi32> to vector<16xf32>
        %parallel_loop3A_750 = arith.constant 0 : i32
        %parallel_loop3A_751 = arith.index_cast %parallel_loop3A_750 : i32 to index
        %parallel_loop3A_752 = arith.index_cast %parallel_loop3A_741 : i32 to index
        %parallel_loop3A_753 = tpu.vector_load %arg11[%parallel_loop3A_751, %parallel_loop3A_752] {strides = array<i32>} : memref<1x5008xf32, #tpu.memory_space<vmem>>, vector<16xf32>,
        tpu.vector_store %arg11[%parallel_loop3A_751, %parallel_loop3A_752], %parallel_loop3A_749 {strides = array<i32>} : memref<1x5008xf32, #tpu.memory_space<vmem>>, vector<16xf32>,
      } {sc.loop_unroll_factor = 4 : i64, sc.parallel_access}
      %add3A_155 = arith.constant 1 : i32
      %add3A_156 = arith.addi %add3A_76, %add3A_155 : i32
      %jit3A_157 = arith.constant 16 : i32
      %div3A_158 = arith.divsi %add3A_156, %jit3A_157 : i32
      %sign3A_159 = arith.constant 0 : i32
      %sign3A_160 = arith.cmpi sgt, %add3A_156, %sign3A_159 : i32
      %sign3A_161 = arith.extui %sign3A_160 : i1 to i32
      %sign3A_162 = arith.constant 0 : i32
      %sign3A_163 = arith.cmpi slt, %add3A_156, %sign3A_162 : i32
      %sign3A_164 = arith.extui %sign3A_163 : i1 to i32
      %sign3A_165 = arith.subi %sign3A_161, %sign3A_164 : i32
      %sign3A_166 = arith.constant 0 : i32
      %sign3A_167 = arith.cmpi sgt, %jit3A_157, %sign3A_166 : i32
      %sign3A_168 = arith.extui %sign3A_167 : i1 to i32
      %sign3A_169 = arith.constant 0 : i32
      %sign3A_170 = arith.cmpi slt, %jit3A_157, %sign3A_169 : i32
      %sign3A_171 = arith.extui %sign3A_170 : i1 to i32
      %sign3A_172 = arith.subi %sign3A_168, %sign3A_171 : i32
      %ne3A_173 = arith.cmpi ne, %sign3A_165, %sign3A_172 : i32
      %rem3A_174 = arith.remsi %add3A_156, %jit3A_157 : i32
      %ne3A_175 = arith.constant 0 : i32
      %ne3A_176 = arith.cmpi ne, %rem3A_174, %ne3A_175 : i32
      %and3A_177 = arith.andi %ne3A_173, %ne3A_176 : i1
      %sub3A_178 = arith.constant 1 : i32
      %sub3A_179 = arith.subi %div3A_158, %sub3A_178 : i32
      %select_n3A_180 = arith.select %and3A_177, %sub3A_179, %div3A_158 : i32
      %mul3A_181 = arith.constant 16 : i32
      %mul3A_182 = arith.muli %select_n3A_180, %mul3A_181 : i32
      %jit3A_183 = arith.constant 16 : i32
      %eq3A_184 = arith.constant 0 : i32
      %eq3A_185 = arith.cmpi eq, %jit3A_183, %eq3A_184 : i32
      %jit3A_186 = arith.constant 1 : i32
      %select_n3A_187 = arith.select %eq3A_185, %jit3A_186, %jit3A_183 : i32
      %rem3A_188 = arith.remsi %add3A_156, %select_n3A_187 : i32
      %ne3A_189 = arith.constant 0 : i32
      %ne3A_190 = arith.cmpi ne, %rem3A_188, %ne3A_189 : i32
      %lt3A_191 = arith.constant 0 : i32
      %lt3A_192 = arith.cmpi slt, %rem3A_188, %lt3A_191 : i32
      %lt3A_193 = arith.constant 0 : i32
      %lt3A_194 = arith.cmpi slt, %select_n3A_187, %lt3A_193 : i32
      %ne3A_195 = arith.xori %lt3A_192, %lt3A_194 : i1
      %and3A_196 = arith.andi %ne3A_195, %ne3A_190 : i1
      %add3A_197 = arith.addi %rem3A_188, %select_n3A_187 : i32
      %select_n3A_198 = arith.select %and3A_196, %add3A_197, %rem3A_188 : i32
      %broadcast_in_dim3A_199 = vector.broadcast %select_n3A_198 : i32 to vector<16xi32>
      %iota3A_200 = tpu.iota {dimensions = array<i32: 0>} : vector<16xi32>
      %eq3A_201 = arith.cmpi eq, %iota3A_200, %broadcast_in_dim3A_199 : vector<16xi32>
      %convert_element_type3A_202 = arith.extui %eq3A_201 : vector<16xi1> to vector<16xi32>
      %convert_element_type3A_203 = arith.sitofp %convert_element_type3A_202 : vector<16xi32> to vector<16xf32>
      %get3A_204 = arith.constant 0 : i32
      %get3A_205 = arith.index_cast %get3A_204 : i32 to index
      %get3A_206 = arith.index_cast %mul3A_182 : i32 to index
      %get3A_207 = tpu.vector_load %arg11[%get3A_205, %get3A_206] {strides = array<i32>} : memref<1x5008xf32, #tpu.memory_space<vmem>>, vector<16xf32>,
      %add3A_208 = arith.addf %get3A_207, %convert_element_type3A_203 : vector<16xf32>
      %swap3A_209 = arith.constant 0 : i32
      %swap3A_210 = arith.index_cast %swap3A_209 : i32 to index
      %swap3A_211 = arith.index_cast %mul3A_182 : i32 to index
      %swap3A_212 = tpu.vector_load %arg11[%swap3A_210, %swap3A_211] {strides = array<i32>} : memref<1x5008xf32, #tpu.memory_space<vmem>>, vector<16xf32>,
      tpu.vector_store %arg11[%swap3A_210, %swap3A_211], %add3A_208 {strides = array<i32>} : memref<1x5008xf32, #tpu.memory_space<vmem>>, vector<16xf32>,
      %dma_start3A_213 = arith.constant 0 : i32
      %dma_start3A_214 = arith.constant 0 : i32
      %dma_start3A_215 = tpu.memref_slice %arg11[%dma_start3A_213, %dma_start3A_214] : memref<1x5008xf32, #tpu.memory_space<vmem>> -> memref<1x5000xf32, #tpu.memory_space<vmem>>
      %dma_start3A_216 = arith.constant 0 : i32
      %dma_start3A_217 = tpu.memref_slice %arg6[%add3A_156, %dma_start3A_216] : memref<5000x5000xf32, #tpu.memory_space<hbm>> -> memref<1x5000xf32, #tpu.memory_space<hbm>>
      %dma_start3A_218 = arith.constant 0 : i32
      %dma_start3A_219 = tpu.memref_slice %arg6[%add3A_156, %dma_start3A_218] : memref<5000x5000xf32, #tpu.memory_space<hbm>> -> memref<1x5000xf32, #tpu.memory_space<hbm>>
      %dma_start3A_220 = arith.constant 0 : i32
      %dma_start3A_221 = arith.constant 0 : i32
      %dma_start3A_222 = tpu.memref_slice %arg11[%dma_start3A_220, %dma_start3A_221] : memref<1x5008xf32, #tpu.memory_space<vmem>> -> memref<1x5000xf32, #tpu.memory_space<vmem>>
      tpu.enqueue_dma source(%dma_start3A_222 : memref<1x5000xf32, #tpu.memory_space<vmem>>) target(%dma_start3A_219 : memref<1x5000xf32, #tpu.memory_space<hbm>>) target_semaphore(%arg16 : memref<!tpu.dma_semaphore, #tpu.memory_space<semaphore_mem>>)
      %broadcast_in_dim3A_223 = arith.constant 2 : i32
      %broadcast_in_dim3A_224 = vector.broadcast %broadcast_in_dim3A_223 : i32 to vector<16xi32>
      %dma_wait3A_225 = arith.constant 0 : i32
      %dma_wait3A_226 = arith.constant 0 : i32
      %dma_wait3A_227 = tpu.memref_slice %arg10[%dma_wait3A_225, %dma_wait3A_226] : memref<1x5008xf32, #tpu.memory_space<vmem>> -> memref<1x5000xf32, #tpu.memory_space<vmem>>
      %dma_wait3A_228 = arith.constant 0 : i32
      %dma_wait3A_229 = tpu.memref_slice %arg6[%add3A_89, %dma_wait3A_228] : memref<5000x5000xf32, #tpu.memory_space<hbm>> -> memref<1x5000xf32, #tpu.memory_space<hbm>>
      %dma_wait3A_230 = arith.constant 0 : i32
      %dma_wait3A_231 = tpu.memref_slice %arg6[%add3A_89, %dma_wait3A_230] : memref<5000x5000xf32, #tpu.memory_space<hbm>> -> memref<1x5000xf32, #tpu.memory_space<hbm>>
      %dma_wait3A_232 = arith.constant 0 : i32
      %dma_wait3A_233 = arith.constant 0 : i32
      %dma_wait3A_234 = tpu.memref_slice %arg10[%dma_wait3A_232, %dma_wait3A_233] : memref<1x5008xf32, #tpu.memory_space<vmem>> -> memref<1x5000xf32, #tpu.memory_space<vmem>>
      tpu.wait_dma2 semaphore(%arg15 : memref<!tpu.dma_semaphore, #tpu.memory_space<semaphore_mem>>) src(%dma_wait3A_234 : memref<1x5000xf32, #tpu.memory_space<vmem>>) dst(%dma_wait3A_231 : memref<1x5000xf32, #tpu.memory_space<hbm>>)
      %parallel_loop3A_235 = arith.constant 0 : i32
      %parallel_loop3A_236 = arith.constant 5008 : i32
      %parallel_loop3A_237 = arith.constant 16 : i32
      scf.for %parallel_loop3A_741 = %parallel_loop3A_235 to %parallel_loop3A_236 step %parallel_loop3A_237  : i32 {
        %parallel_loop3A_742 = arith.index_cast %parallel_loop3A_741 : i32 to index
        %parallel_loop3A_743 = tpu.vector_load %arg8[%parallel_loop3A_742] {strides = array<i32>} : memref<5120xi32, #tpu.memory_space<vmem>>, vector<16xi32>,
        %parallel_loop3A_744 = tpu.vector_load_idx %arg9[%broadcast_in_dim3A_224, %parallel_loop3A_743] : memref<8x10000xf32, #tpu.memory_space<vmem>>[vector<16xi32>, vector<16xi32>], vector<16xf32>,
        %parallel_loop3A_745 = arith.constant 0.000000e+00 : f32
        %parallel_loop3A_746 = vector.broadcast %parallel_loop3A_745 : f32 to vector<16xf32>
        %parallel_loop3A_747 = arith.cmpf one, %parallel_loop3A_744, %parallel_loop3A_746 : vector<16xf32>
        %parallel_loop3A_748 = arith.extui %parallel_loop3A_747 : vector<16xi1> to vector<16xi32>
        %parallel_loop3A_749 = arith.sitofp %parallel_loop3A_748 : vector<16xi32> to vector<16xf32>
        %parallel_loop3A_750 = arith.constant 0 : i32
        %parallel_loop3A_751 = arith.index_cast %parallel_loop3A_750 : i32 to index
        %parallel_loop3A_752 = arith.index_cast %parallel_loop3A_741 : i32 to index
        %parallel_loop3A_753 = tpu.vector_load %arg10[%parallel_loop3A_751, %parallel_loop3A_752] {strides = array<i32>} : memref<1x5008xf32, #tpu.memory_space<vmem>>, vector<16xf32>,
        tpu.vector_store %arg10[%parallel_loop3A_751, %parallel_loop3A_752], %parallel_loop3A_749 {strides = array<i32>} : memref<1x5008xf32, #tpu.memory_space<vmem>>, vector<16xf32>,
      } {sc.loop_unroll_factor = 4 : i64, sc.parallel_access}
      %add3A_238 = arith.constant 2 : i32
      %add3A_239 = arith.addi %add3A_76, %add3A_238 : i32
      %jit3A_240 = arith.constant 16 : i32
      %div3A_241 = arith.divsi %add3A_239, %jit3A_240 : i32
      %sign3A_242 = arith.constant 0 : i32
      %sign3A_243 = arith.cmpi sgt, %add3A_239, %sign3A_242 : i32
      %sign3A_244 = arith.extui %sign3A_243 : i1 to i32
      %sign3A_245 = arith.constant 0 : i32
      %sign3A_246 = arith.cmpi slt, %add3A_239, %sign3A_245 : i32
      %sign3A_247 = arith.extui %sign3A_246 : i1 to i32
      %sign3A_248 = arith.subi %sign3A_244, %sign3A_247 : i32
      %sign3A_249 = arith.constant 0 : i32
      %sign3A_250 = arith.cmpi sgt, %jit3A_240, %sign3A_249 : i32
      %sign3A_251 = arith.extui %sign3A_250 : i1 to i32
      %sign3A_252 = arith.constant 0 : i32
      %sign3A_253 = arith.cmpi slt, %jit3A_240, %sign3A_252 : i32
      %sign3A_254 = arith.extui %sign3A_253 : i1 to i32
      %sign3A_255 = arith.subi %sign3A_251, %sign3A_254 : i32
      %ne3A_256 = arith.cmpi ne, %sign3A_248, %sign3A_255 : i32
      %rem3A_257 = arith.remsi %add3A_239, %jit3A_240 : i32
      %ne3A_258 = arith.constant 0 : i32
      %ne3A_259 = arith.cmpi ne, %rem3A_257, %ne3A_258 : i32
      %and3A_260 = arith.andi %ne3A_256, %ne3A_259 : i1
      %sub3A_261 = arith.constant 1 : i32
      %sub3A_262 = arith.subi %div3A_241, %sub3A_261 : i32
      %select_n3A_263 = arith.select %and3A_260, %sub3A_262, %div3A_241 : i32
      %mul3A_264 = arith.constant 16 : i32
      %mul3A_265 = arith.muli %select_n3A_263, %mul3A_264 : i32
      %jit3A_266 = arith.constant 16 : i32
      %eq3A_267 = arith.constant 0 : i32
      %eq3A_268 = arith.cmpi eq, %jit3A_266, %eq3A_267 : i32
      %jit3A_269 = arith.constant 1 : i32
      %select_n3A_270 = arith.select %eq3A_268, %jit3A_269, %jit3A_266 : i32
      %rem3A_271 = arith.remsi %add3A_239, %select_n3A_270 : i32
      %ne3A_272 = arith.constant 0 : i32
      %ne3A_273 = arith.cmpi ne, %rem3A_271, %ne3A_272 : i32
      %lt3A_274 = arith.constant 0 : i32
      %lt3A_275 = arith.cmpi slt, %rem3A_271, %lt3A_274 : i32
      %lt3A_276 = arith.constant 0 : i32
      %lt3A_277 = arith.cmpi slt, %select_n3A_270, %lt3A_276 : i32
      %ne3A_278 = arith.xori %lt3A_275, %lt3A_277 : i1
      %and3A_279 = arith.andi %ne3A_278, %ne3A_273 : i1
      %add3A_280 = arith.addi %rem3A_271, %select_n3A_270 : i32
      %select_n3A_281 = arith.select %and3A_279, %add3A_280, %rem3A_271 : i32
      %broadcast_in_dim3A_282 = vector.broadcast %select_n3A_281 : i32 to vector<16xi32>
      %iota3A_283 = tpu.iota {dimensions = array<i32: 0>} : vector<16xi32>
      %eq3A_284 = arith.cmpi eq, %iota3A_283, %broadcast_in_dim3A_282 : vector<16xi32>
      %convert_element_type3A_285 = arith.extui %eq3A_284 : vector<16xi1> to vector<16xi32>
      %convert_element_type3A_286 = arith.sitofp %convert_element_type3A_285 : vector<16xi32> to vector<16xf32>
      %get3A_287 = arith.constant 0 : i32
      %get3A_288 = arith.index_cast %get3A_287 : i32 to index
      %get3A_289 = arith.index_cast %mul3A_265 : i32 to index
      %get3A_290 = tpu.vector_load %arg10[%get3A_288, %get3A_289] {strides = array<i32>} : memref<1x5008xf32, #tpu.memory_space<vmem>>, vector<16xf32>,
      %add3A_291 = arith.addf %get3A_290, %convert_element_type3A_286 : vector<16xf32>
      %swap3A_292 = arith.constant 0 : i32
      %swap3A_293 = arith.index_cast %swap3A_292 : i32 to index
      %swap3A_294 = arith.index_cast %mul3A_265 : i32 to index
      %swap3A_295 = tpu.vector_load %arg10[%swap3A_293, %swap3A_294] {strides = array<i32>} : memref<1x5008xf32, #tpu.memory_space<vmem>>, vector<16xf32>,
      tpu.vector_store %arg10[%swap3A_293, %swap3A_294], %add3A_291 {strides = array<i32>} : memref<1x5008xf32, #tpu.memory_space<vmem>>, vector<16xf32>,
      %dma_start3A_296 = arith.constant 0 : i32
      %dma_start3A_297 = arith.constant 0 : i32
      %dma_start3A_298 = tpu.memref_slice %arg10[%dma_start3A_296, %dma_start3A_297] : memref<1x5008xf32, #tpu.memory_space<vmem>> -> memref<1x5000xf32, #tpu.memory_space<vmem>>
      %dma_start3A_299 = arith.constant 0 : i32
      %dma_start3A_300 = tpu.memref_slice %arg6[%add3A_239, %dma_start3A_299] : memref<5000x5000xf32, #tpu.memory_space<hbm>> -> memref<1x5000xf32, #tpu.memory_space<hbm>>
      %dma_start3A_301 = arith.constant 0 : i32
      %dma_start3A_302 = tpu.memref_slice %arg6[%add3A_239, %dma_start3A_301] : memref<5000x5000xf32, #tpu.memory_space<hbm>> -> memref<1x5000xf32, #tpu.memory_space<hbm>>
      %dma_start3A_303 = arith.constant 0 : i32
      %dma_start3A_304 = arith.constant 0 : i32
      %dma_start3A_305 = tpu.memref_slice %arg10[%dma_start3A_303, %dma_start3A_304] : memref<1x5008xf32, #tpu.memory_space<vmem>> -> memref<1x5000xf32, #tpu.memory_space<vmem>>
      tpu.enqueue_dma source(%dma_start3A_305 : memref<1x5000xf32, #tpu.memory_space<vmem>>) target(%dma_start3A_302 : memref<1x5000xf32, #tpu.memory_space<hbm>>) target_semaphore(%arg15 : memref<!tpu.dma_semaphore, #tpu.memory_space<semaphore_mem>>)
      %broadcast_in_dim3A_306 = arith.constant 3 : i32
      %broadcast_in_dim3A_307 = vector.broadcast %broadcast_in_dim3A_306 : i32 to vector<16xi32>
      %dma_wait3A_308 = arith.constant 0 : i32
      %dma_wait3A_309 = arith.constant 0 : i32
      %dma_wait3A_310 = tpu.memref_slice %arg11[%dma_wait3A_308, %dma_wait3A_309] : memref<1x5008xf32, #tpu.memory_space<vmem>> -> memref<1x5000xf32, #tpu.memory_space<vmem>>
      %dma_wait3A_311 = arith.constant 0 : i32
      %dma_wait3A_312 = tpu.memref_slice %arg6[%add3A_156, %dma_wait3A_311] : memref<5000x5000xf32, #tpu.memory_space<hbm>> -> memref<1x5000xf32, #tpu.memory_space<hbm>>
      %dma_wait3A_313 = arith.constant 0 : i32
      %dma_wait3A_314 = tpu.memref_slice %arg6[%add3A_156, %dma_wait3A_313] : memref<5000x5000xf32, #tpu.memory_space<hbm>> -> memref<1x5000xf32, #tpu.memory_space<hbm>>
      %dma_wait3A_315 = arith.constant 0 : i32
      %dma_wait3A_316 = arith.constant 0 : i32
      %dma_wait3A_317 = tpu.memref_slice %arg11[%dma_wait3A_315, %dma_wait3A_316] : memref<1x5008xf32, #tpu.memory_space<vmem>> -> memref<1x5000xf32, #tpu.memory_space<vmem>>
      tpu.wait_dma2 semaphore(%arg16 : memref<!tpu.dma_semaphore, #tpu.memory_space<semaphore_mem>>) src(%dma_wait3A_317 : memref<1x5000xf32, #tpu.memory_space<vmem>>) dst(%dma_wait3A_314 : memref<1x5000xf32, #tpu.memory_space<hbm>>)
      %parallel_loop3A_318 = arith.constant 0 : i32
      %parallel_loop3A_319 = arith.constant 5008 : i32
      %parallel_loop3A_320 = arith.constant 16 : i32
      scf.for %parallel_loop3A_741 = %parallel_loop3A_318 to %parallel_loop3A_319 step %parallel_loop3A_320  : i32 {
        %parallel_loop3A_742 = arith.index_cast %parallel_loop3A_741 : i32 to index
        %parallel_loop3A_743 = tpu.vector_load %arg8[%parallel_loop3A_742] {strides = array<i32>} : memref<5120xi32, #tpu.memory_space<vmem>>, vector<16xi32>,
        %parallel_loop3A_744 = tpu.vector_load_idx %arg9[%broadcast_in_dim3A_307, %parallel_loop3A_743] : memref<8x10000xf32, #tpu.memory_space<vmem>>[vector<16xi32>, vector<16xi32>], vector<16xf32>,
        %parallel_loop3A_745 = arith.constant 0.000000e+00 : f32
        %parallel_loop3A_746 = vector.broadcast %parallel_loop3A_745 : f32 to vector<16xf32>
        %parallel_loop3A_747 = arith.cmpf one, %parallel_loop3A_744, %parallel_loop3A_746 : vector<16xf32>
        %parallel_loop3A_748 = arith.extui %parallel_loop3A_747 : vector<16xi1> to vector<16xi32>
        %parallel_loop3A_749 = arith.sitofp %parallel_loop3A_748 : vector<16xi32> to vector<16xf32>
        %parallel_loop3A_750 = arith.constant 0 : i32
        %parallel_loop3A_751 = arith.index_cast %parallel_loop3A_750 : i32 to index
        %parallel_loop3A_752 = arith.index_cast %parallel_loop3A_741 : i32 to index
        %parallel_loop3A_753 = tpu.vector_load %arg11[%parallel_loop3A_751, %parallel_loop3A_752] {strides = array<i32>} : memref<1x5008xf32, #tpu.memory_space<vmem>>, vector<16xf32>,
        tpu.vector_store %arg11[%parallel_loop3A_751, %parallel_loop3A_752], %parallel_loop3A_749 {strides = array<i32>} : memref<1x5008xf32, #tpu.memory_space<vmem>>, vector<16xf32>,
      } {sc.loop_unroll_factor = 4 : i64, sc.parallel_access}
      %add3A_321 = arith.constant 3 : i32
      %add3A_322 = arith.addi %add3A_76, %add3A_321 : i32
      %jit3A_323 = arith.constant 16 : i32
      %div3A_324 = arith.divsi %add3A_322, %jit3A_323 : i32
      %sign3A_325 = arith.constant 0 : i32
      %sign3A_326 = arith.cmpi sgt, %add3A_322, %sign3A_325 : i32
      %sign3A_327 = arith.extui %sign3A_326 : i1 to i32
      %sign3A_328 = arith.constant 0 : i32
      %sign3A_329 = arith.cmpi slt, %add3A_322, %sign3A_328 : i32
      %sign3A_330 = arith.extui %sign3A_329 : i1 to i32
      %sign3A_331 = arith.subi %sign3A_327, %sign3A_330 : i32
      %sign3A_332 = arith.constant 0 : i32
      %sign3A_333 = arith.cmpi sgt, %jit3A_323, %sign3A_332 : i32
      %sign3A_334 = arith.extui %sign3A_333 : i1 to i32
      %sign3A_335 = arith.constant 0 : i32
      %sign3A_336 = arith.cmpi slt, %jit3A_323, %sign3A_335 : i32
      %sign3A_337 = arith.extui %sign3A_336 : i1 to i32
      %sign3A_338 = arith.subi %sign3A_334, %sign3A_337 : i32
      %ne3A_339 = arith.cmpi ne, %sign3A_331, %sign3A_338 : i32
      %rem3A_340 = arith.remsi %add3A_322, %jit3A_323 : i32
      %ne3A_341 = arith.constant 0 : i32
      %ne3A_342 = arith.cmpi ne, %rem3A_340, %ne3A_341 : i32
      %and3A_343 = arith.andi %ne3A_339, %ne3A_342 : i1
      %sub3A_344 = arith.constant 1 : i32
      %sub3A_345 = arith.subi %div3A_324, %sub3A_344 : i32
      %select_n3A_346 = arith.select %and3A_343, %sub3A_345, %div3A_324 : i32
      %mul3A_347 = arith.constant 16 : i32
      %mul3A_348 = arith.muli %select_n3A_346, %mul3A_347 : i32
      %jit3A_349 = arith.constant 16 : i32
      %eq3A_350 = arith.constant 0 : i32
      %eq3A_351 = arith.cmpi eq, %jit3A_349, %eq3A_350 : i32
      %jit3A_352 = arith.constant 1 : i32
      %select_n3A_353 = arith.select %eq3A_351, %jit3A_352, %jit3A_349 : i32
      %rem3A_354 = arith.remsi %add3A_322, %select_n3A_353 : i32
      %ne3A_355 = arith.constant 0 : i32
      %ne3A_356 = arith.cmpi ne, %rem3A_354, %ne3A_355 : i32
      %lt3A_357 = arith.constant 0 : i32
      %lt3A_358 = arith.cmpi slt, %rem3A_354, %lt3A_357 : i32
      %lt3A_359 = arith.constant 0 : i32
      %lt3A_360 = arith.cmpi slt, %select_n3A_353, %lt3A_359 : i32
      %ne3A_361 = arith.xori %lt3A_358, %lt3A_360 : i1
      %and3A_362 = arith.andi %ne3A_361, %ne3A_356 : i1
      %add3A_363 = arith.addi %rem3A_354, %select_n3A_353 : i32
      %select_n3A_364 = arith.select %and3A_362, %add3A_363, %rem3A_354 : i32
      %broadcast_in_dim3A_365 = vector.broadcast %select_n3A_364 : i32 to vector<16xi32>
      %iota3A_366 = tpu.iota {dimensions = array<i32: 0>} : vector<16xi32>
      %eq3A_367 = arith.cmpi eq, %iota3A_366, %broadcast_in_dim3A_365 : vector<16xi32>
      %convert_element_type3A_368 = arith.extui %eq3A_367 : vector<16xi1> to vector<16xi32>
      %convert_element_type3A_369 = arith.sitofp %convert_element_type3A_368 : vector<16xi32> to vector<16xf32>
      %get3A_370 = arith.constant 0 : i32
      %get3A_371 = arith.index_cast %get3A_370 : i32 to index
      %get3A_372 = arith.index_cast %mul3A_348 : i32 to index
      %get3A_373 = tpu.vector_load %arg11[%get3A_371, %get3A_372] {strides = array<i32>} : memref<1x5008xf32, #tpu.memory_space<vmem>>, vector<16xf32>,
      %add3A_374 = arith.addf %get3A_373, %convert_element_type3A_369 : vector<16xf32>
      %swap3A_375 = arith.constant 0 : i32
      %swap3A_376 = arith.index_cast %swap3A_375 : i32 to index
      %swap3A_377 = arith.index_cast %mul3A_348 : i32 to index
      %swap3A_378 = tpu.vector_load %arg11[%swap3A_376, %swap3A_377] {strides = array<i32>} : memref<1x5008xf32, #tpu.memory_space<vmem>>, vector<16xf32>,
      tpu.vector_store %arg11[%swap3A_376, %swap3A_377], %add3A_374 {strides = array<i32>} : memref<1x5008xf32, #tpu.memory_space<vmem>>, vector<16xf32>,
      %dma_start3A_379 = arith.constant 0 : i32
      %dma_start3A_380 = arith.constant 0 : i32
      %dma_start3A_381 = tpu.memref_slice %arg11[%dma_start3A_379, %dma_start3A_380] : memref<1x5008xf32, #tpu.memory_space<vmem>> -> memref<1x5000xf32, #tpu.memory_space<vmem>>
      %dma_start3A_382 = arith.constant 0 : i32
      %dma_start3A_383 = tpu.memref_slice %arg6[%add3A_322, %dma_start3A_382] : memref<5000x5000xf32, #tpu.memory_space<hbm>> -> memref<1x5000xf32, #tpu.memory_space<hbm>>
      %dma_start3A_384 = arith.constant 0 : i32
      %dma_start3A_385 = tpu.memref_slice %arg6[%add3A_322, %dma_start3A_384] : memref<5000x5000xf32, #tpu.memory_space<hbm>> -> memref<1x5000xf32, #tpu.memory_space<hbm>>
      %dma_start3A_386 = arith.constant 0 : i32
      %dma_start3A_387 = arith.constant 0 : i32
      %dma_start3A_388 = tpu.memref_slice %arg11[%dma_start3A_386, %dma_start3A_387] : memref<1x5008xf32, #tpu.memory_space<vmem>> -> memref<1x5000xf32, #tpu.memory_space<vmem>>
      tpu.enqueue_dma source(%dma_start3A_388 : memref<1x5000xf32, #tpu.memory_space<vmem>>) target(%dma_start3A_385 : memref<1x5000xf32, #tpu.memory_space<hbm>>) target_semaphore(%arg16 : memref<!tpu.dma_semaphore, #tpu.memory_space<semaphore_mem>>)
      %broadcast_in_dim3A_389 = arith.constant 4 : i32
      %broadcast_in_dim3A_390 = vector.broadcast %broadcast_in_dim3A_389 : i32 to vector<16xi32>
      %dma_wait3A_391 = arith.constant 0 : i32
      %dma_wait3A_392 = arith.constant 0 : i32
      %dma_wait3A_393 = tpu.memref_slice %arg10[%dma_wait3A_391, %dma_wait3A_392] : memref<1x5008xf32, #tpu.memory_space<vmem>> -> memref<1x5000xf32, #tpu.memory_space<vmem>>
      %dma_wait3A_394 = arith.constant 0 : i32
      %dma_wait3A_395 = tpu.memref_slice %arg6[%add3A_239, %dma_wait3A_394] : memref<5000x5000xf32, #tpu.memory_space<hbm>> -> memref<1x5000xf32, #tpu.memory_space<hbm>>
      %dma_wait3A_396 = arith.constant 0 : i32
      %dma_wait3A_397 = tpu.memref_slice %arg6[%add3A_239, %dma_wait3A_396] : memref<5000x5000xf32, #tpu.memory_space<hbm>> -> memref<1x5000xf32, #tpu.memory_space<hbm>>
      %dma_wait3A_398 = arith.constant 0 : i32
      %dma_wait3A_399 = arith.constant 0 : i32
      %dma_wait3A_400 = tpu.memref_slice %arg10[%dma_wait3A_398, %dma_wait3A_399] : memref<1x5008xf32, #tpu.memory_space<vmem>> -> memref<1x5000xf32, #tpu.memory_space<vmem>>
      tpu.wait_dma2 semaphore(%arg15 : memref<!tpu.dma_semaphore, #tpu.memory_space<semaphore_mem>>) src(%dma_wait3A_400 : memref<1x5000xf32, #tpu.memory_space<vmem>>) dst(%dma_wait3A_397 : memref<1x5000xf32, #tpu.memory_space<hbm>>)
      %parallel_loop3A_401 = arith.constant 0 : i32
      %parallel_loop3A_402 = arith.constant 5008 : i32
      %parallel_loop3A_403 = arith.constant 16 : i32
      scf.for %parallel_loop3A_741 = %parallel_loop3A_401 to %parallel_loop3A_402 step %parallel_loop3A_403  : i32 {
        %parallel_loop3A_742 = arith.index_cast %parallel_loop3A_741 : i32 to index
        %parallel_loop3A_743 = tpu.vector_load %arg8[%parallel_loop3A_742] {strides = array<i32>} : memref<5120xi32, #tpu.memory_space<vmem>>, vector<16xi32>,
        %parallel_loop3A_744 = tpu.vector_load_idx %arg9[%broadcast_in_dim3A_390, %parallel_loop3A_743] : memref<8x10000xf32, #tpu.memory_space<vmem>>[vector<16xi32>, vector<16xi32>], vector<16xf32>,
        %parallel_loop3A_745 = arith.constant 0.000000e+00 : f32
        %parallel_loop3A_746 = vector.broadcast %parallel_loop3A_745 : f32 to vector<16xf32>
        %parallel_loop3A_747 = arith.cmpf one, %parallel_loop3A_744, %parallel_loop3A_746 : vector<16xf32>
        %parallel_loop3A_748 = arith.extui %parallel_loop3A_747 : vector<16xi1> to vector<16xi32>
        %parallel_loop3A_749 = arith.sitofp %parallel_loop3A_748 : vector<16xi32> to vector<16xf32>
        %parallel_loop3A_750 = arith.constant 0 : i32
        %parallel_loop3A_751 = arith.index_cast %parallel_loop3A_750 : i32 to index
        %parallel_loop3A_752 = arith.index_cast %parallel_loop3A_741 : i32 to index
        %parallel_loop3A_753 = tpu.vector_load %arg10[%parallel_loop3A_751, %parallel_loop3A_752] {strides = array<i32>} : memref<1x5008xf32, #tpu.memory_space<vmem>>, vector<16xf32>,
        tpu.vector_store %arg10[%parallel_loop3A_751, %parallel_loop3A_752], %parallel_loop3A_749 {strides = array<i32>} : memref<1x5008xf32, #tpu.memory_space<vmem>>, vector<16xf32>,
      } {sc.loop_unroll_factor = 4 : i64, sc.parallel_access}
      %add3A_404 = arith.constant 4 : i32
      %add3A_405 = arith.addi %add3A_76, %add3A_404 : i32
      %jit3A_406 = arith.constant 16 : i32
      %div3A_407 = arith.divsi %add3A_405, %jit3A_406 : i32
      %sign3A_408 = arith.constant 0 : i32
      %sign3A_409 = arith.cmpi sgt, %add3A_405, %sign3A_408 : i32
      %sign3A_410 = arith.extui %sign3A_409 : i1 to i32
      %sign3A_411 = arith.constant 0 : i32
      %sign3A_412 = arith.cmpi slt, %add3A_405, %sign3A_411 : i32
      %sign3A_413 = arith.extui %sign3A_412 : i1 to i32
      %sign3A_414 = arith.subi %sign3A_410, %sign3A_413 : i32
      %sign3A_415 = arith.constant 0 : i32
      %sign3A_416 = arith.cmpi sgt, %jit3A_406, %sign3A_415 : i32
      %sign3A_417 = arith.extui %sign3A_416 : i1 to i32
      %sign3A_418 = arith.constant 0 : i32
      %sign3A_419 = arith.cmpi slt, %jit3A_406, %sign3A_418 : i32
      %sign3A_420 = arith.extui %sign3A_419 : i1 to i32
      %sign3A_421 = arith.subi %sign3A_417, %sign3A_420 : i32
      %ne3A_422 = arith.cmpi ne, %sign3A_414, %sign3A_421 : i32
      %rem3A_423 = arith.remsi %add3A_405, %jit3A_406 : i32
      %ne3A_424 = arith.constant 0 : i32
      %ne3A_425 = arith.cmpi ne, %rem3A_423, %ne3A_424 : i32
      %and3A_426 = arith.andi %ne3A_422, %ne3A_425 : i1
      %sub3A_427 = arith.constant 1 : i32
      %sub3A_428 = arith.subi %div3A_407, %sub3A_427 : i32
      %select_n3A_429 = arith.select %and3A_426, %sub3A_428, %div3A_407 : i32
      %mul3A_430 = arith.constant 16 : i32
      %mul3A_431 = arith.muli %select_n3A_429, %mul3A_430 : i32
      %jit3A_432 = arith.constant 16 : i32
      %eq3A_433 = arith.constant 0 : i32
      %eq3A_434 = arith.cmpi eq, %jit3A_432, %eq3A_433 : i32
      %jit3A_435 = arith.constant 1 : i32
      %select_n3A_436 = arith.select %eq3A_434, %jit3A_435, %jit3A_432 : i32
      %rem3A_437 = arith.remsi %add3A_405, %select_n3A_436 : i32
      %ne3A_438 = arith.constant 0 : i32
      %ne3A_439 = arith.cmpi ne, %rem3A_437, %ne3A_438 : i32
      %lt3A_440 = arith.constant 0 : i32
      %lt3A_441 = arith.cmpi slt, %rem3A_437, %lt3A_440 : i32
      %lt3A_442 = arith.constant 0 : i32
      %lt3A_443 = arith.cmpi slt, %select_n3A_436, %lt3A_442 : i32
      %ne3A_444 = arith.xori %lt3A_441, %lt3A_443 : i1
      %and3A_445 = arith.andi %ne3A_444, %ne3A_439 : i1
      %add3A_446 = arith.addi %rem3A_437, %select_n3A_436 : i32
      %select_n3A_447 = arith.select %and3A_445, %add3A_446, %rem3A_437 : i32
      %broadcast_in_dim3A_448 = vector.broadcast %select_n3A_447 : i32 to vector<16xi32>
      %iota3A_449 = tpu.iota {dimensions = array<i32: 0>} : vector<16xi32>
      %eq3A_450 = arith.cmpi eq, %iota3A_449, %broadcast_in_dim3A_448 : vector<16xi32>
      %convert_element_type3A_451 = arith.extui %eq3A_450 : vector<16xi1> to vector<16xi32>
      %convert_element_type3A_452 = arith.sitofp %convert_element_type3A_451 : vector<16xi32> to vector<16xf32>
      %get3A_453 = arith.constant 0 : i32
      %get3A_454 = arith.index_cast %get3A_453 : i32 to index
      %get3A_455 = arith.index_cast %mul3A_431 : i32 to index
      %get3A_456 = tpu.vector_load %arg10[%get3A_454, %get3A_455] {strides = array<i32>} : memref<1x5008xf32, #tpu.memory_space<vmem>>, vector<16xf32>,
      %add3A_457 = arith.addf %get3A_456, %convert_element_type3A_452 : vector<16xf32>
      %swap3A_458 = arith.constant 0 : i32
      %swap3A_459 = arith.index_cast %swap3A_458 : i32 to index
      %swap3A_460 = arith.index_cast %mul3A_431 : i32 to index
      %swap3A_461 = tpu.vector_load %arg10[%swap3A_459, %swap3A_460] {strides = array<i32>} : memref<1x5008xf32, #tpu.memory_space<vmem>>, vector<16xf32>,
      tpu.vector_store %arg10[%swap3A_459, %swap3A_460], %add3A_457 {strides = array<i32>} : memref<1x5008xf32, #tpu.memory_space<vmem>>, vector<16xf32>,
      %dma_start3A_462 = arith.constant 0 : i32
      %dma_start3A_463 = arith.constant 0 : i32
      %dma_start3A_464 = tpu.memref_slice %arg10[%dma_start3A_462, %dma_start3A_463] : memref<1x5008xf32, #tpu.memory_space<vmem>> -> memref<1x5000xf32, #tpu.memory_space<vmem>>
      %dma_start3A_465 = arith.constant 0 : i32
      %dma_start3A_466 = tpu.memref_slice %arg6[%add3A_405, %dma_start3A_465] : memref<5000x5000xf32, #tpu.memory_space<hbm>> -> memref<1x5000xf32, #tpu.memory_space<hbm>>
      %dma_start3A_467 = arith.constant 0 : i32
      %dma_start3A_468 = tpu.memref_slice %arg6[%add3A_405, %dma_start3A_467] : memref<5000x5000xf32, #tpu.memory_space<hbm>> -> memref<1x5000xf32, #tpu.memory_space<hbm>>
      %dma_start3A_469 = arith.constant 0 : i32
      %dma_start3A_470 = arith.constant 0 : i32
      %dma_start3A_471 = tpu.memref_slice %arg10[%dma_start3A_469, %dma_start3A_470] : memref<1x5008xf32, #tpu.memory_space<vmem>> -> memref<1x5000xf32, #tpu.memory_space<vmem>>
      tpu.enqueue_dma source(%dma_start3A_471 : memref<1x5000xf32, #tpu.memory_space<vmem>>) target(%dma_start3A_468 : memref<1x5000xf32, #tpu.memory_space<hbm>>) target_semaphore(%arg15 : memref<!tpu.dma_semaphore, #tpu.memory_space<semaphore_mem>>)
      %broadcast_in_dim3A_472 = arith.constant 5 : i32
      %broadcast_in_dim3A_473 = vector.broadcast %broadcast_in_dim3A_472 : i32 to vector<16xi32>
      %dma_wait3A_474 = arith.constant 0 : i32
      %dma_wait3A_475 = arith.constant 0 : i32
      %dma_wait3A_476 = tpu.memref_slice %arg11[%dma_wait3A_474, %dma_wait3A_475] : memref<1x5008xf32, #tpu.memory_space<vmem>> -> memref<1x5000xf32, #tpu.memory_space<vmem>>
      %dma_wait3A_477 = arith.constant 0 : i32
      %dma_wait3A_478 = tpu.memref_slice %arg6[%add3A_322, %dma_wait3A_477] : memref<5000x5000xf32, #tpu.memory_space<hbm>> -> memref<1x5000xf32, #tpu.memory_space<hbm>>
      %dma_wait3A_479 = arith.constant 0 : i32
      %dma_wait3A_480 = tpu.memref_slice %arg6[%add3A_322, %dma_wait3A_479] : memref<5000x5000xf32, #tpu.memory_space<hbm>> -> memref<1x5000xf32, #tpu.memory_space<hbm>>
      %dma_wait3A_481 = arith.constant 0 : i32
      %dma_wait3A_482 = arith.constant 0 : i32
      %dma_wait3A_483 = tpu.memref_slice %arg11[%dma_wait3A_481, %dma_wait3A_482] : memref<1x5008xf32, #tpu.memory_space<vmem>> -> memref<1x5000xf32, #tpu.memory_space<vmem>>
      tpu.wait_dma2 semaphore(%arg16 : memref<!tpu.dma_semaphore, #tpu.memory_space<semaphore_mem>>) src(%dma_wait3A_483 : memref<1x5000xf32, #tpu.memory_space<vmem>>) dst(%dma_wait3A_480 : memref<1x5000xf32, #tpu.memory_space<hbm>>)
      %parallel_loop3A_484 = arith.constant 0 : i32
      %parallel_loop3A_485 = arith.constant 5008 : i32
      %parallel_loop3A_486 = arith.constant 16 : i32
      scf.for %parallel_loop3A_741 = %parallel_loop3A_484 to %parallel_loop3A_485 step %parallel_loop3A_486  : i32 {
        %parallel_loop3A_742 = arith.index_cast %parallel_loop3A_741 : i32 to index
        %parallel_loop3A_743 = tpu.vector_load %arg8[%parallel_loop3A_742] {strides = array<i32>} : memref<5120xi32, #tpu.memory_space<vmem>>, vector<16xi32>,
        %parallel_loop3A_744 = tpu.vector_load_idx %arg9[%broadcast_in_dim3A_473, %parallel_loop3A_743] : memref<8x10000xf32, #tpu.memory_space<vmem>>[vector<16xi32>, vector<16xi32>], vector<16xf32>,
        %parallel_loop3A_745 = arith.constant 0.000000e+00 : f32
        %parallel_loop3A_746 = vector.broadcast %parallel_loop3A_745 : f32 to vector<16xf32>
        %parallel_loop3A_747 = arith.cmpf one, %parallel_loop3A_744, %parallel_loop3A_746 : vector<16xf32>
        %parallel_loop3A_748 = arith.extui %parallel_loop3A_747 : vector<16xi1> to vector<16xi32>
        %parallel_loop3A_749 = arith.sitofp %parallel_loop3A_748 : vector<16xi32> to vector<16xf32>
        %parallel_loop3A_750 = arith.constant 0 : i32
        %parallel_loop3A_751 = arith.index_cast %parallel_loop3A_750 : i32 to index
        %parallel_loop3A_752 = arith.index_cast %parallel_loop3A_741 : i32 to index
        %parallel_loop3A_753 = tpu.vector_load %arg11[%parallel_loop3A_751, %parallel_loop3A_752] {strides = array<i32>} : memref<1x5008xf32, #tpu.memory_space<vmem>>, vector<16xf32>,
        tpu.vector_store %arg11[%parallel_loop3A_751, %parallel_loop3A_752], %parallel_loop3A_749 {strides = array<i32>} : memref<1x5008xf32, #tpu.memory_space<vmem>>, vector<16xf32>,
      } {sc.loop_unroll_factor = 4 : i64, sc.parallel_access}
      %add3A_487 = arith.constant 5 : i32
      %add3A_488 = arith.addi %add3A_76, %add3A_487 : i32
      %jit3A_489 = arith.constant 16 : i32
      %div3A_490 = arith.divsi %add3A_488, %jit3A_489 : i32
      %sign3A_491 = arith.constant 0 : i32
      %sign3A_492 = arith.cmpi sgt, %add3A_488, %sign3A_491 : i32
      %sign3A_493 = arith.extui %sign3A_492 : i1 to i32
      %sign3A_494 = arith.constant 0 : i32
      %sign3A_495 = arith.cmpi slt, %add3A_488, %sign3A_494 : i32
      %sign3A_496 = arith.extui %sign3A_495 : i1 to i32
      %sign3A_497 = arith.subi %sign3A_493, %sign3A_496 : i32
      %sign3A_498 = arith.constant 0 : i32
      %sign3A_499 = arith.cmpi sgt, %jit3A_489, %sign3A_498 : i32
      %sign3A_500 = arith.extui %sign3A_499 : i1 to i32
      %sign3A_501 = arith.constant 0 : i32
      %sign3A_502 = arith.cmpi slt, %jit3A_489, %sign3A_501 : i32
      %sign3A_503 = arith.extui %sign3A_502 : i1 to i32
      %sign3A_504 = arith.subi %sign3A_500, %sign3A_503 : i32
      %ne3A_505 = arith.cmpi ne, %sign3A_497, %sign3A_504 : i32
      %rem3A_506 = arith.remsi %add3A_488, %jit3A_489 : i32
      %ne3A_507 = arith.constant 0 : i32
      %ne3A_508 = arith.cmpi ne, %rem3A_506, %ne3A_507 : i32
      %and3A_509 = arith.andi %ne3A_505, %ne3A_508 : i1
      %sub3A_510 = arith.constant 1 : i32
      %sub3A_511 = arith.subi %div3A_490, %sub3A_510 : i32
      %select_n3A_512 = arith.select %and3A_509, %sub3A_511, %div3A_490 : i32
      %mul3A_513 = arith.constant 16 : i32
      %mul3A_514 = arith.muli %select_n3A_512, %mul3A_513 : i32
      %jit3A_515 = arith.constant 16 : i32
      %eq3A_516 = arith.constant 0 : i32
      %eq3A_517 = arith.cmpi eq, %jit3A_515, %eq3A_516 : i32
      %jit3A_518 = arith.constant 1 : i32
      %select_n3A_519 = arith.select %eq3A_517, %jit3A_518, %jit3A_515 : i32
      %rem3A_520 = arith.remsi %add3A_488, %select_n3A_519 : i32
      %ne3A_521 = arith.constant 0 : i32
      %ne3A_522 = arith.cmpi ne, %rem3A_520, %ne3A_521 : i32
      %lt3A_523 = arith.constant 0 : i32
      %lt3A_524 = arith.cmpi slt, %rem3A_520, %lt3A_523 : i32
      %lt3A_525 = arith.constant 0 : i32
      %lt3A_526 = arith.cmpi slt, %select_n3A_519, %lt3A_525 : i32
      %ne3A_527 = arith.xori %lt3A_524, %lt3A_526 : i1
      %and3A_528 = arith.andi %ne3A_527, %ne3A_522 : i1
      %add3A_529 = arith.addi %rem3A_520, %select_n3A_519 : i32
      %select_n3A_530 = arith.select %and3A_528, %add3A_529, %rem3A_520 : i32
      %broadcast_in_dim3A_531 = vector.broadcast %select_n3A_530 : i32 to vector<16xi32>
      %iota3A_532 = tpu.iota {dimensions = array<i32: 0>} : vector<16xi32>
      %eq3A_533 = arith.cmpi eq, %iota3A_532, %broadcast_in_dim3A_531 : vector<16xi32>
      %convert_element_type3A_534 = arith.extui %eq3A_533 : vector<16xi1> to vector<16xi32>
      %convert_element_type3A_535 = arith.sitofp %convert_element_type3A_534 : vector<16xi32> to vector<16xf32>
      %get3A_536 = arith.constant 0 : i32
      %get3A_537 = arith.index_cast %get3A_536 : i32 to index
      %get3A_538 = arith.index_cast %mul3A_514 : i32 to index
      %get3A_539 = tpu.vector_load %arg11[%get3A_537, %get3A_538] {strides = array<i32>} : memref<1x5008xf32, #tpu.memory_space<vmem>>, vector<16xf32>,
      %add3A_540 = arith.addf %get3A_539, %convert_element_type3A_535 : vector<16xf32>
      %swap3A_541 = arith.constant 0 : i32
      %swap3A_542 = arith.index_cast %swap3A_541 : i32 to index
      %swap3A_543 = arith.index_cast %mul3A_514 : i32 to index
      %swap3A_544 = tpu.vector_load %arg11[%swap3A_542, %swap3A_543] {strides = array<i32>} : memref<1x5008xf32, #tpu.memory_space<vmem>>, vector<16xf32>,
      tpu.vector_store %arg11[%swap3A_542, %swap3A_543], %add3A_540 {strides = array<i32>} : memref<1x5008xf32, #tpu.memory_space<vmem>>, vector<16xf32>,
      %dma_start3A_545 = arith.constant 0 : i32
      %dma_start3A_546 = arith.constant 0 : i32
      %dma_start3A_547 = tpu.memref_slice %arg11[%dma_start3A_545, %dma_start3A_546] : memref<1x5008xf32, #tpu.memory_space<vmem>> -> memref<1x5000xf32, #tpu.memory_space<vmem>>
      %dma_start3A_548 = arith.constant 0 : i32
      %dma_start3A_549 = tpu.memref_slice %arg6[%add3A_488, %dma_start3A_548] : memref<5000x5000xf32, #tpu.memory_space<hbm>> -> memref<1x5000xf32, #tpu.memory_space<hbm>>
      %dma_start3A_550 = arith.constant 0 : i32
      %dma_start3A_551 = tpu.memref_slice %arg6[%add3A_488, %dma_start3A_550] : memref<5000x5000xf32, #tpu.memory_space<hbm>> -> memref<1x5000xf32, #tpu.memory_space<hbm>>
      %dma_start3A_552 = arith.constant 0 : i32
      %dma_start3A_553 = arith.constant 0 : i32
      %dma_start3A_554 = tpu.memref_slice %arg11[%dma_start3A_552, %dma_start3A_553] : memref<1x5008xf32, #tpu.memory_space<vmem>> -> memref<1x5000xf32, #tpu.memory_space<vmem>>
      tpu.enqueue_dma source(%dma_start3A_554 : memref<1x5000xf32, #tpu.memory_space<vmem>>) target(%dma_start3A_551 : memref<1x5000xf32, #tpu.memory_space<hbm>>) target_semaphore(%arg16 : memref<!tpu.dma_semaphore, #tpu.memory_space<semaphore_mem>>)
      %broadcast_in_dim3A_555 = arith.constant 6 : i32
      %broadcast_in_dim3A_556 = vector.broadcast %broadcast_in_dim3A_555 : i32 to vector<16xi32>
      %dma_wait3A_557 = arith.constant 0 : i32
      %dma_wait3A_558 = arith.constant 0 : i32
      %dma_wait3A_559 = tpu.memref_slice %arg10[%dma_wait3A_557, %dma_wait3A_558] : memref<1x5008xf32, #tpu.memory_space<vmem>> -> memref<1x5000xf32, #tpu.memory_space<vmem>>
      %dma_wait3A_560 = arith.constant 0 : i32
      %dma_wait3A_561 = tpu.memref_slice %arg6[%add3A_405, %dma_wait3A_560] : memref<5000x5000xf32, #tpu.memory_space<hbm>> -> memref<1x5000xf32, #tpu.memory_space<hbm>>
      %dma_wait3A_562 = arith.constant 0 : i32
      %dma_wait3A_563 = tpu.memref_slice %arg6[%add3A_405, %dma_wait3A_562] : memref<5000x5000xf32, #tpu.memory_space<hbm>> -> memref<1x5000xf32, #tpu.memory_space<hbm>>
      %dma_wait3A_564 = arith.constant 0 : i32
      %dma_wait3A_565 = arith.constant 0 : i32
      %dma_wait3A_566 = tpu.memref_slice %arg10[%dma_wait3A_564, %dma_wait3A_565] : memref<1x5008xf32, #tpu.memory_space<vmem>> -> memref<1x5000xf32, #tpu.memory_space<vmem>>
      tpu.wait_dma2 semaphore(%arg15 : memref<!tpu.dma_semaphore, #tpu.memory_space<semaphore_mem>>) src(%dma_wait3A_566 : memref<1x5000xf32, #tpu.memory_space<vmem>>) dst(%dma_wait3A_563 : memref<1x5000xf32, #tpu.memory_space<hbm>>)
      %parallel_loop3A_567 = arith.constant 0 : i32
      %parallel_loop3A_568 = arith.constant 5008 : i32
      %parallel_loop3A_569 = arith.constant 16 : i32
      scf.for %parallel_loop3A_741 = %parallel_loop3A_567 to %parallel_loop3A_568 step %parallel_loop3A_569  : i32 {
        %parallel_loop3A_742 = arith.index_cast %parallel_loop3A_741 : i32 to index
        %parallel_loop3A_743 = tpu.vector_load %arg8[%parallel_loop3A_742] {strides = array<i32>} : memref<5120xi32, #tpu.memory_space<vmem>>, vector<16xi32>,
        %parallel_loop3A_744 = tpu.vector_load_idx %arg9[%broadcast_in_dim3A_556, %parallel_loop3A_743] : memref<8x10000xf32, #tpu.memory_space<vmem>>[vector<16xi32>, vector<16xi32>], vector<16xf32>,
        %parallel_loop3A_745 = arith.constant 0.000000e+00 : f32
        %parallel_loop3A_746 = vector.broadcast %parallel_loop3A_745 : f32 to vector<16xf32>
        %parallel_loop3A_747 = arith.cmpf one, %parallel_loop3A_744, %parallel_loop3A_746 : vector<16xf32>
        %parallel_loop3A_748 = arith.extui %parallel_loop3A_747 : vector<16xi1> to vector<16xi32>
        %parallel_loop3A_749 = arith.sitofp %parallel_loop3A_748 : vector<16xi32> to vector<16xf32>
        %parallel_loop3A_750 = arith.constant 0 : i32
        %parallel_loop3A_751 = arith.index_cast %parallel_loop3A_750 : i32 to index
        %parallel_loop3A_752 = arith.index_cast %parallel_loop3A_741 : i32 to index
        %parallel_loop3A_753 = tpu.vector_load %arg10[%parallel_loop3A_751, %parallel_loop3A_752] {strides = array<i32>} : memref<1x5008xf32, #tpu.memory_space<vmem>>, vector<16xf32>,
        tpu.vector_store %arg10[%parallel_loop3A_751, %parallel_loop3A_752], %parallel_loop3A_749 {strides = array<i32>} : memref<1x5008xf32, #tpu.memory_space<vmem>>, vector<16xf32>,
      } {sc.loop_unroll_factor = 4 : i64, sc.parallel_access}
      %add3A_570 = arith.constant 6 : i32
      %add3A_571 = arith.addi %add3A_76, %add3A_570 : i32
      %jit3A_572 = arith.constant 16 : i32
      %div3A_573 = arith.divsi %add3A_571, %jit3A_572 : i32
      %sign3A_574 = arith.constant 0 : i32
      %sign3A_575 = arith.cmpi sgt, %add3A_571, %sign3A_574 : i32
      %sign3A_576 = arith.extui %sign3A_575 : i1 to i32
      %sign3A_577 = arith.constant 0 : i32
      %sign3A_578 = arith.cmpi slt, %add3A_571, %sign3A_577 : i32
      %sign3A_579 = arith.extui %sign3A_578 : i1 to i32
      %sign3A_580 = arith.subi %sign3A_576, %sign3A_579 : i32
      %sign3A_581 = arith.constant 0 : i32
      %sign3A_582 = arith.cmpi sgt, %jit3A_572, %sign3A_581 : i32
      %sign3A_583 = arith.extui %sign3A_582 : i1 to i32
      %sign3A_584 = arith.constant 0 : i32
      %sign3A_585 = arith.cmpi slt, %jit3A_572, %sign3A_584 : i32
      %sign3A_586 = arith.extui %sign3A_585 : i1 to i32
      %sign3A_587 = arith.subi %sign3A_583, %sign3A_586 : i32
      %ne3A_588 = arith.cmpi ne, %sign3A_580, %sign3A_587 : i32
      %rem3A_589 = arith.remsi %add3A_571, %jit3A_572 : i32
      %ne3A_590 = arith.constant 0 : i32
      %ne3A_591 = arith.cmpi ne, %rem3A_589, %ne3A_590 : i32
      %and3A_592 = arith.andi %ne3A_588, %ne3A_591 : i1
      %sub3A_593 = arith.constant 1 : i32
      %sub3A_594 = arith.subi %div3A_573, %sub3A_593 : i32
      %select_n3A_595 = arith.select %and3A_592, %sub3A_594, %div3A_573 : i32
      %mul3A_596 = arith.constant 16 : i32
      %mul3A_597 = arith.muli %select_n3A_595, %mul3A_596 : i32
      %jit3A_598 = arith.constant 16 : i32
      %eq3A_599 = arith.constant 0 : i32
      %eq3A_600 = arith.cmpi eq, %jit3A_598, %eq3A_599 : i32
      %jit3A_601 = arith.constant 1 : i32
      %select_n3A_602 = arith.select %eq3A_600, %jit3A_601, %jit3A_598 : i32
      %rem3A_603 = arith.remsi %add3A_571, %select_n3A_602 : i32
      %ne3A_604 = arith.constant 0 : i32
      %ne3A_605 = arith.cmpi ne, %rem3A_603, %ne3A_604 : i32
      %lt3A_606 = arith.constant 0 : i32
      %lt3A_607 = arith.cmpi slt, %rem3A_603, %lt3A_606 : i32
      %lt3A_608 = arith.constant 0 : i32
      %lt3A_609 = arith.cmpi slt, %select_n3A_602, %lt3A_608 : i32
      %ne3A_610 = arith.xori %lt3A_607, %lt3A_609 : i1
      %and3A_611 = arith.andi %ne3A_610, %ne3A_605 : i1
      %add3A_612 = arith.addi %rem3A_603, %select_n3A_602 : i32
      %select_n3A_613 = arith.select %and3A_611, %add3A_612, %rem3A_603 : i32
      %broadcast_in_dim3A_614 = vector.broadcast %select_n3A_613 : i32 to vector<16xi32>
      %iota3A_615 = tpu.iota {dimensions = array<i32: 0>} : vector<16xi32>
      %eq3A_616 = arith.cmpi eq, %iota3A_615, %broadcast_in_dim3A_614 : vector<16xi32>
      %convert_element_type3A_617 = arith.extui %eq3A_616 : vector<16xi1> to vector<16xi32>
      %convert_element_type3A_618 = arith.sitofp %convert_element_type3A_617 : vector<16xi32> to vector<16xf32>
      %get3A_619 = arith.constant 0 : i32
      %get3A_620 = arith.index_cast %get3A_619 : i32 to index
      %get3A_621 = arith.index_cast %mul3A_597 : i32 to index
      %get3A_622 = tpu.vector_load %arg10[%get3A_620, %get3A_621] {strides = array<i32>} : memref<1x5008xf32, #tpu.memory_space<vmem>>, vector<16xf32>,
      %add3A_623 = arith.addf %get3A_622, %convert_element_type3A_618 : vector<16xf32>
      %swap3A_624 = arith.constant 0 : i32
      %swap3A_625 = arith.index_cast %swap3A_624 : i32 to index
      %swap3A_626 = arith.index_cast %mul3A_597 : i32 to index
      %swap3A_627 = tpu.vector_load %arg10[%swap3A_625, %swap3A_626] {strides = array<i32>} : memref<1x5008xf32, #tpu.memory_space<vmem>>, vector<16xf32>,
      tpu.vector_store %arg10[%swap3A_625, %swap3A_626], %add3A_623 {strides = array<i32>} : memref<1x5008xf32, #tpu.memory_space<vmem>>, vector<16xf32>,
      %dma_start3A_628 = arith.constant 0 : i32
      %dma_start3A_629 = arith.constant 0 : i32
      %dma_start3A_630 = tpu.memref_slice %arg10[%dma_start3A_628, %dma_start3A_629] : memref<1x5008xf32, #tpu.memory_space<vmem>> -> memref<1x5000xf32, #tpu.memory_space<vmem>>
      %dma_start3A_631 = arith.constant 0 : i32
      %dma_start3A_632 = tpu.memref_slice %arg6[%add3A_571, %dma_start3A_631] : memref<5000x5000xf32, #tpu.memory_space<hbm>> -> memref<1x5000xf32, #tpu.memory_space<hbm>>
      %dma_start3A_633 = arith.constant 0 : i32
      %dma_start3A_634 = tpu.memref_slice %arg6[%add3A_571, %dma_start3A_633] : memref<5000x5000xf32, #tpu.memory_space<hbm>> -> memref<1x5000xf32, #tpu.memory_space<hbm>>
      %dma_start3A_635 = arith.constant 0 : i32
      %dma_start3A_636 = arith.constant 0 : i32
      %dma_start3A_637 = tpu.memref_slice %arg10[%dma_start3A_635, %dma_start3A_636] : memref<1x5008xf32, #tpu.memory_space<vmem>> -> memref<1x5000xf32, #tpu.memory_space<vmem>>
      tpu.enqueue_dma source(%dma_start3A_637 : memref<1x5000xf32, #tpu.memory_space<vmem>>) target(%dma_start3A_634 : memref<1x5000xf32, #tpu.memory_space<hbm>>) target_semaphore(%arg15 : memref<!tpu.dma_semaphore, #tpu.memory_space<semaphore_mem>>)
      %broadcast_in_dim3A_638 = arith.constant 7 : i32
      %broadcast_in_dim3A_639 = vector.broadcast %broadcast_in_dim3A_638 : i32 to vector<16xi32>
      %dma_wait3A_640 = arith.constant 0 : i32
      %dma_wait3A_641 = arith.constant 0 : i32
      %dma_wait3A_642 = tpu.memref_slice %arg11[%dma_wait3A_640, %dma_wait3A_641] : memref<1x5008xf32, #tpu.memory_space<vmem>> -> memref<1x5000xf32, #tpu.memory_space<vmem>>
      %dma_wait3A_643 = arith.constant 0 : i32
      %dma_wait3A_644 = tpu.memref_slice %arg6[%add3A_488, %dma_wait3A_643] : memref<5000x5000xf32, #tpu.memory_space<hbm>> -> memref<1x5000xf32, #tpu.memory_space<hbm>>
      %dma_wait3A_645 = arith.constant 0 : i32
      %dma_wait3A_646 = tpu.memref_slice %arg6[%add3A_488, %dma_wait3A_645] : memref<5000x5000xf32, #tpu.memory_space<hbm>> -> memref<1x5000xf32, #tpu.memory_space<hbm>>
      %dma_wait3A_647 = arith.constant 0 : i32
      %dma_wait3A_648 = arith.constant 0 : i32
      %dma_wait3A_649 = tpu.memref_slice %arg11[%dma_wait3A_647, %dma_wait3A_648] : memref<1x5008xf32, #tpu.memory_space<vmem>> -> memref<1x5000xf32, #tpu.memory_space<vmem>>
      tpu.wait_dma2 semaphore(%arg16 : memref<!tpu.dma_semaphore, #tpu.memory_space<semaphore_mem>>) src(%dma_wait3A_649 : memref<1x5000xf32, #tpu.memory_space<vmem>>) dst(%dma_wait3A_646 : memref<1x5000xf32, #tpu.memory_space<hbm>>)
      %parallel_loop3A_650 = arith.constant 0 : i32
      %parallel_loop3A_651 = arith.constant 5008 : i32
      %parallel_loop3A_652 = arith.constant 16 : i32
      scf.for %parallel_loop3A_741 = %parallel_loop3A_650 to %parallel_loop3A_651 step %parallel_loop3A_652  : i32 {
        %parallel_loop3A_742 = arith.index_cast %parallel_loop3A_741 : i32 to index
        %parallel_loop3A_743 = tpu.vector_load %arg8[%parallel_loop3A_742] {strides = array<i32>} : memref<5120xi32, #tpu.memory_space<vmem>>, vector<16xi32>,
        %parallel_loop3A_744 = tpu.vector_load_idx %arg9[%broadcast_in_dim3A_639, %parallel_loop3A_743] : memref<8x10000xf32, #tpu.memory_space<vmem>>[vector<16xi32>, vector<16xi32>], vector<16xf32>,
        %parallel_loop3A_745 = arith.constant 0.000000e+00 : f32
        %parallel_loop3A_746 = vector.broadcast %parallel_loop3A_745 : f32 to vector<16xf32>
        %parallel_loop3A_747 = arith.cmpf one, %parallel_loop3A_744, %parallel_loop3A_746 : vector<16xf32>
        %parallel_loop3A_748 = arith.extui %parallel_loop3A_747 : vector<16xi1> to vector<16xi32>
        %parallel_loop3A_749 = arith.sitofp %parallel_loop3A_748 : vector<16xi32> to vector<16xf32>
        %parallel_loop3A_750 = arith.constant 0 : i32
        %parallel_loop3A_751 = arith.index_cast %parallel_loop3A_750 : i32 to index
        %parallel_loop3A_752 = arith.index_cast %parallel_loop3A_741 : i32 to index
        %parallel_loop3A_753 = tpu.vector_load %arg11[%parallel_loop3A_751, %parallel_loop3A_752] {strides = array<i32>} : memref<1x5008xf32, #tpu.memory_space<vmem>>, vector<16xf32>,
        tpu.vector_store %arg11[%parallel_loop3A_751, %parallel_loop3A_752], %parallel_loop3A_749 {strides = array<i32>} : memref<1x5008xf32, #tpu.memory_space<vmem>>, vector<16xf32>,
      } {sc.loop_unroll_factor = 4 : i64, sc.parallel_access}
      %add3A_653 = arith.constant 7 : i32
      %add3A_654 = arith.addi %add3A_76, %add3A_653 : i32
      %jit3A_655 = arith.constant 16 : i32
      %div3A_656 = arith.divsi %add3A_654, %jit3A_655 : i32
      %sign3A_657 = arith.constant 0 : i32
      %sign3A_658 = arith.cmpi sgt, %add3A_654, %sign3A_657 : i32
      %sign3A_659 = arith.extui %sign3A_658 : i1 to i32
      %sign3A_660 = arith.constant 0 : i32
      %sign3A_661 = arith.cmpi slt, %add3A_654, %sign3A_660 : i32
      %sign3A_662 = arith.extui %sign3A_661 : i1 to i32
      %sign3A_663 = arith.subi %sign3A_659, %sign3A_662 : i32
      %sign3A_664 = arith.constant 0 : i32
      %sign3A_665 = arith.cmpi sgt, %jit3A_655, %sign3A_664 : i32
      %sign3A_666 = arith.extui %sign3A_665 : i1 to i32
      %sign3A_667 = arith.constant 0 : i32
      %sign3A_668 = arith.cmpi slt, %jit3A_655, %sign3A_667 : i32
      %sign3A_669 = arith.extui %sign3A_668 : i1 to i32
      %sign3A_670 = arith.subi %sign3A_666, %sign3A_669 : i32
      %ne3A_671 = arith.cmpi ne, %sign3A_663, %sign3A_670 : i32
      %rem3A_672 = arith.remsi %add3A_654, %jit3A_655 : i32
      %ne3A_673 = arith.constant 0 : i32
      %ne3A_674 = arith.cmpi ne, %rem3A_672, %ne3A_673 : i32
      %and3A_675 = arith.andi %ne3A_671, %ne3A_674 : i1
      %sub3A_676 = arith.constant 1 : i32
      %sub3A_677 = arith.subi %div3A_656, %sub3A_676 : i32
      %select_n3A_678 = arith.select %and3A_675, %sub3A_677, %div3A_656 : i32
      %mul3A_679 = arith.constant 16 : i32
      %mul3A_680 = arith.muli %select_n3A_678, %mul3A_679 : i32
      %jit3A_681 = arith.constant 16 : i32
      %eq3A_682 = arith.constant 0 : i32
      %eq3A_683 = arith.cmpi eq, %jit3A_681, %eq3A_682 : i32
      %jit3A_684 = arith.constant 1 : i32
      %select_n3A_685 = arith.select %eq3A_683, %jit3A_684, %jit3A_681 : i32
      %rem3A_686 = arith.remsi %add3A_654, %select_n3A_685 : i32
      %ne3A_687 = arith.constant 0 : i32
      %ne3A_688 = arith.cmpi ne, %rem3A_686, %ne3A_687 : i32
      %lt3A_689 = arith.constant 0 : i32
      %lt3A_690 = arith.cmpi slt, %rem3A_686, %lt3A_689 : i32
      %lt3A_691 = arith.constant 0 : i32
      %lt3A_692 = arith.cmpi slt, %select_n3A_685, %lt3A_691 : i32
      %ne3A_693 = arith.xori %lt3A_690, %lt3A_692 : i1
      %and3A_694 = arith.andi %ne3A_693, %ne3A_688 : i1
      %add3A_695 = arith.addi %rem3A_686, %select_n3A_685 : i32
      %select_n3A_696 = arith.select %and3A_694, %add3A_695, %rem3A_686 : i32
      %broadcast_in_dim3A_697 = vector.broadcast %select_n3A_696 : i32 to vector<16xi32>
      %iota3A_698 = tpu.iota {dimensions = array<i32: 0>} : vector<16xi32>
      %eq3A_699 = arith.cmpi eq, %iota3A_698, %broadcast_in_dim3A_697 : vector<16xi32>
      %convert_element_type3A_700 = arith.extui %eq3A_699 : vector<16xi1> to vector<16xi32>
      %convert_element_type3A_701 = arith.sitofp %convert_element_type3A_700 : vector<16xi32> to vector<16xf32>
      %get3A_702 = arith.constant 0 : i32
      %get3A_703 = arith.index_cast %get3A_702 : i32 to index
      %get3A_704 = arith.index_cast %mul3A_680 : i32 to index
      %get3A_705 = tpu.vector_load %arg11[%get3A_703, %get3A_704] {strides = array<i32>} : memref<1x5008xf32, #tpu.memory_space<vmem>>, vector<16xf32>,
      %add3A_706 = arith.addf %get3A_705, %convert_element_type3A_701 : vector<16xf32>
      %swap3A_707 = arith.constant 0 : i32
      %swap3A_708 = arith.index_cast %swap3A_707 : i32 to index
      %swap3A_709 = arith.index_cast %mul3A_680 : i32 to index
      %swap3A_710 = tpu.vector_load %arg11[%swap3A_708, %swap3A_709] {strides = array<i32>} : memref<1x5008xf32, #tpu.memory_space<vmem>>, vector<16xf32>,
      tpu.vector_store %arg11[%swap3A_708, %swap3A_709], %add3A_706 {strides = array<i32>} : memref<1x5008xf32, #tpu.memory_space<vmem>>, vector<16xf32>,
      %dma_start3A_711 = arith.constant 0 : i32
      %dma_start3A_712 = arith.constant 0 : i32
      %dma_start3A_713 = tpu.memref_slice %arg11[%dma_start3A_711, %dma_start3A_712] : memref<1x5008xf32, #tpu.memory_space<vmem>> -> memref<1x5000xf32, #tpu.memory_space<vmem>>
      %dma_start3A_714 = arith.constant 0 : i32
      %dma_start3A_715 = tpu.memref_slice %arg6[%add3A_654, %dma_start3A_714] : memref<5000x5000xf32, #tpu.memory_space<hbm>> -> memref<1x5000xf32, #tpu.memory_space<hbm>>
      %dma_start3A_716 = arith.constant 0 : i32
      %dma_start3A_717 = tpu.memref_slice %arg6[%add3A_654, %dma_start3A_716] : memref<5000x5000xf32, #tpu.memory_space<hbm>> -> memref<1x5000xf32, #tpu.memory_space<hbm>>
      %dma_start3A_718 = arith.constant 0 : i32
      %dma_start3A_719 = arith.constant 0 : i32
      %dma_start3A_720 = tpu.memref_slice %arg11[%dma_start3A_718, %dma_start3A_719] : memref<1x5008xf32, #tpu.memory_space<vmem>> -> memref<1x5000xf32, #tpu.memory_space<vmem>>
      tpu.enqueue_dma source(%dma_start3A_720 : memref<1x5000xf32, #tpu.memory_space<vmem>>) target(%dma_start3A_717 : memref<1x5000xf32, #tpu.memory_space<hbm>>) target_semaphore(%arg16 : memref<!tpu.dma_semaphore, #tpu.memory_space<semaphore_mem>>)
      %dma_wait3A_721 = arith.constant 0 : i32
      %dma_wait3A_722 = arith.constant 0 : i32
      %dma_wait3A_723 = tpu.memref_slice %arg10[%dma_wait3A_721, %dma_wait3A_722] : memref<1x5008xf32, #tpu.memory_space<vmem>> -> memref<1x5000xf32, #tpu.memory_space<vmem>>
      %dma_wait3A_724 = arith.constant 0 : i32
      %dma_wait3A_725 = tpu.memref_slice %arg6[%add3A_571, %dma_wait3A_724] : memref<5000x5000xf32, #tpu.memory_space<hbm>> -> memref<1x5000xf32, #tpu.memory_space<hbm>>
      %dma_wait3A_726 = arith.constant 0 : i32
      %dma_wait3A_727 = tpu.memref_slice %arg6[%add3A_571, %dma_wait3A_726] : memref<5000x5000xf32, #tpu.memory_space<hbm>> -> memref<1x5000xf32, #tpu.memory_space<hbm>>
      %dma_wait3A_728 = arith.constant 0 : i32
      %dma_wait3A_729 = arith.constant 0 : i32
      %dma_wait3A_730 = tpu.memref_slice %arg10[%dma_wait3A_728, %dma_wait3A_729] : memref<1x5008xf32, #tpu.memory_space<vmem>> -> memref<1x5000xf32, #tpu.memory_space<vmem>>
      tpu.wait_dma2 semaphore(%arg15 : memref<!tpu.dma_semaphore, #tpu.memory_space<semaphore_mem>>) src(%dma_wait3A_730 : memref<1x5000xf32, #tpu.memory_space<vmem>>) dst(%dma_wait3A_727 : memref<1x5000xf32, #tpu.memory_space<hbm>>)
      %dma_wait3A_731 = arith.constant 0 : i32
      %dma_wait3A_732 = arith.constant 0 : i32
      %dma_wait3A_733 = tpu.memref_slice %arg11[%dma_wait3A_731, %dma_wait3A_732] : memref<1x5008xf32, #tpu.memory_space<vmem>> -> memref<1x5000xf32, #tpu.memory_space<vmem>>
      %dma_wait3A_734 = arith.constant 0 : i32
      %dma_wait3A_735 = tpu.memref_slice %arg6[%add3A_654, %dma_wait3A_734] : memref<5000x5000xf32, #tpu.memory_space<hbm>> -> memref<1x5000xf32, #tpu.memory_space<hbm>>
      %dma_wait3A_736 = arith.constant 0 : i32
      %dma_wait3A_737 = tpu.memref_slice %arg6[%add3A_654, %dma_wait3A_736] : memref<5000x5000xf32, #tpu.memory_space<hbm>> -> memref<1x5000xf32, #tpu.memory_space<hbm>>
      %dma_wait3A_738 = arith.constant 0 : i32
      %dma_wait3A_739 = arith.constant 0 : i32
      %dma_wait3A_740 = tpu.memref_slice %arg11[%dma_wait3A_738, %dma_wait3A_739] : memref<1x5008xf32, #tpu.memory_space<vmem>> -> memref<1x5000xf32, #tpu.memory_space<vmem>>
      tpu.wait_dma2 semaphore(%arg16 : memref<!tpu.dma_semaphore, #tpu.memory_space<semaphore_mem>>) src(%dma_wait3A_740 : memref<1x5000xf32, #tpu.memory_space<vmem>>) dst(%dma_wait3A_737 : memref<1x5000xf32, #tpu.memory_space<hbm>>)
    }
    %while3A_72 = arith.constant 1 : i32
    scf.for %while3A_73 = %while3A_70 to %while3A_66 step %while3A_72  : i32 {
      %mul3A_74 = arith.constant 8 : i32
      %mul3A_75 = arith.muli %while3A_73, %mul3A_74 : i32
      %add3A_76 = arith.addi %mul3A_2, %mul3A_75 : i32
      %dma_start3A_77 = tpu.memref_slice %arg8[%add3A_76] : memref<5120xi32, #tpu.memory_space<vmem>> -> memref<8xi32, #tpu.memory_space<vmem>>
      %dma_start3A_78 = arith.constant 0 : i32
      %dma_start3A_79 = arith.constant 0 : i32
      %dma_start3A_80 = tpu.memref_slice %arg2[%dma_start3A_78, %dma_start3A_79] : memref<10000x10000xf32, #tpu.memory_space<hbm>> -> memref<10000x10000xf32, #tpu.memory_space<hbm>>
      tpu.enqueue_indirect_dma source(%dma_start3A_80 : memref<10000x10000xf32, #tpu.memory_space<hbm>>) target(%arg9 : memref<8x10000xf32, #tpu.memory_space<vmem>>) offsets(%dma_start3A_77 : memref<8xi32, #tpu.memory_space<vmem>>) semaphore(%arg14 : memref<!tpu.dma_semaphore, #tpu.memory_space<semaphore_mem>>)
      %dma_wait3A_81 = tpu.memref_slice %arg8[%add3A_76] : memref<5120xi32, #tpu.memory_space<vmem>> -> memref<8xi32, #tpu.memory_space<vmem>>
      %dma_wait3A_82 = arith.constant 0 : i32
      %dma_wait3A_83 = arith.constant 0 : i32
      %dma_wait3A_84 = tpu.memref_slice %arg2[%dma_wait3A_82, %dma_wait3A_83] : memref<10000x10000xf32, #tpu.memory_space<hbm>> -> memref<10000x10000xf32, #tpu.memory_space<hbm>>
      tpu.wait_indirect_dma semaphore(%arg14 : memref<!tpu.dma_semaphore, #tpu.memory_space<semaphore_mem>>) src(%dma_wait3A_84 : memref<10000x10000xf32, #tpu.memory_space<hbm>>) dst(%arg9 : memref<8x10000xf32, #tpu.memory_space<vmem>>)
      %broadcast_in_dim3A = arith.constant 0 : i32
      %broadcast_in_dim3A_85 = vector.broadcast %broadcast_in_dim3A : i32 to vector<16xi32>
      %parallel_loop3A = arith.constant 0 : i32
      %parallel_loop3A_86 = arith.constant 5008 : i32
      %parallel_loop3A_87 = arith.constant 16 : i32
      scf.for %parallel_loop3A_741 = %parallel_loop3A to %parallel_loop3A_86 step %parallel_loop3A_87  : i32 {
        %parallel_loop3A_742 = arith.index_cast %parallel_loop3A_741 : i32 to index
        %parallel_loop3A_743 = tpu.vector_load %arg8[%parallel_loop3A_742] {strides = array<i32>} : memref<5120xi32, #tpu.memory_space<vmem>>, vector<16xi32>,
        %parallel_loop3A_744 = tpu.vector_load_idx %arg9[%broadcast_in_dim3A_85, %parallel_loop3A_743] : memref<8x10000xf32, #tpu.memory_space<vmem>>[vector<16xi32>, vector<16xi32>], vector<16xf32>,
        %parallel_loop3A_745 = arith.constant 0.000000e+00 : f32
        %parallel_loop3A_746 = vector.broadcast %parallel_loop3A_745 : f32 to vector<16xf32>
        %parallel_loop3A_747 = arith.cmpf one, %parallel_loop3A_744, %parallel_loop3A_746 : vector<16xf32>
        %parallel_loop3A_748 = arith.extui %parallel_loop3A_747 : vector<16xi1> to vector<16xi32>
        %parallel_loop3A_749 = arith.sitofp %parallel_loop3A_748 : vector<16xi32> to vector<16xf32>
        %parallel_loop3A_750 = arith.constant 0 : i32
        %parallel_loop3A_751 = arith.index_cast %parallel_loop3A_750 : i32 to index
        %parallel_loop3A_752 = arith.index_cast %parallel_loop3A_741 : i32 to index
        %parallel_loop3A_753 = tpu.vector_load %arg10[%parallel_loop3A_751, %parallel_loop3A_752] {strides = array<i32>} : memref<1x5008xf32, #tpu.memory_space<vmem>>, vector<16xf32>,
        tpu.vector_store %arg10[%parallel_loop3A_751, %parallel_loop3A_752], %parallel_loop3A_749 {strides = array<i32>} : memref<1x5008xf32, #tpu.memory_space<vmem>>, vector<16xf32>,
      } {sc.loop_unroll_factor = 4 : i64, sc.parallel_access}
      %add3A_88 = arith.constant 0 : i32
      %add3A_89 = arith.addi %add3A_76, %add3A_88 : i32
      %jit3A_90 = arith.constant 16 : i32
      %div3A_91 = arith.divsi %add3A_89, %jit3A_90 : i32
      %sign3A_92 = arith.constant 0 : i32
      %sign3A_93 = arith.cmpi sgt, %add3A_89, %sign3A_92 : i32
      %sign3A_94 = arith.extui %sign3A_93 : i1 to i32
      %sign3A_95 = arith.constant 0 : i32
      %sign3A_96 = arith.cmpi slt, %add3A_89, %sign3A_95 : i32
      %sign3A_97 = arith.extui %sign3A_96 : i1 to i32
      %sign3A_98 = arith.subi %sign3A_94, %sign3A_97 : i32
      %sign3A_99 = arith.constant 0 : i32
      %sign3A_100 = arith.cmpi sgt, %jit3A_90, %sign3A_99 : i32
      %sign3A_101 = arith.extui %sign3A_100 : i1 to i32
      %sign3A_102 = arith.constant 0 : i32
      %sign3A_103 = arith.cmpi slt, %jit3A_90, %sign3A_102 : i32
      %sign3A_104 = arith.extui %sign3A_103 : i1 to i32
      %sign3A_105 = arith.subi %sign3A_101, %sign3A_104 : i32
      %ne3A_106 = arith.cmpi ne, %sign3A_98, %sign3A_105 : i32
      %rem3A_107 = arith.remsi %add3A_89, %jit3A_90 : i32
      %ne3A_108 = arith.constant 0 : i32
      %ne3A_109 = arith.cmpi ne, %rem3A_107, %ne3A_108 : i32
      %and3A_110 = arith.andi %ne3A_106, %ne3A_109 : i1
      %sub3A_111 = arith.constant 1 : i32
      %sub3A_112 = arith.subi %div3A_91, %sub3A_111 : i32
      %select_n3A_113 = arith.select %and3A_110, %sub3A_112, %div3A_91 : i32
      %mul3A_114 = arith.constant 16 : i32
      %mul3A_115 = arith.muli %select_n3A_113, %mul3A_114 : i32
      %jit3A_116 = arith.constant 16 : i32
      %eq3A = arith.constant 0 : i32
      %eq3A_117 = arith.cmpi eq, %jit3A_116, %eq3A : i32
      %jit3A_118 = arith.constant 1 : i32
      %select_n3A_119 = arith.select %eq3A_117, %jit3A_118, %jit3A_116 : i32
      %rem3A_120 = arith.remsi %add3A_89, %select_n3A_119 : i32
      %ne3A_121 = arith.constant 0 : i32
      %ne3A_122 = arith.cmpi ne, %rem3A_120, %ne3A_121 : i32
      %lt3A = arith.constant 0 : i32
      %lt3A_123 = arith.cmpi slt, %rem3A_120, %lt3A : i32
      %lt3A_124 = arith.constant 0 : i32
      %lt3A_125 = arith.cmpi slt, %select_n3A_119, %lt3A_124 : i32
      %ne3A_126 = arith.xori %lt3A_123, %lt3A_125 : i1
      %and3A_127 = arith.andi %ne3A_126, %ne3A_122 : i1
      %add3A_128 = arith.addi %rem3A_120, %select_n3A_119 : i32
      %select_n3A_129 = arith.select %and3A_127, %add3A_128, %rem3A_120 : i32
      %broadcast_in_dim3A_130 = vector.broadcast %select_n3A_129 : i32 to vector<16xi32>
      %iota3A = tpu.iota {dimensions = array<i32: 0>} : vector<16xi32>
      %eq3A_131 = arith.cmpi eq, %iota3A, %broadcast_in_dim3A_130 : vector<16xi32>
      %convert_element_type3A = arith.extui %eq3A_131 : vector<16xi1> to vector<16xi32>
      %convert_element_type3A_132 = arith.sitofp %convert_element_type3A : vector<16xi32> to vector<16xf32>
      %get3A = arith.constant 0 : i32
      %get3A_133 = arith.index_cast %get3A : i32 to index
      %get3A_134 = arith.index_cast %mul3A_115 : i32 to index
      %get3A_135 = tpu.vector_load %arg10[%get3A_133, %get3A_134] {strides = array<i32>} : memref<1x5008xf32, #tpu.memory_space<vmem>>, vector<16xf32>,
      %add3A_136 = arith.addf %get3A_135, %convert_element_type3A_132 : vector<16xf32>
      %swap3A = arith.constant 0 : i32
      %swap3A_137 = arith.index_cast %swap3A : i32 to index
      %swap3A_138 = arith.index_cast %mul3A_115 : i32 to index
      %swap3A_139 = tpu.vector_load %arg10[%swap3A_137, %swap3A_138] {strides = array<i32>} : memref<1x5008xf32, #tpu.memory_space<vmem>>, vector<16xf32>,
      tpu.vector_store %arg10[%swap3A_137, %swap3A_138], %add3A_136 {strides = array<i32>} : memref<1x5008xf32, #tpu.memory_space<vmem>>, vector<16xf32>,
      %dma_start3A_140 = arith.constant 0 : i32
      %dma_start3A_141 = arith.constant 0 : i32
      %dma_start3A_142 = tpu.memref_slice %arg10[%dma_start3A_140, %dma_start3A_141] : memref<1x5008xf32, #tpu.memory_space<vmem>> -> memref<1x5000xf32, #tpu.memory_space<vmem>>
      %dma_start3A_143 = arith.constant 0 : i32
      %dma_start3A_144 = tpu.memref_slice %arg6[%add3A_89, %dma_start3A_143] : memref<5000x5000xf32, #tpu.memory_space<hbm>> -> memref<1x5000xf32, #tpu.memory_space<hbm>>
      %dma_start3A_145 = arith.constant 0 : i32
      %dma_start3A_146 = tpu.memref_slice %arg6[%add3A_89, %dma_start3A_145] : memref<5000x5000xf32, #tpu.memory_space<hbm>> -> memref<1x5000xf32, #tpu.memory_space<hbm>>
      %dma_start3A_147 = arith.constant 0 : i32
      %dma_start3A_148 = arith.constant 0 : i32
      %dma_start3A_149 = tpu.memref_slice %arg10[%dma_start3A_147, %dma_start3A_148] : memref<1x5008xf32, #tpu.memory_space<vmem>> -> memref<1x5000xf32, #tpu.memory_space<vmem>>
      tpu.enqueue_dma source(%dma_start3A_149 : memref<1x5000xf32, #tpu.memory_space<vmem>>) target(%dma_start3A_146 : memref<1x5000xf32, #tpu.memory_space<hbm>>) target_semaphore(%arg15 : memref<!tpu.dma_semaphore, #tpu.memory_space<semaphore_mem>>)
      %broadcast_in_dim3A_150 = arith.constant 1 : i32
      %broadcast_in_dim3A_151 = vector.broadcast %broadcast_in_dim3A_150 : i32 to vector<16xi32>
      %parallel_loop3A_152 = arith.constant 0 : i32
      %parallel_loop3A_153 = arith.constant 5008 : i32
      %parallel_loop3A_154 = arith.constant 16 : i32
      scf.for %parallel_loop3A_741 = %parallel_loop3A_152 to %parallel_loop3A_153 step %parallel_loop3A_154  : i32 {
        %parallel_loop3A_742 = arith.index_cast %parallel_loop3A_741 : i32 to index
        %parallel_loop3A_743 = tpu.vector_load %arg8[%parallel_loop3A_742] {strides = array<i32>} : memref<5120xi32, #tpu.memory_space<vmem>>, vector<16xi32>,
        %parallel_loop3A_744 = tpu.vector_load_idx %arg9[%broadcast_in_dim3A_151, %parallel_loop3A_743] : memref<8x10000xf32, #tpu.memory_space<vmem>>[vector<16xi32>, vector<16xi32>], vector<16xf32>,
        %parallel_loop3A_745 = arith.constant 0.000000e+00 : f32
        %parallel_loop3A_746 = vector.broadcast %parallel_loop3A_745 : f32 to vector<16xf32>
        %parallel_loop3A_747 = arith.cmpf one, %parallel_loop3A_744, %parallel_loop3A_746 : vector<16xf32>
        %parallel_loop3A_748 = arith.extui %parallel_loop3A_747 : vector<16xi1> to vector<16xi32>
        %parallel_loop3A_749 = arith.sitofp %parallel_loop3A_748 : vector<16xi32> to vector<16xf32>
        %parallel_loop3A_750 = arith.constant 0 : i32
        %parallel_loop3A_751 = arith.index_cast %parallel_loop3A_750 : i32 to index
        %parallel_loop3A_752 = arith.index_cast %parallel_loop3A_741 : i32 to index
        %parallel_loop3A_753 = tpu.vector_load %arg11[%parallel_loop3A_751, %parallel_loop3A_752] {strides = array<i32>} : memref<1x5008xf32, #tpu.memory_space<vmem>>, vector<16xf32>,
        tpu.vector_store %arg11[%parallel_loop3A_751, %parallel_loop3A_752], %parallel_loop3A_749 {strides = array<i32>} : memref<1x5008xf32, #tpu.memory_space<vmem>>, vector<16xf32>,
      } {sc.loop_unroll_factor = 4 : i64, sc.parallel_access}
      %add3A_155 = arith.constant 1 : i32
      %add3A_156 = arith.addi %add3A_76, %add3A_155 : i32
      %jit3A_157 = arith.constant 16 : i32
      %div3A_158 = arith.divsi %add3A_156, %jit3A_157 : i32
      %sign3A_159 = arith.constant 0 : i32
      %sign3A_160 = arith.cmpi sgt, %add3A_156, %sign3A_159 : i32
      %sign3A_161 = arith.extui %sign3A_160 : i1 to i32
      %sign3A_162 = arith.constant 0 : i32
      %sign3A_163 = arith.cmpi slt, %add3A_156, %sign3A_162 : i32
      %sign3A_164 = arith.extui %sign3A_163 : i1 to i32
      %sign3A_165 = arith.subi %sign3A_161, %sign3A_164 : i32
      %sign3A_166 = arith.constant 0 : i32
      %sign3A_167 = arith.cmpi sgt, %jit3A_157, %sign3A_166 : i32
      %sign3A_168 = arith.extui %sign3A_167 : i1 to i32
      %sign3A_169 = arith.constant 0 : i32
      %sign3A_170 = arith.cmpi slt, %jit3A_157, %sign3A_169 : i32
      %sign3A_171 = arith.extui %sign3A_170 : i1 to i32
      %sign3A_172 = arith.subi %sign3A_168, %sign3A_171 : i32
      %ne3A_173 = arith.cmpi ne, %sign3A_165, %sign3A_172 : i32
      %rem3A_174 = arith.remsi %add3A_156, %jit3A_157 : i32
      %ne3A_175 = arith.constant 0 : i32
      %ne3A_176 = arith.cmpi ne, %rem3A_174, %ne3A_175 : i32
      %and3A_177 = arith.andi %ne3A_173, %ne3A_176 : i1
      %sub3A_178 = arith.constant 1 : i32
      %sub3A_179 = arith.subi %div3A_158, %sub3A_178 : i32
      %select_n3A_180 = arith.select %and3A_177, %sub3A_179, %div3A_158 : i32
      %mul3A_181 = arith.constant 16 : i32
      %mul3A_182 = arith.muli %select_n3A_180, %mul3A_181 : i32
      %jit3A_183 = arith.constant 16 : i32
      %eq3A_184 = arith.constant 0 : i32
      %eq3A_185 = arith.cmpi eq, %jit3A_183, %eq3A_184 : i32
      %jit3A_186 = arith.constant 1 : i32
      %select_n3A_187 = arith.select %eq3A_185, %jit3A_186, %jit3A_183 : i32
      %rem3A_188 = arith.remsi %add3A_156, %select_n3A_187 : i32
      %ne3A_189 = arith.constant 0 : i32
      %ne3A_190 = arith.cmpi ne, %rem3A_188, %ne3A_189 : i32
      %lt3A_191 = arith.constant 0 : i32
      %lt3A_192 = arith.cmpi slt, %rem3A_188, %lt3A_191 : i32
      %lt3A_193 = arith.constant 0 : i32
      %lt3A_194 = arith.cmpi slt, %select_n3A_187, %lt3A_193 : i32
      %ne3A_195 = arith.xori %lt3A_192, %lt3A_194 : i1
      %and3A_196 = arith.andi %ne3A_195, %ne3A_190 : i1
      %add3A_197 = arith.addi %rem3A_188, %select_n3A_187 : i32
      %select_n3A_198 = arith.select %and3A_196, %add3A_197, %rem3A_188 : i32
      %broadcast_in_dim3A_199 = vector.broadcast %select_n3A_198 : i32 to vector<16xi32>
      %iota3A_200 = tpu.iota {dimensions = array<i32: 0>} : vector<16xi32>
      %eq3A_201 = arith.cmpi eq, %iota3A_200, %broadcast_in_dim3A_199 : vector<16xi32>
      %convert_element_type3A_202 = arith.extui %eq3A_201 : vector<16xi1> to vector<16xi32>
      %convert_element_type3A_203 = arith.sitofp %convert_element_type3A_202 : vector<16xi32> to vector<16xf32>
      %get3A_204 = arith.constant 0 : i32
      %get3A_205 = arith.index_cast %get3A_204 : i32 to index
      %get3A_206 = arith.index_cast %mul3A_182 : i32 to index
      %get3A_207 = tpu.vector_load %arg11[%get3A_205, %get3A_206] {strides = array<i32>} : memref<1x5008xf32, #tpu.memory_space<vmem>>, vector<16xf32>,
      %add3A_208 = arith.addf %get3A_207, %convert_element_type3A_203 : vector<16xf32>
      %swap3A_209 = arith.constant 0 : i32
      %swap3A_210 = arith.index_cast %swap3A_209 : i32 to index
      %swap3A_211 = arith.index_cast %mul3A_182 : i32 to index
      %swap3A_212 = tpu.vector_load %arg11[%swap3A_210, %swap3A_211] {strides = array<i32>} : memref<1x5008xf32, #tpu.memory_space<vmem>>, vector<16xf32>,
      tpu.vector_store %arg11[%swap3A_210, %swap3A_211], %add3A_208 {strides = array<i32>} : memref<1x5008xf32, #tpu.memory_space<vmem>>, vector<16xf32>,
      %dma_start3A_213 = arith.constant 0 : i32
      %dma_start3A_214 = arith.constant 0 : i32
      %dma_start3A_215 = tpu.memref_slice %arg11[%dma_start3A_213, %dma_start3A_214] : memref<1x5008xf32, #tpu.memory_space<vmem>> -> memref<1x5000xf32, #tpu.memory_space<vmem>>
      %dma_start3A_216 = arith.constant 0 : i32
      %dma_start3A_217 = tpu.memref_slice %arg6[%add3A_156, %dma_start3A_216] : memref<5000x5000xf32, #tpu.memory_space<hbm>> -> memref<1x5000xf32, #tpu.memory_space<hbm>>
      %dma_start3A_218 = arith.constant 0 : i32
      %dma_start3A_219 = tpu.memref_slice %arg6[%add3A_156, %dma_start3A_218] : memref<5000x5000xf32, #tpu.memory_space<hbm>> -> memref<1x5000xf32, #tpu.memory_space<hbm>>
      %dma_start3A_220 = arith.constant 0 : i32
      %dma_start3A_221 = arith.constant 0 : i32
      %dma_start3A_222 = tpu.memref_slice %arg11[%dma_start3A_220, %dma_start3A_221] : memref<1x5008xf32, #tpu.memory_space<vmem>> -> memref<1x5000xf32, #tpu.memory_space<vmem>>
      tpu.enqueue_dma source(%dma_start3A_222 : memref<1x5000xf32, #tpu.memory_space<vmem>>) target(%dma_start3A_219 : memref<1x5000xf32, #tpu.memory_space<hbm>>) target_semaphore(%arg16 : memref<!tpu.dma_semaphore, #tpu.memory_space<semaphore_mem>>)
      %broadcast_in_dim3A_223 = arith.constant 2 : i32
      %broadcast_in_dim3A_224 = vector.broadcast %broadcast_in_dim3A_223 : i32 to vector<16xi32>
      %dma_wait3A_225 = arith.constant 0 : i32
      %dma_wait3A_226 = arith.constant 0 : i32
      %dma_wait3A_227 = tpu.memref_slice %arg10[%dma_wait3A_225, %dma_wait3A_226] : memref<1x5008xf32, #tpu.memory_space<vmem>> -> memref<1x5000xf32, #tpu.memory_space<vmem>>
      %dma_wait3A_228 = arith.constant 0 : i32
      %dma_wait3A_229 = tpu.memref_slice %arg6[%add3A_89, %dma_wait3A_228] : memref<5000x5000xf32, #tpu.memory_space<hbm>> -> memref<1x5000xf32, #tpu.memory_space<hbm>>
      %dma_wait3A_230 = arith.constant 0 : i32
      %dma_wait3A_231 = tpu.memref_slice %arg6[%add3A_89, %dma_wait3A_230] : memref<5000x5000xf32, #tpu.memory_space<hbm>> -> memref<1x5000xf32, #tpu.memory_space<hbm>>
      %dma_wait3A_232 = arith.constant 0 : i32
      %dma_wait3A_233 = arith.constant 0 : i32
      %dma_wait3A_234 = tpu.memref_slice %arg10[%dma_wait3A_232, %dma_wait3A_233] : memref<1x5008xf32, #tpu.memory_space<vmem>> -> memref<1x5000xf32, #tpu.memory_space<vmem>>
      tpu.wait_dma2 semaphore(%arg15 : memref<!tpu.dma_semaphore, #tpu.memory_space<semaphore_mem>>) src(%dma_wait3A_234 : memref<1x5000xf32, #tpu.memory_space<vmem>>) dst(%dma_wait3A_231 : memref<1x5000xf32, #tpu.memory_space<hbm>>)
      %parallel_loop3A_235 = arith.constant 0 : i32
      %parallel_loop3A_236 = arith.constant 5008 : i32
      %parallel_loop3A_237 = arith.constant 16 : i32
      scf.for %parallel_loop3A_741 = %parallel_loop3A_235 to %parallel_loop3A_236 step %parallel_loop3A_237  : i32 {
        %parallel_loop3A_742 = arith.index_cast %parallel_loop3A_741 : i32 to index
        %parallel_loop3A_743 = tpu.vector_load %arg8[%parallel_loop3A_742] {strides = array<i32>} : memref<5120xi32, #tpu.memory_space<vmem>>, vector<16xi32>,
        %parallel_loop3A_744 = tpu.vector_load_idx %arg9[%broadcast_in_dim3A_224, %parallel_loop3A_743] : memref<8x10000xf32, #tpu.memory_space<vmem>>[vector<16xi32>, vector<16xi32>], vector<16xf32>,
        %parallel_loop3A_745 = arith.constant 0.000000e+00 : f32
        %parallel_loop3A_746 = vector.broadcast %parallel_loop3A_745 : f32 to vector<16xf32>
        %parallel_loop3A_747 = arith.cmpf one, %parallel_loop3A_744, %parallel_loop3A_746 : vector<16xf32>
        %parallel_loop3A_748 = arith.extui %parallel_loop3A_747 : vector<16xi1> to vector<16xi32>
        %parallel_loop3A_749 = arith.sitofp %parallel_loop3A_748 : vector<16xi32> to vector<16xf32>
        %parallel_loop3A_750 = arith.constant 0 : i32
        %parallel_loop3A_751 = arith.index_cast %parallel_loop3A_750 : i32 to index
        %parallel_loop3A_752 = arith.index_cast %parallel_loop3A_741 : i32 to index
        %parallel_loop3A_753 = tpu.vector_load %arg10[%parallel_loop3A_751, %parallel_loop3A_752] {strides = array<i32>} : memref<1x5008xf32, #tpu.memory_space<vmem>>, vector<16xf32>,
        tpu.vector_store %arg10[%parallel_loop3A_751, %parallel_loop3A_752], %parallel_loop3A_749 {strides = array<i32>} : memref<1x5008xf32, #tpu.memory_space<vmem>>, vector<16xf32>,
      } {sc.loop_unroll_factor = 4 : i64, sc.parallel_access}
      %add3A_238 = arith.constant 2 : i32
      %add3A_239 = arith.addi %add3A_76, %add3A_238 : i32
      %jit3A_240 = arith.constant 16 : i32
      %div3A_241 = arith.divsi %add3A_239, %jit3A_240 : i32
      %sign3A_242 = arith.constant 0 : i32
      %sign3A_243 = arith.cmpi sgt, %add3A_239, %sign3A_242 : i32
      %sign3A_244 = arith.extui %sign3A_243 : i1 to i32
      %sign3A_245 = arith.constant 0 : i32
      %sign3A_246 = arith.cmpi slt, %add3A_239, %sign3A_245 : i32
      %sign3A_247 = arith.extui %sign3A_246 : i1 to i32
      %sign3A_248 = arith.subi %sign3A_244, %sign3A_247 : i32
      %sign3A_249 = arith.constant 0 : i32
      %sign3A_250 = arith.cmpi sgt, %jit3A_240, %sign3A_249 : i32
      %sign3A_251 = arith.extui %sign3A_250 : i1 to i32
      %sign3A_252 = arith.constant 0 : i32
      %sign3A_253 = arith.cmpi slt, %jit3A_240, %sign3A_252 : i32
      %sign3A_254 = arith.extui %sign3A_253 : i1 to i32
      %sign3A_255 = arith.subi %sign3A_251, %sign3A_254 : i32
      %ne3A_256 = arith.cmpi ne, %sign3A_248, %sign3A_255 : i32
      %rem3A_257 = arith.remsi %add3A_239, %jit3A_240 : i32
      %ne3A_258 = arith.constant 0 : i32
      %ne3A_259 = arith.cmpi ne, %rem3A_257, %ne3A_258 : i32
      %and3A_260 = arith.andi %ne3A_256, %ne3A_259 : i1
      %sub3A_261 = arith.constant 1 : i32
      %sub3A_262 = arith.subi %div3A_241, %sub3A_261 : i32
      %select_n3A_263 = arith.select %and3A_260, %sub3A_262, %div3A_241 : i32
      %mul3A_264 = arith.constant 16 : i32
      %mul3A_265 = arith.muli %select_n3A_263, %mul3A_264 : i32
      %jit3A_266 = arith.constant 16 : i32
      %eq3A_267 = arith.constant 0 : i32
      %eq3A_268 = arith.cmpi eq, %jit3A_266, %eq3A_267 : i32
      %jit3A_269 = arith.constant 1 : i32
      %select_n3A_270 = arith.select %eq3A_268, %jit3A_269, %jit3A_266 : i32
      %rem3A_271 = arith.remsi %add3A_239, %select_n3A_270 : i32
      %ne3A_272 = arith.constant 0 : i32
      %ne3A_273 = arith.cmpi ne, %rem3A_271, %ne3A_272 : i32
      %lt3A_274 = arith.constant 0 : i32
      %lt3A_275 = arith.cmpi slt, %rem3A_271, %lt3A_274 : i32
      %lt3A_276 = arith.constant 0 : i32
      %lt3A_277 = arith.cmpi slt, %select_n3A_270, %lt3A_276 : i32
      %ne3A_278 = arith.xori %lt3A_275, %lt3A_277 : i1
      %and3A_279 = arith.andi %ne3A_278, %ne3A_273 : i1
      %add3A_280 = arith.addi %rem3A_271, %select_n3A_270 : i32
      %select_n3A_281 = arith.select %and3A_279, %add3A_280, %rem3A_271 : i32
      %broadcast_in_dim3A_282 = vector.broadcast %select_n3A_281 : i32 to vector<16xi32>
      %iota3A_283 = tpu.iota {dimensions = array<i32: 0>} : vector<16xi32>
      %eq3A_284 = arith.cmpi eq, %iota3A_283, %broadcast_in_dim3A_282 : vector<16xi32>
      %convert_element_type3A_285 = arith.extui %eq3A_284 : vector<16xi1> to vector<16xi32>
      %convert_element_type3A_286 = arith.sitofp %convert_element_type3A_285 : vector<16xi32> to vector<16xf32>
      %get3A_287 = arith.constant 0 : i32
      %get3A_288 = arith.index_cast %get3A_287 : i32 to index
      %get3A_289 = arith.index_cast %mul3A_265 : i32 to index
      %get3A_290 = tpu.vector_load %arg10[%get3A_288, %get3A_289] {strides = array<i32>} : memref<1x5008xf32, #tpu.memory_space<vmem>>, vector<16xf32>,
      %add3A_291 = arith.addf %get3A_290, %convert_element_type3A_286 : vector<16xf32>
      %swap3A_292 = arith.constant 0 : i32
      %swap3A_293 = arith.index_cast %swap3A_292 : i32 to index
      %swap3A_294 = arith.index_cast %mul3A_265 : i32 to index
      %swap3A_295 = tpu.vector_load %arg10[%swap3A_293, %swap3A_294] {strides = array<i32>} : memref<1x5008xf32, #tpu.memory_space<vmem>>, vector<16xf32>,
      tpu.vector_store %arg10[%swap3A_293, %swap3A_294], %add3A_291 {strides = array<i32>} : memref<1x5008xf32, #tpu.memory_space<vmem>>, vector<16xf32>,
      %dma_start3A_296 = arith.constant 0 : i32
      %dma_start3A_297 = arith.constant 0 : i32
      %dma_start3A_298 = tpu.memref_slice %arg10[%dma_start3A_296, %dma_start3A_297] : memref<1x5008xf32, #tpu.memory_space<vmem>> -> memref<1x5000xf32, #tpu.memory_space<vmem>>
      %dma_start3A_299 = arith.constant 0 : i32
      %dma_start3A_300 = tpu.memref_slice %arg6[%add3A_239, %dma_start3A_299] : memref<5000x5000xf32, #tpu.memory_space<hbm>> -> memref<1x5000xf32, #tpu.memory_space<hbm>>
      %dma_start3A_301 = arith.constant 0 : i32
      %dma_start3A_302 = tpu.memref_slice %arg6[%add3A_239, %dma_start3A_301] : memref<5000x5000xf32, #tpu.memory_space<hbm>> -> memref<1x5000xf32, #tpu.memory_space<hbm>>
      %dma_start3A_303 = arith.constant 0 : i32
      %dma_start3A_304 = arith.constant 0 : i32
      %dma_start3A_305 = tpu.memref_slice %arg10[%dma_start3A_303, %dma_start3A_304] : memref<1x5008xf32, #tpu.memory_space<vmem>> -> memref<1x5000xf32, #tpu.memory_space<vmem>>
      tpu.enqueue_dma source(%dma_start3A_305 : memref<1x5000xf32, #tpu.memory_space<vmem>>) target(%dma_start3A_302 : memref<1x5000xf32, #tpu.memory_space<hbm>>) target_semaphore(%arg15 : memref<!tpu.dma_semaphore, #tpu.memory_space<semaphore_mem>>)
      %broadcast_in_dim3A_306 = arith.constant 3 : i32
      %broadcast_in_dim3A_307 = vector.broadcast %broadcast_in_dim3A_306 : i32 to vector<16xi32>
      %dma_wait3A_308 = arith.constant 0 : i32
      %dma_wait3A_309 = arith.constant 0 : i32
      %dma_wait3A_310 = tpu.memref_slice %arg11[%dma_wait3A_308, %dma_wait3A_309] : memref<1x5008xf32, #tpu.memory_space<vmem>> -> memref<1x5000xf32, #tpu.memory_space<vmem>>
      %dma_wait3A_311 = arith.constant 0 : i32
      %dma_wait3A_312 = tpu.memref_slice %arg6[%add3A_156, %dma_wait3A_311] : memref<5000x5000xf32, #tpu.memory_space<hbm>> -> memref<1x5000xf32, #tpu.memory_space<hbm>>
      %dma_wait3A_313 = arith.constant 0 : i32
      %dma_wait3A_314 = tpu.memref_slice %arg6[%add3A_156, %dma_wait3A_313] : memref<5000x5000xf32, #tpu.memory_space<hbm>> -> memref<1x5000xf32, #tpu.memory_space<hbm>>
      %dma_wait3A_315 = arith.constant 0 : i32
      %dma_wait3A_316 = arith.constant 0 : i32
      %dma_wait3A_317 = tpu.memref_slice %arg11[%dma_wait3A_315, %dma_wait3A_316] : memref<1x5008xf32, #tpu.memory_space<vmem>> -> memref<1x5000xf32, #tpu.memory_space<vmem>>
      tpu.wait_dma2 semaphore(%arg16 : memref<!tpu.dma_semaphore, #tpu.memory_space<semaphore_mem>>) src(%dma_wait3A_317 : memref<1x5000xf32, #tpu.memory_space<vmem>>) dst(%dma_wait3A_314 : memref<1x5000xf32, #tpu.memory_space<hbm>>)
      %parallel_loop3A_318 = arith.constant 0 : i32
      %parallel_loop3A_319 = arith.constant 5008 : i32
      %parallel_loop3A_320 = arith.constant 16 : i32
      scf.for %parallel_loop3A_741 = %parallel_loop3A_318 to %parallel_loop3A_319 step %parallel_loop3A_320  : i32 {
        %parallel_loop3A_742 = arith.index_cast %parallel_loop3A_741 : i32 to index
        %parallel_loop3A_743 = tpu.vector_load %arg8[%parallel_loop3A_742] {strides = array<i32>} : memref<5120xi32, #tpu.memory_space<vmem>>, vector<16xi32>,
        %parallel_loop3A_744 = tpu.vector_load_idx %arg9[%broadcast_in_dim3A_307, %parallel_loop3A_743] : memref<8x10000xf32, #tpu.memory_space<vmem>>[vector<16xi32>, vector<16xi32>], vector<16xf32>,
        %parallel_loop3A_745 = arith.constant 0.000000e+00 : f32
        %parallel_loop3A_746 = vector.broadcast %parallel_loop3A_745 : f32 to vector<16xf32>
        %parallel_loop3A_747 = arith.cmpf one, %parallel_loop3A_744, %parallel_loop3A_746 : vector<16xf32>
        %parallel_loop3A_748 = arith.extui %parallel_loop3A_747 : vector<16xi1> to vector<16xi32>
        %parallel_loop3A_749 = arith.sitofp %parallel_loop3A_748 : vector<16xi32> to vector<16xf32>
        %parallel_loop3A_750 = arith.constant 0 : i32
        %parallel_loop3A_751 = arith.index_cast %parallel_loop3A_750 : i32 to index
        %parallel_loop3A_752 = arith.index_cast %parallel_loop3A_741 : i32 to index
        %parallel_loop3A_753 = tpu.vector_load %arg11[%parallel_loop3A_751, %parallel_loop3A_752] {strides = array<i32>} : memref<1x5008xf32, #tpu.memory_space<vmem>>, vector<16xf32>,
        tpu.vector_store %arg11[%parallel_loop3A_751, %parallel_loop3A_752], %parallel_loop3A_749 {strides = array<i32>} : memref<1x5008xf32, #tpu.memory_space<vmem>>, vector<16xf32>,
      } {sc.loop_unroll_factor = 4 : i64, sc.parallel_access}
      %add3A_321 = arith.constant 3 : i32
      %add3A_322 = arith.addi %add3A_76, %add3A_321 : i32
      %jit3A_323 = arith.constant 16 : i32
      %div3A_324 = arith.divsi %add3A_322, %jit3A_323 : i32
      %sign3A_325 = arith.constant 0 : i32
      %sign3A_326 = arith.cmpi sgt, %add3A_322, %sign3A_325 : i32
      %sign3A_327 = arith.extui %sign3A_326 : i1 to i32
      %sign3A_328 = arith.constant 0 : i32
      %sign3A_329 = arith.cmpi slt, %add3A_322, %sign3A_328 : i32
      %sign3A_330 = arith.extui %sign3A_329 : i1 to i32
      %sign3A_331 = arith.subi %sign3A_327, %sign3A_330 : i32
      %sign3A_332 = arith.constant 0 : i32
      %sign3A_333 = arith.cmpi sgt, %jit3A_323, %sign3A_332 : i32
      %sign3A_334 = arith.extui %sign3A_333 : i1 to i32
      %sign3A_335 = arith.constant 0 : i32
      %sign3A_336 = arith.cmpi slt, %jit3A_323, %sign3A_335 : i32
      %sign3A_337 = arith.extui %sign3A_336 : i1 to i32
      %sign3A_338 = arith.subi %sign3A_334, %sign3A_337 : i32
      %ne3A_339 = arith.cmpi ne, %sign3A_331, %sign3A_338 : i32
      %rem3A_340 = arith.remsi %add3A_322, %jit3A_323 : i32
      %ne3A_341 = arith.constant 0 : i32
      %ne3A_342 = arith.cmpi ne, %rem3A_340, %ne3A_341 : i32
      %and3A_343 = arith.andi %ne3A_339, %ne3A_342 : i1
      %sub3A_344 = arith.constant 1 : i32
      %sub3A_345 = arith.subi %div3A_324, %sub3A_344 : i32
      %select_n3A_346 = arith.select %and3A_343, %sub3A_345, %div3A_324 : i32
      %mul3A_347 = arith.constant 16 : i32
      %mul3A_348 = arith.muli %select_n3A_346, %mul3A_347 : i32
      %jit3A_349 = arith.constant 16 : i32
      %eq3A_350 = arith.constant 0 : i32
      %eq3A_351 = arith.cmpi eq, %jit3A_349, %eq3A_350 : i32
      %jit3A_352 = arith.constant 1 : i32
      %select_n3A_353 = arith.select %eq3A_351, %jit3A_352, %jit3A_349 : i32
      %rem3A_354 = arith.remsi %add3A_322, %select_n3A_353 : i32
      %ne3A_355 = arith.constant 0 : i32
      %ne3A_356 = arith.cmpi ne, %rem3A_354, %ne3A_355 : i32
      %lt3A_357 = arith.constant 0 : i32
      %lt3A_358 = arith.cmpi slt, %rem3A_354, %lt3A_357 : i32
      %lt3A_359 = arith.constant 0 : i32
      %lt3A_360 = arith.cmpi slt, %select_n3A_353, %lt3A_359 : i32
      %ne3A_361 = arith.xori %lt3A_358, %lt3A_360 : i1
      %and3A_362 = arith.andi %ne3A_361, %ne3A_356 : i1
      %add3A_363 = arith.addi %rem3A_354, %select_n3A_353 : i32
      %select_n3A_364 = arith.select %and3A_362, %add3A_363, %rem3A_354 : i32
      %broadcast_in_dim3A_365 = vector.broadcast %select_n3A_364 : i32 to vector<16xi32>
      %iota3A_366 = tpu.iota {dimensions = array<i32: 0>} : vector<16xi32>
      %eq3A_367 = arith.cmpi eq, %iota3A_366, %broadcast_in_dim3A_365 : vector<16xi32>
      %convert_element_type3A_368 = arith.extui %eq3A_367 : vector<16xi1> to vector<16xi32>
      %convert_element_type3A_369 = arith.sitofp %convert_element_type3A_368 : vector<16xi32> to vector<16xf32>
      %get3A_370 = arith.constant 0 : i32
      %get3A_371 = arith.index_cast %get3A_370 : i32 to index
      %get3A_372 = arith.index_cast %mul3A_348 : i32 to index
      %get3A_373 = tpu.vector_load %arg11[%get3A_371, %get3A_372] {strides = array<i32>} : memref<1x5008xf32, #tpu.memory_space<vmem>>, vector<16xf32>,
      %add3A_374 = arith.addf %get3A_373, %convert_element_type3A_369 : vector<16xf32>
      %swap3A_375 = arith.constant 0 : i32
      %swap3A_376 = arith.index_cast %swap3A_375 : i32 to index
      %swap3A_377 = arith.index_cast %mul3A_348 : i32 to index
      %swap3A_378 = tpu.vector_load %arg11[%swap3A_376, %swap3A_377] {strides = array<i32>} : memref<1x5008xf32, #tpu.memory_space<vmem>>, vector<16xf32>,
      tpu.vector_store %arg11[%swap3A_376, %swap3A_377], %add3A_374 {strides = array<i32>} : memref<1x5008xf32, #tpu.memory_space<vmem>>, vector<16xf32>,
      %dma_start3A_379 = arith.constant 0 : i32
      %dma_start3A_380 = arith.constant 0 : i32
      %dma_start3A_381 = tpu.memref_slice %arg11[%dma_start3A_379, %dma_start3A_380] : memref<1x5008xf32, #tpu.memory_space<vmem>> -> memref<1x5000xf32, #tpu.memory_space<vmem>>
      %dma_start3A_382 = arith.constant 0 : i32
      %dma_start3A_383 = tpu.memref_slice %arg6[%add3A_322, %dma_start3A_382] : memref<5000x5000xf32, #tpu.memory_space<hbm>> -> memref<1x5000xf32, #tpu.memory_space<hbm>>
      %dma_start3A_384 = arith.constant 0 : i32
      %dma_start3A_385 = tpu.memref_slice %arg6[%add3A_322, %dma_start3A_384] : memref<5000x5000xf32, #tpu.memory_space<hbm>> -> memref<1x5000xf32, #tpu.memory_space<hbm>>
      %dma_start3A_386 = arith.constant 0 : i32
      %dma_start3A_387 = arith.constant 0 : i32
      %dma_start3A_388 = tpu.memref_slice %arg11[%dma_start3A_386, %dma_start3A_387] : memref<1x5008xf32, #tpu.memory_space<vmem>> -> memref<1x5000xf32, #tpu.memory_space<vmem>>
      tpu.enqueue_dma source(%dma_start3A_388 : memref<1x5000xf32, #tpu.memory_space<vmem>>) target(%dma_start3A_385 : memref<1x5000xf32, #tpu.memory_space<hbm>>) target_semaphore(%arg16 : memref<!tpu.dma_semaphore, #tpu.memory_space<semaphore_mem>>)
      %broadcast_in_dim3A_389 = arith.constant 4 : i32
      %broadcast_in_dim3A_390 = vector.broadcast %broadcast_in_dim3A_389 : i32 to vector<16xi32>
      %dma_wait3A_391 = arith.constant 0 : i32
      %dma_wait3A_392 = arith.constant 0 : i32
      %dma_wait3A_393 = tpu.memref_slice %arg10[%dma_wait3A_391, %dma_wait3A_392] : memref<1x5008xf32, #tpu.memory_space<vmem>> -> memref<1x5000xf32, #tpu.memory_space<vmem>>
      %dma_wait3A_394 = arith.constant 0 : i32
      %dma_wait3A_395 = tpu.memref_slice %arg6[%add3A_239, %dma_wait3A_394] : memref<5000x5000xf32, #tpu.memory_space<hbm>> -> memref<1x5000xf32, #tpu.memory_space<hbm>>
      %dma_wait3A_396 = arith.constant 0 : i32
      %dma_wait3A_397 = tpu.memref_slice %arg6[%add3A_239, %dma_wait3A_396] : memref<5000x5000xf32, #tpu.memory_space<hbm>> -> memref<1x5000xf32, #tpu.memory_space<hbm>>
      %dma_wait3A_398 = arith.constant 0 : i32
      %dma_wait3A_399 = arith.constant 0 : i32
      %dma_wait3A_400 = tpu.memref_slice %arg10[%dma_wait3A_398, %dma_wait3A_399] : memref<1x5008xf32, #tpu.memory_space<vmem>> -> memref<1x5000xf32, #tpu.memory_space<vmem>>
      tpu.wait_dma2 semaphore(%arg15 : memref<!tpu.dma_semaphore, #tpu.memory_space<semaphore_mem>>) src(%dma_wait3A_400 : memref<1x5000xf32, #tpu.memory_space<vmem>>) dst(%dma_wait3A_397 : memref<1x5000xf32, #tpu.memory_space<hbm>>)
      %parallel_loop3A_401 = arith.constant 0 : i32
      %parallel_loop3A_402 = arith.constant 5008 : i32
      %parallel_loop3A_403 = arith.constant 16 : i32
      scf.for %parallel_loop3A_741 = %parallel_loop3A_401 to %parallel_loop3A_402 step %parallel_loop3A_403  : i32 {
        %parallel_loop3A_742 = arith.index_cast %parallel_loop3A_741 : i32 to index
        %parallel_loop3A_743 = tpu.vector_load %arg8[%parallel_loop3A_742] {strides = array<i32>} : memref<5120xi32, #tpu.memory_space<vmem>>, vector<16xi32>,
        %parallel_loop3A_744 = tpu.vector_load_idx %arg9[%broadcast_in_dim3A_390, %parallel_loop3A_743] : memref<8x10000xf32, #tpu.memory_space<vmem>>[vector<16xi32>, vector<16xi32>], vector<16xf32>,
        %parallel_loop3A_745 = arith.constant 0.000000e+00 : f32
        %parallel_loop3A_746 = vector.broadcast %parallel_loop3A_745 : f32 to vector<16xf32>
        %parallel_loop3A_747 = arith.cmpf one, %parallel_loop3A_744, %parallel_loop3A_746 : vector<16xf32>
        %parallel_loop3A_748 = arith.extui %parallel_loop3A_747 : vector<16xi1> to vector<16xi32>
        %parallel_loop3A_749 = arith.sitofp %parallel_loop3A_748 : vector<16xi32> to vector<16xf32>
        %parallel_loop3A_750 = arith.constant 0 : i32
        %parallel_loop3A_751 = arith.index_cast %parallel_loop3A_750 : i32 to index
        %parallel_loop3A_752 = arith.index_cast %parallel_loop3A_741 : i32 to index
        %parallel_loop3A_753 = tpu.vector_load %arg10[%parallel_loop3A_751, %parallel_loop3A_752] {strides = array<i32>} : memref<1x5008xf32, #tpu.memory_space<vmem>>, vector<16xf32>,
        tpu.vector_store %arg10[%parallel_loop3A_751, %parallel_loop3A_752], %parallel_loop3A_749 {strides = array<i32>} : memref<1x5008xf32, #tpu.memory_space<vmem>>, vector<16xf32>,
      } {sc.loop_unroll_factor = 4 : i64, sc.parallel_access}
      %add3A_404 = arith.constant 4 : i32
      %add3A_405 = arith.addi %add3A_76, %add3A_404 : i32
      %jit3A_406 = arith.constant 16 : i32
      %div3A_407 = arith.divsi %add3A_405, %jit3A_406 : i32
      %sign3A_408 = arith.constant 0 : i32
      %sign3A_409 = arith.cmpi sgt, %add3A_405, %sign3A_408 : i32
      %sign3A_410 = arith.extui %sign3A_409 : i1 to i32
      %sign3A_411 = arith.constant 0 : i32
      %sign3A_412 = arith.cmpi slt, %add3A_405, %sign3A_411 : i32
      %sign3A_413 = arith.extui %sign3A_412 : i1 to i32
      %sign3A_414 = arith.subi %sign3A_410, %sign3A_413 : i32
      %sign3A_415 = arith.constant 0 : i32
      %sign3A_416 = arith.cmpi sgt, %jit3A_406, %sign3A_415 : i32
      %sign3A_417 = arith.extui %sign3A_416 : i1 to i32
      %sign3A_418 = arith.constant 0 : i32
      %sign3A_419 = arith.cmpi slt, %jit3A_406, %sign3A_418 : i32
      %sign3A_420 = arith.extui %sign3A_419 : i1 to i32
      %sign3A_421 = arith.subi %sign3A_417, %sign3A_420 : i32
      %ne3A_422 = arith.cmpi ne, %sign3A_414, %sign3A_421 : i32
      %rem3A_423 = arith.remsi %add3A_405, %jit3A_406 : i32
      %ne3A_424 = arith.constant 0 : i32
      %ne3A_425 = arith.cmpi ne, %rem3A_423, %ne3A_424 : i32
      %and3A_426 = arith.andi %ne3A_422, %ne3A_425 : i1
      %sub3A_427 = arith.constant 1 : i32
      %sub3A_428 = arith.subi %div3A_407, %sub3A_427 : i32
      %select_n3A_429 = arith.select %and3A_426, %sub3A_428, %div3A_407 : i32
      %mul3A_430 = arith.constant 16 : i32
      %mul3A_431 = arith.muli %select_n3A_429, %mul3A_430 : i32
      %jit3A_432 = arith.constant 16 : i32
      %eq3A_433 = arith.constant 0 : i32
      %eq3A_434 = arith.cmpi eq, %jit3A_432, %eq3A_433 : i32
      %jit3A_435 = arith.constant 1 : i32
      %select_n3A_436 = arith.select %eq3A_434, %jit3A_435, %jit3A_432 : i32
      %rem3A_437 = arith.remsi %add3A_405, %select_n3A_436 : i32
      %ne3A_438 = arith.constant 0 : i32
      %ne3A_439 = arith.cmpi ne, %rem3A_437, %ne3A_438 : i32
      %lt3A_440 = arith.constant 0 : i32
      %lt3A_441 = arith.cmpi slt, %rem3A_437, %lt3A_440 : i32
      %lt3A_442 = arith.constant 0 : i32
      %lt3A_443 = arith.cmpi slt, %select_n3A_436, %lt3A_442 : i32
      %ne3A_444 = arith.xori %lt3A_441, %lt3A_443 : i1
      %and3A_445 = arith.andi %ne3A_444, %ne3A_439 : i1
      %add3A_446 = arith.addi %rem3A_437, %select_n3A_436 : i32
      %select_n3A_447 = arith.select %and3A_445, %add3A_446, %rem3A_437 : i32
      %broadcast_in_dim3A_448 = vector.broadcast %select_n3A_447 : i32 to vector<16xi32>
      %iota3A_449 = tpu.iota {dimensions = array<i32: 0>} : vector<16xi32>
      %eq3A_450 = arith.cmpi eq, %iota3A_449, %broadcast_in_dim3A_448 : vector<16xi32>
      %convert_element_type3A_451 = arith.extui %eq3A_450 : vector<16xi1> to vector<16xi32>
      %convert_element_type3A_452 = arith.sitofp %convert_element_type3A_451 : vector<16xi32> to vector<16xf32>
      %get3A_453 = arith.constant 0 : i32
      %get3A_454 = arith.index_cast %get3A_453 : i32 to index
      %get3A_455 = arith.index_cast %mul3A_431 : i32 to index
      %get3A_456 = tpu.vector_load %arg10[%get3A_454, %get3A_455] {strides = array<i32>} : memref<1x5008xf32, #tpu.memory_space<vmem>>, vector<16xf32>,
      %add3A_457 = arith.addf %get3A_456, %convert_element_type3A_452 : vector<16xf32>
      %swap3A_458 = arith.constant 0 : i32
      %swap3A_459 = arith.index_cast %swap3A_458 : i32 to index
      %swap3A_460 = arith.index_cast %mul3A_431 : i32 to index
      %swap3A_461 = tpu.vector_load %arg10[%swap3A_459, %swap3A_460] {strides = array<i32>} : memref<1x5008xf32, #tpu.memory_space<vmem>>, vector<16xf32>,
      tpu.vector_store %arg10[%swap3A_459, %swap3A_460], %add3A_457 {strides = array<i32>} : memref<1x5008xf32, #tpu.memory_space<vmem>>, vector<16xf32>,
      %dma_start3A_462 = arith.constant 0 : i32
      %dma_start3A_463 = arith.constant 0 : i32
      %dma_start3A_464 = tpu.memref_slice %arg10[%dma_start3A_462, %dma_start3A_463] : memref<1x5008xf32, #tpu.memory_space<vmem>> -> memref<1x5000xf32, #tpu.memory_space<vmem>>
      %dma_start3A_465 = arith.constant 0 : i32
      %dma_start3A_466 = tpu.memref_slice %arg6[%add3A_405, %dma_start3A_465] : memref<5000x5000xf32, #tpu.memory_space<hbm>> -> memref<1x5000xf32, #tpu.memory_space<hbm>>
      %dma_start3A_467 = arith.constant 0 : i32
      %dma_start3A_468 = tpu.memref_slice %arg6[%add3A_405, %dma_start3A_467] : memref<5000x5000xf32, #tpu.memory_space<hbm>> -> memref<1x5000xf32, #tpu.memory_space<hbm>>
      %dma_start3A_469 = arith.constant 0 : i32
      %dma_start3A_470 = arith.constant 0 : i32
      %dma_start3A_471 = tpu.memref_slice %arg10[%dma_start3A_469, %dma_start3A_470] : memref<1x5008xf32, #tpu.memory_space<vmem>> -> memref<1x5000xf32, #tpu.memory_space<vmem>>
      tpu.enqueue_dma source(%dma_start3A_471 : memref<1x5000xf32, #tpu.memory_space<vmem>>) target(%dma_start3A_468 : memref<1x5000xf32, #tpu.memory_space<hbm>>) target_semaphore(%arg15 : memref<!tpu.dma_semaphore, #tpu.memory_space<semaphore_mem>>)
      %broadcast_in_dim3A_472 = arith.constant 5 : i32
      %broadcast_in_dim3A_473 = vector.broadcast %broadcast_in_dim3A_472 : i32 to vector<16xi32>
      %dma_wait3A_474 = arith.constant 0 : i32
      %dma_wait3A_475 = arith.constant 0 : i32
      %dma_wait3A_476 = tpu.memref_slice %arg11[%dma_wait3A_474, %dma_wait3A_475] : memref<1x5008xf32, #tpu.memory_space<vmem>> -> memref<1x5000xf32, #tpu.memory_space<vmem>>
      %dma_wait3A_477 = arith.constant 0 : i32
      %dma_wait3A_478 = tpu.memref_slice %arg6[%add3A_322, %dma_wait3A_477] : memref<5000x5000xf32, #tpu.memory_space<hbm>> -> memref<1x5000xf32, #tpu.memory_space<hbm>>
      %dma_wait3A_479 = arith.constant 0 : i32
      %dma_wait3A_480 = tpu.memref_slice %arg6[%add3A_322, %dma_wait3A_479] : memref<5000x5000xf32, #tpu.memory_space<hbm>> -> memref<1x5000xf32, #tpu.memory_space<hbm>>
      %dma_wait3A_481 = arith.constant 0 : i32
      %dma_wait3A_482 = arith.constant 0 : i32
      %dma_wait3A_483 = tpu.memref_slice %arg11[%dma_wait3A_481, %dma_wait3A_482] : memref<1x5008xf32, #tpu.memory_space<vmem>> -> memref<1x5000xf32, #tpu.memory_space<vmem>>
      tpu.wait_dma2 semaphore(%arg16 : memref<!tpu.dma_semaphore, #tpu.memory_space<semaphore_mem>>) src(%dma_wait3A_483 : memref<1x5000xf32, #tpu.memory_space<vmem>>) dst(%dma_wait3A_480 : memref<1x5000xf32, #tpu.memory_space<hbm>>)
      %parallel_loop3A_484 = arith.constant 0 : i32
      %parallel_loop3A_485 = arith.constant 5008 : i32
      %parallel_loop3A_486 = arith.constant 16 : i32
      scf.for %parallel_loop3A_741 = %parallel_loop3A_484 to %parallel_loop3A_485 step %parallel_loop3A_486  : i32 {
        %parallel_loop3A_742 = arith.index_cast %parallel_loop3A_741 : i32 to index
        %parallel_loop3A_743 = tpu.vector_load %arg8[%parallel_loop3A_742] {strides = array<i32>} : memref<5120xi32, #tpu.memory_space<vmem>>, vector<16xi32>,
        %parallel_loop3A_744 = tpu.vector_load_idx %arg9[%broadcast_in_dim3A_473, %parallel_loop3A_743] : memref<8x10000xf32, #tpu.memory_space<vmem>>[vector<16xi32>, vector<16xi32>], vector<16xf32>,
        %parallel_loop3A_745 = arith.constant 0.000000e+00 : f32
        %parallel_loop3A_746 = vector.broadcast %parallel_loop3A_745 : f32 to vector<16xf32>
        %parallel_loop3A_747 = arith.cmpf one, %parallel_loop3A_744, %parallel_loop3A_746 : vector<16xf32>
        %parallel_loop3A_748 = arith.extui %parallel_loop3A_747 : vector<16xi1> to vector<16xi32>
        %parallel_loop3A_749 = arith.sitofp %parallel_loop3A_748 : vector<16xi32> to vector<16xf32>
        %parallel_loop3A_750 = arith.constant 0 : i32
        %parallel_loop3A_751 = arith.index_cast %parallel_loop3A_750 : i32 to index
        %parallel_loop3A_752 = arith.index_cast %parallel_loop3A_741 : i32 to index
        %parallel_loop3A_753 = tpu.vector_load %arg11[%parallel_loop3A_751, %parallel_loop3A_752] {strides = array<i32>} : memref<1x5008xf32, #tpu.memory_space<vmem>>, vector<16xf32>,
        tpu.vector_store %arg11[%parallel_loop3A_751, %parallel_loop3A_752], %parallel_loop3A_749 {strides = array<i32>} : memref<1x5008xf32, #tpu.memory_space<vmem>>, vector<16xf32>,
      } {sc.loop_unroll_factor = 4 : i64, sc.parallel_access}
      %add3A_487 = arith.constant 5 : i32
      %add3A_488 = arith.addi %add3A_76, %add3A_487 : i32
      %jit3A_489 = arith.constant 16 : i32
      %div3A_490 = arith.divsi %add3A_488, %jit3A_489 : i32
      %sign3A_491 = arith.constant 0 : i32
      %sign3A_492 = arith.cmpi sgt, %add3A_488, %sign3A_491 : i32
      %sign3A_493 = arith.extui %sign3A_492 : i1 to i32
      %sign3A_494 = arith.constant 0 : i32
      %sign3A_495 = arith.cmpi slt, %add3A_488, %sign3A_494 : i32
      %sign3A_496 = arith.extui %sign3A_495 : i1 to i32
      %sign3A_497 = arith.subi %sign3A_493, %sign3A_496 : i32
      %sign3A_498 = arith.constant 0 : i32
      %sign3A_499 = arith.cmpi sgt, %jit3A_489, %sign3A_498 : i32
      %sign3A_500 = arith.extui %sign3A_499 : i1 to i32
      %sign3A_501 = arith.constant 0 : i32
      %sign3A_502 = arith.cmpi slt, %jit3A_489, %sign3A_501 : i32
      %sign3A_503 = arith.extui %sign3A_502 : i1 to i32
      %sign3A_504 = arith.subi %sign3A_500, %sign3A_503 : i32
      %ne3A_505 = arith.cmpi ne, %sign3A_497, %sign3A_504 : i32
      %rem3A_506 = arith.remsi %add3A_488, %jit3A_489 : i32
      %ne3A_507 = arith.constant 0 : i32
      %ne3A_508 = arith.cmpi ne, %rem3A_506, %ne3A_507 : i32
      %and3A_509 = arith.andi %ne3A_505, %ne3A_508 : i1
      %sub3A_510 = arith.constant 1 : i32
      %sub3A_511 = arith.subi %div3A_490, %sub3A_510 : i32
      %select_n3A_512 = arith.select %and3A_509, %sub3A_511, %div3A_490 : i32
      %mul3A_513 = arith.constant 16 : i32
      %mul3A_514 = arith.muli %select_n3A_512, %mul3A_513 : i32
      %jit3A_515 = arith.constant 16 : i32
      %eq3A_516 = arith.constant 0 : i32
      %eq3A_517 = arith.cmpi eq, %jit3A_515, %eq3A_516 : i32
      %jit3A_518 = arith.constant 1 : i32
      %select_n3A_519 = arith.select %eq3A_517, %jit3A_518, %jit3A_515 : i32
      %rem3A_520 = arith.remsi %add3A_488, %select_n3A_519 : i32
      %ne3A_521 = arith.constant 0 : i32
      %ne3A_522 = arith.cmpi ne, %rem3A_520, %ne3A_521 : i32
      %lt3A_523 = arith.constant 0 : i32
      %lt3A_524 = arith.cmpi slt, %rem3A_520, %lt3A_523 : i32
      %lt3A_525 = arith.constant 0 : i32
      %lt3A_526 = arith.cmpi slt, %select_n3A_519, %lt3A_525 : i32
      %ne3A_527 = arith.xori %lt3A_524, %lt3A_526 : i1
      %and3A_528 = arith.andi %ne3A_527, %ne3A_522 : i1
      %add3A_529 = arith.addi %rem3A_520, %select_n3A_519 : i32
      %select_n3A_530 = arith.select %and3A_528, %add3A_529, %rem3A_520 : i32
      %broadcast_in_dim3A_531 = vector.broadcast %select_n3A_530 : i32 to vector<16xi32>
      %iota3A_532 = tpu.iota {dimensions = array<i32: 0>} : vector<16xi32>
      %eq3A_533 = arith.cmpi eq, %iota3A_532, %broadcast_in_dim3A_531 : vector<16xi32>
      %convert_element_type3A_534 = arith.extui %eq3A_533 : vector<16xi1> to vector<16xi32>
      %convert_element_type3A_535 = arith.sitofp %convert_element_type3A_534 : vector<16xi32> to vector<16xf32>
      %get3A_536 = arith.constant 0 : i32
      %get3A_537 = arith.index_cast %get3A_536 : i32 to index
      %get3A_538 = arith.index_cast %mul3A_514 : i32 to index
      %get3A_539 = tpu.vector_load %arg11[%get3A_537, %get3A_538] {strides = array<i32>} : memref<1x5008xf32, #tpu.memory_space<vmem>>, vector<16xf32>,
      %add3A_540 = arith.addf %get3A_539, %convert_element_type3A_535 : vector<16xf32>
      %swap3A_541 = arith.constant 0 : i32
      %swap3A_542 = arith.index_cast %swap3A_541 : i32 to index
      %swap3A_543 = arith.index_cast %mul3A_514 : i32 to index
      %swap3A_544 = tpu.vector_load %arg11[%swap3A_542, %swap3A_543] {strides = array<i32>} : memref<1x5008xf32, #tpu.memory_space<vmem>>, vector<16xf32>,
      tpu.vector_store %arg11[%swap3A_542, %swap3A_543], %add3A_540 {strides = array<i32>} : memref<1x5008xf32, #tpu.memory_space<vmem>>, vector<16xf32>,
      %dma_start3A_545 = arith.constant 0 : i32
      %dma_start3A_546 = arith.constant 0 : i32
      %dma_start3A_547 = tpu.memref_slice %arg11[%dma_start3A_545, %dma_start3A_546] : memref<1x5008xf32, #tpu.memory_space<vmem>> -> memref<1x5000xf32, #tpu.memory_space<vmem>>
      %dma_start3A_548 = arith.constant 0 : i32
      %dma_start3A_549 = tpu.memref_slice %arg6[%add3A_488, %dma_start3A_548] : memref<5000x5000xf32, #tpu.memory_space<hbm>> -> memref<1x5000xf32, #tpu.memory_space<hbm>>
      %dma_start3A_550 = arith.constant 0 : i32
      %dma_start3A_551 = tpu.memref_slice %arg6[%add3A_488, %dma_start3A_550] : memref<5000x5000xf32, #tpu.memory_space<hbm>> -> memref<1x5000xf32, #tpu.memory_space<hbm>>
      %dma_start3A_552 = arith.constant 0 : i32
      %dma_start3A_553 = arith.constant 0 : i32
      %dma_start3A_554 = tpu.memref_slice %arg11[%dma_start3A_552, %dma_start3A_553] : memref<1x5008xf32, #tpu.memory_space<vmem>> -> memref<1x5000xf32, #tpu.memory_space<vmem>>
      tpu.enqueue_dma source(%dma_start3A_554 : memref<1x5000xf32, #tpu.memory_space<vmem>>) target(%dma_start3A_551 : memref<1x5000xf32, #tpu.memory_space<hbm>>) target_semaphore(%arg16 : memref<!tpu.dma_semaphore, #tpu.memory_space<semaphore_mem>>)
      %broadcast_in_dim3A_555 = arith.constant 6 : i32
      %broadcast_in_dim3A_556 = vector.broadcast %broadcast_in_dim3A_555 : i32 to vector<16xi32>
      %dma_wait3A_557 = arith.constant 0 : i32
      %dma_wait3A_558 = arith.constant 0 : i32
      %dma_wait3A_559 = tpu.memref_slice %arg10[%dma_wait3A_557, %dma_wait3A_558] : memref<1x5008xf32, #tpu.memory_space<vmem>> -> memref<1x5000xf32, #tpu.memory_space<vmem>>
      %dma_wait3A_560 = arith.constant 0 : i32
      %dma_wait3A_561 = tpu.memref_slice %arg6[%add3A_405, %dma_wait3A_560] : memref<5000x5000xf32, #tpu.memory_space<hbm>> -> memref<1x5000xf32, #tpu.memory_space<hbm>>
      %dma_wait3A_562 = arith.constant 0 : i32
      %dma_wait3A_563 = tpu.memref_slice %arg6[%add3A_405, %dma_wait3A_562] : memref<5000x5000xf32, #tpu.memory_space<hbm>> -> memref<1x5000xf32, #tpu.memory_space<hbm>>
      %dma_wait3A_564 = arith.constant 0 : i32
      %dma_wait3A_565 = arith.constant 0 : i32
      %dma_wait3A_566 = tpu.memref_slice %arg10[%dma_wait3A_564, %dma_wait3A_565] : memref<1x5008xf32, #tpu.memory_space<vmem>> -> memref<1x5000xf32, #tpu.memory_space<vmem>>
      tpu.wait_dma2 semaphore(%arg15 : memref<!tpu.dma_semaphore, #tpu.memory_space<semaphore_mem>>) src(%dma_wait3A_566 : memref<1x5000xf32, #tpu.memory_space<vmem>>) dst(%dma_wait3A_563 : memref<1x5000xf32, #tpu.memory_space<hbm>>)
      %parallel_loop3A_567 = arith.constant 0 : i32
      %parallel_loop3A_568 = arith.constant 5008 : i32
      %parallel_loop3A_569 = arith.constant 16 : i32
      scf.for %parallel_loop3A_741 = %parallel_loop3A_567 to %parallel_loop3A_568 step %parallel_loop3A_569  : i32 {
        %parallel_loop3A_742 = arith.index_cast %parallel_loop3A_741 : i32 to index
        %parallel_loop3A_743 = tpu.vector_load %arg8[%parallel_loop3A_742] {strides = array<i32>} : memref<5120xi32, #tpu.memory_space<vmem>>, vector<16xi32>,
        %parallel_loop3A_744 = tpu.vector_load_idx %arg9[%broadcast_in_dim3A_556, %parallel_loop3A_743] : memref<8x10000xf32, #tpu.memory_space<vmem>>[vector<16xi32>, vector<16xi32>], vector<16xf32>,
        %parallel_loop3A_745 = arith.constant 0.000000e+00 : f32
        %parallel_loop3A_746 = vector.broadcast %parallel_loop3A_745 : f32 to vector<16xf32>
        %parallel_loop3A_747 = arith.cmpf one, %parallel_loop3A_744, %parallel_loop3A_746 : vector<16xf32>
        %parallel_loop3A_748 = arith.extui %parallel_loop3A_747 : vector<16xi1> to vector<16xi32>
        %parallel_loop3A_749 = arith.sitofp %parallel_loop3A_748 : vector<16xi32> to vector<16xf32>
        %parallel_loop3A_750 = arith.constant 0 : i32
        %parallel_loop3A_751 = arith.index_cast %parallel_loop3A_750 : i32 to index
        %parallel_loop3A_752 = arith.index_cast %parallel_loop3A_741 : i32 to index
        %parallel_loop3A_753 = tpu.vector_load %arg10[%parallel_loop3A_751, %parallel_loop3A_752] {strides = array<i32>} : memref<1x5008xf32, #tpu.memory_space<vmem>>, vector<16xf32>,
        tpu.vector_store %arg10[%parallel_loop3A_751, %parallel_loop3A_752], %parallel_loop3A_749 {strides = array<i32>} : memref<1x5008xf32, #tpu.memory_space<vmem>>, vector<16xf32>,
      } {sc.loop_unroll_factor = 4 : i64, sc.parallel_access}
      %add3A_570 = arith.constant 6 : i32
      %add3A_571 = arith.addi %add3A_76, %add3A_570 : i32
      %jit3A_572 = arith.constant 16 : i32
      %div3A_573 = arith.divsi %add3A_571, %jit3A_572 : i32
      %sign3A_574 = arith.constant 0 : i32
      %sign3A_575 = arith.cmpi sgt, %add3A_571, %sign3A_574 : i32
      %sign3A_576 = arith.extui %sign3A_575 : i1 to i32
      %sign3A_577 = arith.constant 0 : i32
      %sign3A_578 = arith.cmpi slt, %add3A_571, %sign3A_577 : i32
      %sign3A_579 = arith.extui %sign3A_578 : i1 to i32
      %sign3A_580 = arith.subi %sign3A_576, %sign3A_579 : i32
      %sign3A_581 = arith.constant 0 : i32
      %sign3A_582 = arith.cmpi sgt, %jit3A_572, %sign3A_581 : i32
      %sign3A_583 = arith.extui %sign3A_582 : i1 to i32
      %sign3A_584 = arith.constant 0 : i32
      %sign3A_585 = arith.cmpi slt, %jit3A_572, %sign3A_584 : i32
      %sign3A_586 = arith.extui %sign3A_585 : i1 to i32
      %sign3A_587 = arith.subi %sign3A_583, %sign3A_586 : i32
      %ne3A_588 = arith.cmpi ne, %sign3A_580, %sign3A_587 : i32
      %rem3A_589 = arith.remsi %add3A_571, %jit3A_572 : i32
      %ne3A_590 = arith.constant 0 : i32
      %ne3A_591 = arith.cmpi ne, %rem3A_589, %ne3A_590 : i32
      %and3A_592 = arith.andi %ne3A_588, %ne3A_591 : i1
      %sub3A_593 = arith.constant 1 : i32
      %sub3A_594 = arith.subi %div3A_573, %sub3A_593 : i32
      %select_n3A_595 = arith.select %and3A_592, %sub3A_594, %div3A_573 : i32
      %mul3A_596 = arith.constant 16 : i32
      %mul3A_597 = arith.muli %select_n3A_595, %mul3A_596 : i32
      %jit3A_598 = arith.constant 16 : i32
      %eq3A_599 = arith.constant 0 : i32
      %eq3A_600 = arith.cmpi eq, %jit3A_598, %eq3A_599 : i32
      %jit3A_601 = arith.constant 1 : i32
      %select_n3A_602 = arith.select %eq3A_600, %jit3A_601, %jit3A_598 : i32
      %rem3A_603 = arith.remsi %add3A_571, %select_n3A_602 : i32
      %ne3A_604 = arith.constant 0 : i32
      %ne3A_605 = arith.cmpi ne, %rem3A_603, %ne3A_604 : i32
      %lt3A_606 = arith.constant 0 : i32
      %lt3A_607 = arith.cmpi slt, %rem3A_603, %lt3A_606 : i32
      %lt3A_608 = arith.constant 0 : i32
      %lt3A_609 = arith.cmpi slt, %select_n3A_602, %lt3A_608 : i32
      %ne3A_610 = arith.xori %lt3A_607, %lt3A_609 : i1
      %and3A_611 = arith.andi %ne3A_610, %ne3A_605 : i1
      %add3A_612 = arith.addi %rem3A_603, %select_n3A_602 : i32
      %select_n3A_613 = arith.select %and3A_611, %add3A_612, %rem3A_603 : i32
      %broadcast_in_dim3A_614 = vector.broadcast %select_n3A_613 : i32 to vector<16xi32>
      %iota3A_615 = tpu.iota {dimensions = array<i32: 0>} : vector<16xi32>
      %eq3A_616 = arith.cmpi eq, %iota3A_615, %broadcast_in_dim3A_614 : vector<16xi32>
      %convert_element_type3A_617 = arith.extui %eq3A_616 : vector<16xi1> to vector<16xi32>
      %convert_element_type3A_618 = arith.sitofp %convert_element_type3A_617 : vector<16xi32> to vector<16xf32>
      %get3A_619 = arith.constant 0 : i32
      %get3A_620 = arith.index_cast %get3A_619 : i32 to index
      %get3A_621 = arith.index_cast %mul3A_597 : i32 to index
      %get3A_622 = tpu.vector_load %arg10[%get3A_620, %get3A_621] {strides = array<i32>} : memref<1x5008xf32, #tpu.memory_space<vmem>>, vector<16xf32>,
      %add3A_623 = arith.addf %get3A_622, %convert_element_type3A_618 : vector<16xf32>
      %swap3A_624 = arith.constant 0 : i32
      %swap3A_625 = arith.index_cast %swap3A_624 : i32 to index
      %swap3A_626 = arith.index_cast %mul3A_597 : i32 to index
      %swap3A_627 = tpu.vector_load %arg10[%swap3A_625, %swap3A_626] {strides = array<i32>} : memref<1x5008xf32, #tpu.memory_space<vmem>>, vector<16xf32>,
      tpu.vector_store %arg10[%swap3A_625, %swap3A_626], %add3A_623 {strides = array<i32>} : memref<1x5008xf32, #tpu.memory_space<vmem>>, vector<16xf32>,
      %dma_start3A_628 = arith.constant 0 : i32
      %dma_start3A_629 = arith.constant 0 : i32
      %dma_start3A_630 = tpu.memref_slice %arg10[%dma_start3A_628, %dma_start3A_629] : memref<1x5008xf32, #tpu.memory_space<vmem>> -> memref<1x5000xf32, #tpu.memory_space<vmem>>
      %dma_start3A_631 = arith.constant 0 : i32
      %dma_start3A_632 = tpu.memref_slice %arg6[%add3A_571, %dma_start3A_631] : memref<5000x5000xf32, #tpu.memory_space<hbm>> -> memref<1x5000xf32, #tpu.memory_space<hbm>>
      %dma_start3A_633 = arith.constant 0 : i32
      %dma_start3A_634 = tpu.memref_slice %arg6[%add3A_571, %dma_start3A_633] : memref<5000x5000xf32, #tpu.memory_space<hbm>> -> memref<1x5000xf32, #tpu.memory_space<hbm>>
      %dma_start3A_635 = arith.constant 0 : i32
      %dma_start3A_636 = arith.constant 0 : i32
      %dma_start3A_637 = tpu.memref_slice %arg10[%dma_start3A_635, %dma_start3A_636] : memref<1x5008xf32, #tpu.memory_space<vmem>> -> memref<1x5000xf32, #tpu.memory_space<vmem>>
      tpu.enqueue_dma source(%dma_start3A_637 : memref<1x5000xf32, #tpu.memory_space<vmem>>) target(%dma_start3A_634 : memref<1x5000xf32, #tpu.memory_space<hbm>>) target_semaphore(%arg15 : memref<!tpu.dma_semaphore, #tpu.memory_space<semaphore_mem>>)
      %broadcast_in_dim3A_638 = arith.constant 7 : i32
      %broadcast_in_dim3A_639 = vector.broadcast %broadcast_in_dim3A_638 : i32 to vector<16xi32>
      %dma_wait3A_640 = arith.constant 0 : i32
      %dma_wait3A_641 = arith.constant 0 : i32
      %dma_wait3A_642 = tpu.memref_slice %arg11[%dma_wait3A_640, %dma_wait3A_641] : memref<1x5008xf32, #tpu.memory_space<vmem>> -> memref<1x5000xf32, #tpu.memory_space<vmem>>
      %dma_wait3A_643 = arith.constant 0 : i32
      %dma_wait3A_644 = tpu.memref_slice %arg6[%add3A_488, %dma_wait3A_643] : memref<5000x5000xf32, #tpu.memory_space<hbm>> -> memref<1x5000xf32, #tpu.memory_space<hbm>>
      %dma_wait3A_645 = arith.constant 0 : i32
      %dma_wait3A_646 = tpu.memref_slice %arg6[%add3A_488, %dma_wait3A_645] : memref<5000x5000xf32, #tpu.memory_space<hbm>> -> memref<1x5000xf32, #tpu.memory_space<hbm>>
      %dma_wait3A_647 = arith.constant 0 : i32
      %dma_wait3A_648 = arith.constant 0 : i32
      %dma_wait3A_649 = tpu.memref_slice %arg11[%dma_wait3A_647, %dma_wait3A_648] : memref<1x5008xf32, #tpu.memory_space<vmem>> -> memref<1x5000xf32, #tpu.memory_space<vmem>>
      tpu.wait_dma2 semaphore(%arg16 : memref<!tpu.dma_semaphore, #tpu.memory_space<semaphore_mem>>) src(%dma_wait3A_649 : memref<1x5000xf32, #tpu.memory_space<vmem>>) dst(%dma_wait3A_646 : memref<1x5000xf32, #tpu.memory_space<hbm>>)
      %parallel_loop3A_650 = arith.constant 0 : i32
      %parallel_loop3A_651 = arith.constant 5008 : i32
      %parallel_loop3A_652 = arith.constant 16 : i32
      scf.for %parallel_loop3A_741 = %parallel_loop3A_650 to %parallel_loop3A_651 step %parallel_loop3A_652  : i32 {
        %parallel_loop3A_742 = arith.index_cast %parallel_loop3A_741 : i32 to index
        %parallel_loop3A_743 = tpu.vector_load %arg8[%parallel_loop3A_742] {strides = array<i32>} : memref<5120xi32, #tpu.memory_space<vmem>>, vector<16xi32>,
        %parallel_loop3A_744 = tpu.vector_load_idx %arg9[%broadcast_in_dim3A_639, %parallel_loop3A_743] : memref<8x10000xf32, #tpu.memory_space<vmem>>[vector<16xi32>, vector<16xi32>], vector<16xf32>,
        %parallel_loop3A_745 = arith.constant 0.000000e+00 : f32
        %parallel_loop3A_746 = vector.broadcast %parallel_loop3A_745 : f32 to vector<16xf32>
        %parallel_loop3A_747 = arith.cmpf one, %parallel_loop3A_744, %parallel_loop3A_746 : vector<16xf32>
        %parallel_loop3A_748 = arith.extui %parallel_loop3A_747 : vector<16xi1> to vector<16xi32>
        %parallel_loop3A_749 = arith.sitofp %parallel_loop3A_748 : vector<16xi32> to vector<16xf32>
        %parallel_loop3A_750 = arith.constant 0 : i32
        %parallel_loop3A_751 = arith.index_cast %parallel_loop3A_750 : i32 to index
        %parallel_loop3A_752 = arith.index_cast %parallel_loop3A_741 : i32 to index
        %parallel_loop3A_753 = tpu.vector_load %arg11[%parallel_loop3A_751, %parallel_loop3A_752] {strides = array<i32>} : memref<1x5008xf32, #tpu.memory_space<vmem>>, vector<16xf32>,
        tpu.vector_store %arg11[%parallel_loop3A_751, %parallel_loop3A_752], %parallel_loop3A_749 {strides = array<i32>} : memref<1x5008xf32, #tpu.memory_space<vmem>>, vector<16xf32>,
      } {sc.loop_unroll_factor = 4 : i64, sc.parallel_access}
      %add3A_653 = arith.constant 7 : i32
      %add3A_654 = arith.addi %add3A_76, %add3A_653 : i32
      %jit3A_655 = arith.constant 16 : i32
      %div3A_656 = arith.divsi %add3A_654, %jit3A_655 : i32
      %sign3A_657 = arith.constant 0 : i32
      %sign3A_658 = arith.cmpi sgt, %add3A_654, %sign3A_657 : i32
      %sign3A_659 = arith.extui %sign3A_658 : i1 to i32
      %sign3A_660 = arith.constant 0 : i32
      %sign3A_661 = arith.cmpi slt, %add3A_654, %sign3A_660 : i32
      %sign3A_662 = arith.extui %sign3A_661 : i1 to i32
      %sign3A_663 = arith.subi %sign3A_659, %sign3A_662 : i32
      %sign3A_664 = arith.constant 0 : i32
      %sign3A_665 = arith.cmpi sgt, %jit3A_655, %sign3A_664 : i32
      %sign3A_666 = arith.extui %sign3A_665 : i1 to i32
      %sign3A_667 = arith.constant 0 : i32
      %sign3A_668 = arith.cmpi slt, %jit3A_655, %sign3A_667 : i32
      %sign3A_669 = arith.extui %sign3A_668 : i1 to i32
      %sign3A_670 = arith.subi %sign3A_666, %sign3A_669 : i32
      %ne3A_671 = arith.cmpi ne, %sign3A_663, %sign3A_670 : i32
      %rem3A_672 = arith.remsi %add3A_654, %jit3A_655 : i32
      %ne3A_673 = arith.constant 0 : i32
      %ne3A_674 = arith.cmpi ne, %rem3A_672, %ne3A_673 : i32
      %and3A_675 = arith.andi %ne3A_671, %ne3A_674 : i1
      %sub3A_676 = arith.constant 1 : i32
      %sub3A_677 = arith.subi %div3A_656, %sub3A_676 : i32
      %select_n3A_678 = arith.select %and3A_675, %sub3A_677, %div3A_656 : i32
      %mul3A_679 = arith.constant 16 : i32
      %mul3A_680 = arith.muli %select_n3A_678, %mul3A_679 : i32
      %jit3A_681 = arith.constant 16 : i32
      %eq3A_682 = arith.constant 0 : i32
      %eq3A_683 = arith.cmpi eq, %jit3A_681, %eq3A_682 : i32
      %jit3A_684 = arith.constant 1 : i32
      %select_n3A_685 = arith.select %eq3A_683, %jit3A_684, %jit3A_681 : i32
      %rem3A_686 = arith.remsi %add3A_654, %select_n3A_685 : i32
      %ne3A_687 = arith.constant 0 : i32
      %ne3A_688 = arith.cmpi ne, %rem3A_686, %ne3A_687 : i32
      %lt3A_689 = arith.constant 0 : i32
      %lt3A_690 = arith.cmpi slt, %rem3A_686, %lt3A_689 : i32
      %lt3A_691 = arith.constant 0 : i32
      %lt3A_692 = arith.cmpi slt, %select_n3A_685, %lt3A_691 : i32
      %ne3A_693 = arith.xori %lt3A_690, %lt3A_692 : i1
      %and3A_694 = arith.andi %ne3A_693, %ne3A_688 : i1
      %add3A_695 = arith.addi %rem3A_686, %select_n3A_685 : i32
      %select_n3A_696 = arith.select %and3A_694, %add3A_695, %rem3A_686 : i32
      %broadcast_in_dim3A_697 = vector.broadcast %select_n3A_696 : i32 to vector<16xi32>
      %iota3A_698 = tpu.iota {dimensions = array<i32: 0>} : vector<16xi32>
      %eq3A_699 = arith.cmpi eq, %iota3A_698, %broadcast_in_dim3A_697 : vector<16xi32>
      %convert_element_type3A_700 = arith.extui %eq3A_699 : vector<16xi1> to vector<16xi32>
      %convert_element_type3A_701 = arith.sitofp %convert_element_type3A_700 : vector<16xi32> to vector<16xf32>
      %get3A_702 = arith.constant 0 : i32
      %get3A_703 = arith.index_cast %get3A_702 : i32 to index
      %get3A_704 = arith.index_cast %mul3A_680 : i32 to index
      %get3A_705 = tpu.vector_load %arg11[%get3A_703, %get3A_704] {strides = array<i32>} : memref<1x5008xf32, #tpu.memory_space<vmem>>, vector<16xf32>,
      %add3A_706 = arith.addf %get3A_705, %convert_element_type3A_701 : vector<16xf32>
      %swap3A_707 = arith.constant 0 : i32
      %swap3A_708 = arith.index_cast %swap3A_707 : i32 to index
      %swap3A_709 = arith.index_cast %mul3A_680 : i32 to index
      %swap3A_710 = tpu.vector_load %arg11[%swap3A_708, %swap3A_709] {strides = array<i32>} : memref<1x5008xf32, #tpu.memory_space<vmem>>, vector<16xf32>,
      tpu.vector_store %arg11[%swap3A_708, %swap3A_709], %add3A_706 {strides = array<i32>} : memref<1x5008xf32, #tpu.memory_space<vmem>>, vector<16xf32>,
      %dma_start3A_711 = arith.constant 0 : i32
      %dma_start3A_712 = arith.constant 0 : i32
      %dma_start3A_713 = tpu.memref_slice %arg11[%dma_start3A_711, %dma_start3A_712] : memref<1x5008xf32, #tpu.memory_space<vmem>> -> memref<1x5000xf32, #tpu.memory_space<vmem>>
      %dma_start3A_714 = arith.constant 0 : i32
      %dma_start3A_715 = tpu.memref_slice %arg6[%add3A_654, %dma_start3A_714] : memref<5000x5000xf32, #tpu.memory_space<hbm>> -> memref<1x5000xf32, #tpu.memory_space<hbm>>
      %dma_start3A_716 = arith.constant 0 : i32
      %dma_start3A_717 = tpu.memref_slice %arg6[%add3A_654, %dma_start3A_716] : memref<5000x5000xf32, #tpu.memory_space<hbm>> -> memref<1x5000xf32, #tpu.memory_space<hbm>>
      %dma_start3A_718 = arith.constant 0 : i32
      %dma_start3A_719 = arith.constant 0 : i32
      %dma_start3A_720 = tpu.memref_slice %arg11[%dma_start3A_718, %dma_start3A_719] : memref<1x5008xf32, #tpu.memory_space<vmem>> -> memref<1x5000xf32, #tpu.memory_space<vmem>>
      tpu.enqueue_dma source(%dma_start3A_720 : memref<1x5000xf32, #tpu.memory_space<vmem>>) target(%dma_start3A_717 : memref<1x5000xf32, #tpu.memory_space<hbm>>) target_semaphore(%arg16 : memref<!tpu.dma_semaphore, #tpu.memory_space<semaphore_mem>>)
      %dma_wait3A_721 = arith.constant 0 : i32
      %dma_wait3A_722 = arith.constant 0 : i32
      %dma_wait3A_723 = tpu.memref_slice %arg10[%dma_wait3A_721, %dma_wait3A_722] : memref<1x5008xf32, #tpu.memory_space<vmem>> -> memref<1x5000xf32, #tpu.memory_space<vmem>>
      %dma_wait3A_724 = arith.constant 0 : i32
      %dma_wait3A_725 = tpu.memref_slice %arg6[%add3A_571, %dma_wait3A_724] : memref<5000x5000xf32, #tpu.memory_space<hbm>> -> memref<1x5000xf32, #tpu.memory_space<hbm>>
      %dma_wait3A_726 = arith.constant 0 : i32
      %dma_wait3A_727 = tpu.memref_slice %arg6[%add3A_571, %dma_wait3A_726] : memref<5000x5000xf32, #tpu.memory_space<hbm>> -> memref<1x5000xf32, #tpu.memory_space<hbm>>
      %dma_wait3A_728 = arith.constant 0 : i32
      %dma_wait3A_729 = arith.constant 0 : i32
      %dma_wait3A_730 = tpu.memref_slice %arg10[%dma_wait3A_728, %dma_wait3A_729] : memref<1x5008xf32, #tpu.memory_space<vmem>> -> memref<1x5000xf32, #tpu.memory_space<vmem>>
      tpu.wait_dma2 semaphore(%arg15 : memref<!tpu.dma_semaphore, #tpu.memory_space<semaphore_mem>>) src(%dma_wait3A_730 : memref<1x5000xf32, #tpu.memory_space<vmem>>) dst(%dma_wait3A_727 : memref<1x5000xf32, #tpu.memory_space<hbm>>)
      %dma_wait3A_731 = arith.constant 0 : i32
      %dma_wait3A_732 = arith.constant 0 : i32
      %dma_wait3A_733 = tpu.memref_slice %arg11[%dma_wait3A_731, %dma_wait3A_732] : memref<1x5008xf32, #tpu.memory_space<vmem>> -> memref<1x5000xf32, #tpu.memory_space<vmem>>
      %dma_wait3A_734 = arith.constant 0 : i32
      %dma_wait3A_735 = tpu.memref_slice %arg6[%add3A_654, %dma_wait3A_734] : memref<5000x5000xf32, #tpu.memory_space<hbm>> -> memref<1x5000xf32, #tpu.memory_space<hbm>>
      %dma_wait3A_736 = arith.constant 0 : i32
      %dma_wait3A_737 = tpu.memref_slice %arg6[%add3A_654, %dma_wait3A_736] : memref<5000x5000xf32, #tpu.memory_space<hbm>> -> memref<1x5000xf32, #tpu.memory_space<hbm>>
      %dma_wait3A_738 = arith.constant 0 : i32
      %dma_wait3A_739 = arith.constant 0 : i32
      %dma_wait3A_740 = tpu.memref_slice %arg11[%dma_wait3A_738, %dma_wait3A_739] : memref<1x5008xf32, #tpu.memory_space<vmem>> -> memref<1x5000xf32, #tpu.memory_space<vmem>>
      tpu.wait_dma2 semaphore(%arg16 : memref<!tpu.dma_semaphore, #tpu.memory_space<semaphore_mem>>) src(%dma_wait3A_740 : memref<1x5000xf32, #tpu.memory_space<vmem>>) dst(%dma_wait3A_737 : memref<1x5000xf32, #tpu.memory_space<hbm>>)
    }
    return
  }
}

module attributes {stable_mosaic.version = 14 : i64} {
  func.func @_ranks_body(%arg0: i32, %arg1: i32, %arg2: memref<1024x1xf32, #tpu.memory_space<vmem>>, %arg3: memref<1x1024xf32, #tpu.memory_space<vmem>>, %arg4: memref<1024x1xi32, #tpu.memory_space<vmem>>) attributes {dimension_semantics = [#tpu.dimension_semantics<arbitrary>, #tpu.dimension_semantics<arbitrary>], iteration_bounds = array<i64: 10, 10>, scalar_prefetch = 0 : i64, scratch_operands = 0 : i64, tpu.core_type = #tpu.core_type<tc>, window_params = [{transform_indices = @transform_0, window_bounds = array<i64: 1024, 1>}, {transform_indices = @transform_1, window_bounds = array<i64: 1, 1024>}, {transform_indices = @transform_2, window_bounds = array<i64: 1024, 1>}]} {
    %eq3A = arith.constant 0 : i32
    %eq3A_0 = arith.cmpi eq, %arg1, %eq3A : i32
    %convert_element_type3A = arith.extui %eq3A_0 : i1 to i32
    %cond3A = arith.constant 0 : i32
    %cond3A_1 = arith.cmpi ne, %convert_element_type3A, %cond3A : i32
    scf.if %cond3A_1 {
      %broadcast_in_dim3A_35 = arith.constant 0 : i32
      %broadcast_in_dim3A_36 = vector.broadcast %broadcast_in_dim3A_35 : i32 to vector<1024x1xi32>
      %swap3A_37 = arith.constant 0 : index
      %swap3A_38 = arith.constant 0 : index
      %swap3A_39 = vector.load %arg4[%swap3A_37, %swap3A_38] : memref<1024x1xi32, #tpu.memory_space<vmem>>, vector<1024x1xi32>
      tpu.vector_store %arg4[%swap3A_37, %swap3A_38], %broadcast_in_dim3A_36 {strides = array<i32>} : memref<1024x1xi32, #tpu.memory_space<vmem>>, vector<1024x1xi32>,
    } else {
    }
    %get3A = arith.constant 0 : index
    %get3A_2 = arith.constant 0 : index
    %get3A_3 = vector.load %arg2[%get3A, %get3A_2] : memref<1024x1xf32, #tpu.memory_space<vmem>>, vector<1024x1xf32>
    %get3A_4 = arith.constant 0 : index
    %get3A_5 = arith.constant 0 : index
    %get3A_6 = vector.load %arg3[%get3A_4, %get3A_5] : memref<1x1024xf32, #tpu.memory_space<vmem>>, vector<1x1024xf32>
    %mul3A = arith.constant 1024 : i32
    %mul3A_7 = arith.muli %arg0, %mul3A : i32
    %iota3A = tpu.iota {dimensions = array<i32: 0>} : vector<1024x1xi32>
    %add3A = vector.broadcast %mul3A_7 : i32 to vector<1024x1xi32>
    %add3A_8 = arith.addi %add3A, %iota3A : vector<1024x1xi32>
    %mul3A_9 = arith.constant 1024 : i32
    %mul3A_10 = arith.muli %arg1, %mul3A_9 : i32
    %iota3A_11 = tpu.iota {dimensions = array<i32: 1>} : vector<1x1024xi32>
    %add3A_12 = vector.broadcast %mul3A_10 : i32 to vector<1x1024xi32>
    %add3A_13 = arith.addi %add3A_12, %iota3A_11 : vector<1x1024xi32>
    %gt3A = vector.broadcast %get3A_6 : vector<1x1024xf32> to vector<1024x1024xf32>
    %gt3A_14 = vector.broadcast %get3A_3 : vector<1024x1xf32> to vector<1024x1024xf32>
    %gt3A_15 = arith.cmpf ogt, %gt3A, %gt3A_14 : vector<1024x1024xf32>
    %convert_element_type3A_16 = arith.extui %gt3A_15 : vector<1024x1024xi1> to vector<1024x1024xi32>
    %convert_element_type3A_17 = arith.sitofp %convert_element_type3A_16 : vector<1024x1024xi32> to vector<1024x1024xf32>
    %eq3A_18 = vector.broadcast %get3A_6 : vector<1x1024xf32> to vector<1024x1024xf32>
    %eq3A_19 = vector.broadcast %get3A_3 : vector<1024x1xf32> to vector<1024x1024xf32>
    %eq3A_20 = arith.cmpf oeq, %eq3A_18, %eq3A_19 : vector<1024x1024xf32>
    %lt3A = vector.broadcast %add3A_13 : vector<1x1024xi32> to vector<1024x1024xi32>
    %lt3A_21 = vector.broadcast %add3A_8 : vector<1024x1xi32> to vector<1024x1024xi32>
    %lt3A_22 = arith.cmpi slt, %lt3A, %lt3A_21 : vector<1024x1024xi32>
    %and3A = arith.andi %eq3A_20, %lt3A_22 : vector<1024x1024xi1>
    %convert_element_type3A_23 = arith.extui %and3A : vector<1024x1024xi1> to vector<1024x1024xi32>
    %convert_element_type3A_24 = arith.sitofp %convert_element_type3A_23 : vector<1024x1024xi32> to vector<1024x1024xf32>
    %add3A_25 = arith.addf %convert_element_type3A_17, %convert_element_type3A_24 : vector<1024x1024xf32>
    %broadcast_in_dim3A = arith.constant 1.000000e+00 : f32
    %broadcast_in_dim3A_26 = vector.broadcast %broadcast_in_dim3A : f32 to vector<1024x1xf32>
    %get3A_27 = arith.constant 0 : index
    %get3A_28 = arith.constant 0 : index
    %get3A_29 = vector.load %arg4[%get3A_27, %get3A_28] : memref<1024x1xi32, #tpu.memory_space<vmem>>, vector<1024x1xi32>
    %dot_general3A = arith.constant dense<0.000000e+00> : vector<1024x1xf32>
    %dot_general3A_30 = tpu.matmul %add3A_25, %broadcast_in_dim3A_26, %dot_general3A {dimension_numbers = #tpu.dot_dimension_numbers<[1], [0], [0], [1], [0, 0, 1, 1], [], []>, transpose_lhs_hint = false} : vector<1024x1024xf32>, vector<1024x1xf32>, vector<1024x1xf32> -> vector<1024x1xf32>
    %convert_element_type3A_31 = arith.fptosi %dot_general3A_30 : vector<1024x1xf32> to vector<1024x1xi32>
    %add3A_32 = arith.addi %get3A_29, %convert_element_type3A_31 : vector<1024x1xi32>
    %swap3A = arith.constant 0 : index
    %swap3A_33 = arith.constant 0 : index
    %swap3A_34 = vector.load %arg4[%swap3A, %swap3A_33] : memref<1024x1xi32, #tpu.memory_space<vmem>>, vector<1024x1xi32>
    tpu.vector_store %arg4[%swap3A, %swap3A_33], %add3A_32 {strides = array<i32>} : memref<1024x1xi32, #tpu.memory_space<vmem>>, vector<1024x1xi32>,
    return
  }
  func.func @transform_0(%arg0: i32, %arg1: i32) -> (i32, i32) {
    %c0_i32 = arith.constant 0 : i32
    %c0_i32_0 = arith.constant 0 : i32
    return %arg0, %c0_i32 : i32, i32
  }
  func.func @transform_1(%arg0: i32, %arg1: i32) -> (i32, i32) {
    %c0_i32 = arith.constant 0 : i32
    %c0_i32_0 = arith.constant 0 : i32
    return %c0_i32, %arg1 : i32, i32
  }
  func.func @transform_2(%arg0: i32, %arg1: i32) -> (i32, i32) {
    %c0_i32 = arith.constant 0 : i32
    %c0_i32_0 = arith.constant 0 : i32
    return %arg0, %c0_i32 : i32, i32
  }
}

module attributes {stable_mosaic.version = 14 : i64} {
  func.func @_scores_body(%arg0: i32, %arg1: memref<1024x128xf32, #tpu.memory_space<vmem>>, %arg2: memref<128x1xf32, #tpu.memory_space<vmem>>, %arg3: memref<1x1xf32, #tpu.memory_space<vmem>>, %arg4: memref<1024x1xf32, #tpu.memory_space<vmem>>, %arg5: memref<1x1024xf32, #tpu.memory_space<vmem>>) attributes {dimension_semantics = [#tpu.dimension_semantics<arbitrary>], iteration_bounds = array<i64: 10>, scalar_prefetch = 0 : i64, scratch_operands = 0 : i64, tpu.core_type = #tpu.core_type<tc>, window_params = [{transform_indices = @transform_0, window_bounds = array<i64: 1024, 128>}, {pipeline_mode = #tpu.pipeline_mode<synchronous>, transform_indices = @transform_1, window_bounds = array<i64: 128, 1>}, {pipeline_mode = #tpu.pipeline_mode<synchronous>, transform_indices = @transform_2, window_bounds = array<i64: 1, 1>}, {transform_indices = @transform_3, window_bounds = array<i64: 1024, 1>}, {transform_indices = @transform_4, window_bounds = array<i64: 1, 1024>}]} {
    %get3A = arith.constant 0 : index
    %get3A_0 = arith.constant 0 : index
    %get3A_1 = vector.load %arg1[%get3A, %get3A_0] : memref<1024x128xf32, #tpu.memory_space<vmem>>, vector<1024x128xf32>
    %get3A_2 = arith.constant 0 : index
    %get3A_3 = arith.constant 0 : index
    %get3A_4 = vector.load %arg2[%get3A_2, %get3A_3] : memref<128x1xf32, #tpu.memory_space<vmem>>, vector<128x1xf32>
    %dot_general3A = arith.constant dense<0.000000e+00> : vector<1024x1xf32>
    %dot_general3A_5 = tpu.matmul %get3A_1, %get3A_4, %dot_general3A {dimension_numbers = #tpu.dot_dimension_numbers<[1], [0], [0], [1], [0, 0, 1, 1], [], []>, transpose_lhs_hint = false} : vector<1024x128xf32>, vector<128x1xf32>, vector<1024x1xf32> -> vector<1024x1xf32>
    %get3A_6 = arith.constant 0 : index
    %get3A_7 = arith.constant 0 : index
    %get3A_8 = vector.load %arg3[%get3A_6, %get3A_7] : memref<1x1xf32, #tpu.memory_space<vmem>>, vector<1x1xf32>
    %get3A_9 = vector.extract %get3A_8[0, 0] : f32 from vector<1x1xf32>
    %add3A = vector.broadcast %get3A_9 : f32 to vector<1024x1xf32>
    %add3A_10 = arith.addf %dot_general3A_5, %add3A : vector<1024x1xf32>
    %logistic3A = arith.negf %add3A_10 : vector<1024x1xf32>
    %logistic3A_11 = math.exp %logistic3A : vector<1024x1xf32>
    %logistic3A_12 = arith.constant 1.000000e+00 : f32
    %logistic3A_13 = vector.broadcast %logistic3A_12 : f32 to vector<1024x1xf32>
    %logistic3A_14 = arith.addf %logistic3A_13, %logistic3A_11 : vector<1024x1xf32>
    %logistic3A_15 = arith.divf %logistic3A_13, %logistic3A_14 : vector<1024x1xf32>
    %mul3A = arith.constant 1024 : i32
    %mul3A_16 = arith.muli %arg0, %mul3A : i32
    %iota3A = tpu.iota {dimensions = array<i32: 0>} : vector<1024x1xi32>
    %add3A_17 = vector.broadcast %mul3A_16 : i32 to vector<1024x1xi32>
    %add3A_18 = arith.addi %add3A_17, %iota3A : vector<1024x1xi32>
    %lt3A = arith.constant 10000 : i32
    %lt3A_19 = vector.broadcast %lt3A : i32 to vector<1024x1xi32>
    %lt3A_20 = arith.cmpi slt, %add3A_18, %lt3A_19 : vector<1024x1xi32>
    %jit3A = arith.constant -1.000000e+00 : f32
    %broadcast_in_dim3A = vector.broadcast %jit3A : f32 to vector<1024x1xf32>
    %select_n3A = arith.select %lt3A_20, %logistic3A_15, %broadcast_in_dim3A : vector<1024x1xi1>, vector<1024x1xf32>
    %swap3A = arith.constant 0 : index
    %swap3A_21 = arith.constant 0 : index
    %swap3A_22 = vector.load %arg4[%swap3A, %swap3A_21] : memref<1024x1xf32, #tpu.memory_space<vmem>>, vector<1024x1xf32>
    tpu.vector_store %arg4[%swap3A, %swap3A_21], %select_n3A {strides = array<i32>} : memref<1024x1xf32, #tpu.memory_space<vmem>>, vector<1024x1xf32>,
    %reshape3A = vector.shape_cast %select_n3A : vector<1024x1xf32> to vector<1x1024xf32>
    %swap3A_23 = arith.constant 0 : index
    %swap3A_24 = arith.constant 0 : index
    %swap3A_25 = vector.load %arg5[%swap3A_23, %swap3A_24] : memref<1x1024xf32, #tpu.memory_space<vmem>>, vector<1x1024xf32>
    tpu.vector_store %arg5[%swap3A_23, %swap3A_24], %reshape3A {strides = array<i32>} : memref<1x1024xf32, #tpu.memory_space<vmem>>, vector<1x1024xf32>,
    return
  }
  func.func @transform_0(%arg0: i32) -> (i32, i32) {
    %c0_i32 = arith.constant 0 : i32
    %c0_i32_0 = arith.constant 0 : i32
    return %arg0, %c0_i32 : i32, i32
  }
  func.func @transform_1(%arg0: i32) -> (i32, i32) {
    %c0_i32 = arith.constant 0 : i32
    %c0_i32_0 = arith.constant 0 : i32
    %c0_i32_1 = arith.constant 0 : i32
    return %c0_i32, %c0_i32_0 : i32, i32
  }
  func.func @transform_2(%arg0: i32) -> (i32, i32) {
    %c0_i32 = arith.constant 0 : i32
    %c0_i32_0 = arith.constant 0 : i32
    %c0_i32_1 = arith.constant 0 : i32
    return %c0_i32, %c0_i32_0 : i32, i32
  }
  func.func @transform_3(%arg0: i32) -> (i32, i32) {
    %c0_i32 = arith.constant 0 : i32
    %c0_i32_0 = arith.constant 0 : i32
    return %arg0, %c0_i32 : i32, i32
  }
  func.func @transform_4(%arg0: i32) -> (i32, i32) {
    %c0_i32 = arith.constant 0 : i32
    %c0_i32_0 = arith.constant 0 : i32
    return %c0_i32, %arg0 : i32, i32
  }
}

module attributes {stable_mosaic.version = 14 : i64} {
  func.func @_select_body(%arg0: i32, %arg1: i32, %arg2: memref<1024x1xi32, #tpu.memory_space<vmem>>, %arg3: memref<1024x1xf32, #tpu.memory_space<vmem>>, %arg4: memref<1x1024xi32, #tpu.memory_space<vmem>>, %arg5: memref<1x1024xf32, #tpu.memory_space<vmem>>) attributes {dimension_semantics = [#tpu.dimension_semantics<arbitrary>, #tpu.dimension_semantics<arbitrary>], iteration_bounds = array<i64: 5, 10>, scalar_prefetch = 0 : i64, scratch_operands = 0 : i64, tpu.core_type = #tpu.core_type<tc>, window_params = [{transform_indices = @transform_0, window_bounds = array<i64: 1024, 1>}, {transform_indices = @transform_1, window_bounds = array<i64: 1024, 1>}, {transform_indices = @transform_2, window_bounds = array<i64: 1, 1024>}, {transform_indices = @transform_3, window_bounds = array<i64: 1, 1024>}]} {
    %eq3A = arith.constant 0 : i32
    %eq3A_0 = arith.cmpi eq, %arg1, %eq3A : i32
    %convert_element_type3A = arith.extui %eq3A_0 : i1 to i32
    %cond3A = arith.constant 0 : i32
    %cond3A_1 = arith.cmpi ne, %convert_element_type3A, %cond3A : i32
    scf.if %cond3A_1 {
      %broadcast_in_dim3A_42 = arith.constant 0 : i32
      %broadcast_in_dim3A_43 = vector.broadcast %broadcast_in_dim3A_42 : i32 to vector<1x1024xi32>
      %swap3A_44 = arith.constant 0 : index
      %swap3A_45 = arith.constant 0 : index
      %swap3A_46 = vector.load %arg4[%swap3A_44, %swap3A_45] : memref<1x1024xi32, #tpu.memory_space<vmem>>, vector<1x1024xi32>
      tpu.vector_store %arg4[%swap3A_44, %swap3A_45], %broadcast_in_dim3A_43 {strides = array<i32>} : memref<1x1024xi32, #tpu.memory_space<vmem>>, vector<1x1024xi32>,
      %broadcast_in_dim3A_47 = arith.constant 0.000000e+00 : f32
      %broadcast_in_dim3A_48 = vector.broadcast %broadcast_in_dim3A_47 : f32 to vector<1x1024xf32>
      %swap3A_49 = arith.constant 0 : index
      %swap3A_50 = arith.constant 0 : index
      %swap3A_51 = vector.load %arg5[%swap3A_49, %swap3A_50] : memref<1x1024xf32, #tpu.memory_space<vmem>>, vector<1x1024xf32>
      tpu.vector_store %arg5[%swap3A_49, %swap3A_50], %broadcast_in_dim3A_48 {strides = array<i32>} : memref<1x1024xf32, #tpu.memory_space<vmem>>, vector<1x1024xf32>,
    } else {
    }
    %get3A = arith.constant 0 : index
    %get3A_2 = arith.constant 0 : index
    %get3A_3 = vector.load %arg2[%get3A, %get3A_2] : memref<1024x1xi32, #tpu.memory_space<vmem>>, vector<1024x1xi32>
    %get3A_4 = arith.constant 0 : index
    %get3A_5 = arith.constant 0 : index
    %get3A_6 = vector.load %arg3[%get3A_4, %get3A_5] : memref<1024x1xf32, #tpu.memory_space<vmem>>, vector<1024x1xf32>
    %mul3A = arith.constant 1024 : i32
    %mul3A_7 = arith.muli %arg0, %mul3A : i32
    %iota3A = tpu.iota {dimensions = array<i32: 1>} : vector<1x1024xi32>
    %add3A = vector.broadcast %mul3A_7 : i32 to vector<1x1024xi32>
    %add3A_8 = arith.addi %add3A, %iota3A : vector<1x1024xi32>
    %mul3A_9 = arith.constant 1024 : i32
    %mul3A_10 = arith.muli %arg1, %mul3A_9 : i32
    %iota3A_11 = tpu.iota {dimensions = array<i32: 0>} : vector<1024x1xi32>
    %add3A_12 = vector.broadcast %mul3A_10 : i32 to vector<1024x1xi32>
    %add3A_13 = arith.addi %add3A_12, %iota3A_11 : vector<1024x1xi32>
    %eq3A_14 = vector.broadcast %get3A_3 : vector<1024x1xi32> to vector<1024x1024xi32>
    %eq3A_15 = vector.broadcast %add3A_8 : vector<1x1024xi32> to vector<1024x1024xi32>
    %eq3A_16 = arith.cmpi eq, %eq3A_14, %eq3A_15 : vector<1024x1024xi32>
    %get3A_17 = arith.constant 0 : index
    %get3A_18 = arith.constant 0 : index
    %get3A_19 = vector.load %arg4[%get3A_17, %get3A_18] : memref<1x1024xi32, #tpu.memory_space<vmem>>, vector<1x1024xi32>
    %jit3A = arith.constant 0 : i32
    %broadcast_in_dim3A = vector.shape_cast %add3A_13 : vector<1024x1xi32> to vector<1024x1xi32>
    %broadcast_in_dim3A_20 = vector.broadcast %broadcast_in_dim3A : vector<1024x1xi32> to vector<1024x1024xi32>
    %broadcast_in_dim3A_21 = vector.broadcast %jit3A : i32 to vector<1024x1024xi32>
    %select_n3A = arith.select %eq3A_16, %broadcast_in_dim3A_20, %broadcast_in_dim3A_21 : vector<1024x1024xi1>, vector<1024x1024xi32>
    %reduce_sum3A = arith.constant dense<0> : vector<1024xi32>
    %reduce_sum3A_22 = vector.multi_reduction <add>, %select_n3A, %reduce_sum3A [0] : vector<1024x1024xi32> to vector<1024xi32>
    %broadcast_in_dim3A_23 = vector.shape_cast %reduce_sum3A_22 : vector<1024xi32> to vector<1x1024xi32>
    %add3A_24 = arith.addi %get3A_19, %broadcast_in_dim3A_23 : vector<1x1024xi32>
    %swap3A = arith.constant 0 : index
    %swap3A_25 = arith.constant 0 : index
    %swap3A_26 = vector.load %arg4[%swap3A, %swap3A_25] : memref<1x1024xi32, #tpu.memory_space<vmem>>, vector<1x1024xi32>
    tpu.vector_store %arg4[%swap3A, %swap3A_25], %add3A_24 {strides = array<i32>} : memref<1x1024xi32, #tpu.memory_space<vmem>>, vector<1x1024xi32>,
    %get3A_27 = arith.constant 0 : index
    %get3A_28 = arith.constant 0 : index
    %get3A_29 = vector.load %arg5[%get3A_27, %get3A_28] : memref<1x1024xf32, #tpu.memory_space<vmem>>, vector<1x1024xf32>
    %jit3A_30 = arith.constant 0.000000e+00 : f32
    %broadcast_in_dim3A_31 = vector.shape_cast %get3A_6 : vector<1024x1xf32> to vector<1024x1xf32>
    %broadcast_in_dim3A_32 = vector.broadcast %broadcast_in_dim3A_31 : vector<1024x1xf32> to vector<1024x1024xf32>
    %broadcast_in_dim3A_33 = vector.broadcast %jit3A_30 : f32 to vector<1024x1024xf32>
    %select_n3A_34 = arith.select %eq3A_16, %broadcast_in_dim3A_32, %broadcast_in_dim3A_33 : vector<1024x1024xi1>, vector<1024x1024xf32>
    %reduce_sum3A_35 = arith.constant dense<0.000000e+00> : vector<1024xf32>
    %reduce_sum3A_36 = vector.multi_reduction <add>, %select_n3A_34, %reduce_sum3A_35 [0] : vector<1024x1024xf32> to vector<1024xf32>
    %broadcast_in_dim3A_37 = vector.shape_cast %reduce_sum3A_36 : vector<1024xf32> to vector<1x1024xf32>
    %add3A_38 = arith.addf %get3A_29, %broadcast_in_dim3A_37 : vector<1x1024xf32>
    %swap3A_39 = arith.constant 0 : index
    %swap3A_40 = arith.constant 0 : index
    %swap3A_41 = vector.load %arg5[%swap3A_39, %swap3A_40] : memref<1x1024xf32, #tpu.memory_space<vmem>>, vector<1x1024xf32>
    tpu.vector_store %arg5[%swap3A_39, %swap3A_40], %add3A_38 {strides = array<i32>} : memref<1x1024xf32, #tpu.memory_space<vmem>>, vector<1x1024xf32>,
    return
  }
  func.func @transform_0(%arg0: i32, %arg1: i32) -> (i32, i32) {
    %c0_i32 = arith.constant 0 : i32
    %c0_i32_0 = arith.constant 0 : i32
    return %arg1, %c0_i32 : i32, i32
  }
  func.func @transform_1(%arg0: i32, %arg1: i32) -> (i32, i32) {
    %c0_i32 = arith.constant 0 : i32
    %c0_i32_0 = arith.constant 0 : i32
    return %arg1, %c0_i32 : i32, i32
  }
  func.func @transform_2(%arg0: i32, %arg1: i32) -> (i32, i32) {
    %c0_i32 = arith.constant 0 : i32
    %c0_i32_0 = arith.constant 0 : i32
    return %c0_i32, %arg0 : i32, i32
  }
  func.func @transform_3(%arg0: i32, %arg1: i32) -> (i32, i32) {
    %c0_i32 = arith.constant 0 : i32
    %c0_i32_0 = arith.constant 0 : i32
    return %c0_i32, %arg0 : i32, i32
  }
}

</mosaic_0001>

<sc_bundles>
// kernel: kernel.6.cloned.1.call-start
scs
__scs_entry_jumppad:
0x0: {  	(pc) =	sbr.rel $0x88, $3  }
0x1: {  	(tag) =	ssettag $0x0;
	lr =	simm.s32 $0x1  }
0x2: {  	[smem:$0x3F9D] =	sst lr;
	_ =	strace $0xD0000000  }
0x3: {  	_ = 	snop  }
0x4: {  	_ = 	snop  }
0x5: {  	_ = 	snop  }
0x6: {  	_ = 	snop  }
0x7: {  	_ = 	snop  }
__scs_overlays_trampoline_lowered:
0x8: {  	[smem:$0x3FAC] =	sst s0  }
0x9: {  	[smem:$0x3FAD] =	sst s1  }
0xa: {  	[smem:$0x3FAE] =	sst s2  }
0xb: {  	[smem:$0x3FAF] =	sst s3  }
0xc: {  	[smem:$0x3FB0] =	sst s4  }
0xd: {  	[smem:$0x3FB1] =	sst s5  }
0xe: {  	[smem:$0x3FB2] =	sst s6  }
0xf: {  	[smem:$0x3FB3] =	sst s7  }
0x10: {  	[smem:$0x3FB4] =	sst s8  }
0x11: {  	[smem:$0x3FB5] =	sst s9;
	s0 =	simm.s32 @!p0 $0x0  }
0x12: {  	s1 =	sld [smem:$0x3F9B];
	s0 =	simm.s32 @p0 $0x1  }
0x13: {  	[smem:$0x3FB6] =	sst s0;
	s0 =	simm.s32 @!p1 $0x0  }
0x14: {  	s2 =	sld [smem:$0x3F9A];
	s0 =	simm.s32 @p1 $0x1  }
0x15: {  	[smem:$0x3FB7] =	sst s0;
	s0 =	simm.s32 @!p2 $0x0  }
0x16: {  	s3 =	sld [smem:$0x3FDB];
	s0 =	simm.s32 @p2 $0x1  }
0x17: {  	s4 =	simm.s32 $0x1BF5;
	[smem:$0x3FB9] =	sst s0  }
0x18: {  	s0 =	sld [smem:$0x3F9C];
	_ =	swait.ge [sflag:s4], $0x0  }
0x19: {  	s7 =	sld [smem:$0x3F9D]  }
0x1a: {  	s8 =	sadd.s32 $0xFFFFE003, lr  }
0x1b: {  	s9 =	sadd.s32 $0xFFFFFEF7, lr;
	s5 =	simm.s32 $0xFFFFFFFF;
	p2 =	slt.u32 s8, $0xFFFFF086  }
0x1c: {  	p1 =	slt.u32 s9, $0xF7A;
	s5 =	simm.s32 @!p2 $0x0  }
0x1d: {  	s5 =	simm.s32 @p1 $0x1;
	p0 =	seq.s32 s7, s2  }
0x1e: {  	s7 =	smul.u32 @!p0 $0xF7A, s2;
	p2 =	seq.s32 @!p0 s5, $0x0  }
0x1f: {  	s9 =	smul.u32 $0xF7A, s1;
	s8 =	simm.s32 @!p0 $0x1BF5;
	p2 =	por !p2, p0  }
0x20: {  	[sflag:s8] =	ssyncset.s32 @!p0 $0xFFFFF086;
	s6 =	sadd.s32 @!p0 s3, s7;
	s7 =	simm.s32 @!p0 $0x108  }
0x21: {  	s3 =	sadd.s32 s3, s9;
	s6 =	sadd.s32 @!p0 $0x88, s6;
	s7 =	simm.s32 @p2 $0x1082  }
0x22: {  	[simem:s7], [sflag:s8] =	dma.local @!p0 [hbm:s6], $0xF7A  }
0x23: {  	s9 =	sor.u32 $0xD0000000, s2;
	s6 =	simm.s32 $0x108;
	_ =	swait.ge @!p0 [sflag:s8], $0x0  }
0x24: {  	s3 =	sadd.s32 $0x88, s3;
	s6 =	simm.s32 @!p1 $0x1082;
	[sflag:s4] =	ssyncset.s32 $0xFFFFF086  }
0x25: {  	[simem:s6], [sflag:s4] =	dma.local [hbm:s3], $0xF7A  }
0x26: {  	[smem:$0x3F9D] =	sst s1;
	(tag) =	ssettag s2;
	_ =	strace s9  }
0x27: {  	s1 =	sld [smem:$0x3FAD]  }
0x28: {  	s2 =	sld [smem:$0x3FAE]  }
0x29: {  	s4 =	sld [smem:$0x3FB0]  }
0x2a: {  	p0 =	seq.s32 s5, $0x0;
	s5 =	sld [smem:$0x3FB1]  }
0x2b: {  	s6 =	sld [smem:$0x3FB2]  }
0x2c: {  	s7 =	sld [smem:$0x3FB3]  }
0x2d: {  	s3 =	simm.s32 $0x108;
	s8 =	sld [smem:$0x3FB4]  }
0x2e: {  	s3 =	simm.s32 @!p0 $0x1082;
	s9 =	sld [smem:$0x3FB5]  }
0x2f: {  	lr =	sadd.s32 s0, s3;
	s0 =	sld [smem:$0x3FAC]  }
0x30: {  	s3 =	sld [smem:$0x3FAF]  }
0x31: {  	[smem:$0x3FB8] =	sst s10  }
0x32: {  	s10 =	sld [smem:$0x3FB6];
	_ =	sdelay $0x3  }
0x33: {  	p0 =	seq.s32 s10, $0x1;
	s10 =	sld [smem:$0x3FB8];
	_ =	sdelay $0x3  }
0x34: {  	[smem:$0x3FB8] =	sst s10  }
0x35: {  	s10 =	sld [smem:$0x3FB7];
	_ =	sdelay $0x3  }
0x36: {  	p1 =	seq.s32 s10, $0x1;
	s10 =	sld [smem:$0x3FB8];
	_ =	sdelay $0x3  }
0x37: {  	[smem:$0x3FB8] =	sst s10  }
0x38: {  	s10 =	sld [smem:$0x3FB9]  }
0x39: {  	_ = 	snop;
	(pc) =	sbr.ind lr, $3  }
0x3a: {  	_ = 	snop  }
0x3b: {  	_ = 	snop  }
0x3c: {  	p2 =	seq.s32 s10, $0x1;
	s10 =	sld [smem:$0x3FB8]  }
0x3d: {  	_ =	shalt  }
0x3e: {  	_ =	shalt  }
0x3f: {  	_ =	shalt  }
0x40: {  	_ =	shalt  }
0x41: {  	_ =	shalt  }
0x42: {  	_ =	shalt  }
0x43: {  	_ =	shalt  }
0x44: {  	_ =	shalt  }
0x45: {  	_ =	shalt  }
0x46: {  	_ =	shalt  }
0x47: {  	_ =	shalt  }
0x48: {  	_ =	shalt  }
0x49: {  	_ =	shalt  }
0x4a: {  	_ =	shalt  }
0x4b: {  	_ =	shalt  }
0x4c: {  	_ =	shalt  }
0x4d: {  	_ =	shalt  }
0x4e: {  	_ =	shalt  }
0x4f: {  	_ =	shalt  }
0x50: {  	_ =	shalt  }
0x51: {  	_ =	shalt  }
0x52: {  	_ =	shalt  }
0x53: {  	_ =	shalt  }
0x54: {  	_ =	shalt  }
0x55: {  	_ =	shalt  }
0x56: {  	_ =	shalt  }
0x57: {  	_ =	shalt  }
0x58: {  	_ =	shalt  }
0x59: {  	_ =	shalt  }
0x5a: {  	_ =	shalt  }
0x5b: {  	_ =	shalt  }
0x5c: {  	_ =	shalt  }
0x5d: {  	_ =	shalt  }
0x5e: {  	_ =	shalt  }
0x5f: {  	_ =	shalt  }
0x60: {  	_ =	shalt  }
0x61: {  	_ =	shalt  }
0x62: {  	_ =	shalt  }
0x63: {  	_ =	shalt  }
0x64: {  	_ =	shalt  }
0x65: {  	_ =	shalt  }
0x66: {  	_ =	shalt  }
0x67: {  	_ =	shalt  }
0x68: {  	_ =	shalt  }
0x69: {  	_ =	shalt  }
0x6a: {  	_ =	shalt  }
0x6b: {  	_ =	shalt  }
0x6c: {  	_ =	shalt  }
0x6d: {  	_ =	shalt  }
0x6e: {  	_ =	shalt  }
0x6f: {  	_ =	shalt  }
0x70: {  	_ =	shalt  }
0x71: {  	_ =	shalt  }
0x72: {  	_ =	shalt  }
0x73: {  	_ =	shalt  }
0x74: {  	_ =	shalt  }
0x75: {  	_ =	shalt  }
0x76: {  	_ =	shalt  }
0x77: {  	_ =	shalt  }
0x78: {  	_ =	shalt  }
0x79: {  	_ =	shalt  }
0x7a: {  	_ =	shalt  }
0x7b: {  	_ =	shalt  }
0x7c: {  	_ =	shalt  }
0x7d: {  	_ =	shalt  }
0x7e: {  	_ =	shalt  }
0x7f: {  	_ =	shalt  }
0x80: {  	_ =	shalt  }
0x81: {  	_ =	shalt  }
0x82: {  	_ =	shalt  }
0x83: {  	_ =	shalt  }
0x84: {  	_ =	shalt  }
0x85: {  	_ =	shalt  }
0x86: {  	_ =	shalt  }
0x87: {  	_ =	shalt  }
.Lfunc_end0:
.L_simem_size_0:
called_computation_lowered:
.L_overlay_start_0:
0x88: {  	s2 =	sld [smem:$0x3FD9]  }
0x89: {  	s3 =	sld [smem:$0x3FFE];
	_ =	sdelay $0x1  }
0x8a: {  	s1 =	srdreg.scid  }
0x8b: {  	s0 =	sand.u32 $0x1, s1  }
0x8c: {  	s14 =	sshll.u32 s0, $0xA;
	s2 =	sadd.s32 s3, s2  }
0x8d: {  	s2 =	sadd.s32 s2, s14  }
0x8e: {  	[smem:$0x3FC4] =	sst s2  }
0x8f: {  	_ = 	snop  }
0x90: {  	s2 =	sld [smem:$0x3FD0];
	_ =	sdelay $0x2  }
0x91: {  	s4 =	simm.s32 $0xA;
	s5 =	simm.s32 $0x10;
	s15 =	sld [smem:$0x3FC8]  }
0x92: {  	[smem:s5], [sflag:s4] =	dma.local [hbm:s2], $0x1  }
0x93: {  	_ =	swait.eq [sflag:s4], $0x1  }
0x94: {  	s16 =	sld [smem:$0x10];
	[sflag:s4] =	ssyncset.done $0x0  }
0x95: {  	s17 =	sld [smem:$0x11];
	[sflag:s4] =	ssyncadd.s32 $0xFFFFFFFF  }
0x96: {  	s18 =	sld [smem:$0x12];
	(tm) =	ssettm $0x1  }
0x97: {  	s6 =	sld [smem:$0x3FFB];
	_ =	sdelay $0x3  }
0x98: {  	_ =	strace s6  }
0x99: {  	s6 =	sld [smem:$0x3FFC];
	_ =	sdelay $0x3  }
0x9a: {  	_ =	strace s6  }
0x9b: {  	s6 =	sld [smem:$0x3FFD];
	_ =	sdelay $0x3  }
0x9c: {  	_ =	strace s6  }
0x9d: {  	_ =	strace $0x8FFFFFFF  }
0x9e: {  	s19 =	sld [smem:$0x3FDB];
	_ =	sdelay $0x1  }
0x9f: {  	s7 =	simm.s32 $_scs_section_size  }
0xa0: {  	s8 =	simm.s32 $_size__tile_overlayer_lowered;
	s9 =	simm.s32 $_tile_overlayer_lowered  }
0xa1: {  	s22 =	simm.s32 $0x1BFF;
	s21 =	sshll.u32 s9, $0x1;
	s6 =	sadd.s32 s7, s19  }
0xa2: {  	s10 =	simm.s32 $0x0;
	s20 =	sshll.u32 s8, $0x1;
	s8 =	sadd.s32 s21, s6  }
0xa3: {  	[timem:s10], [sflag:s22] =	dma.local [hbm:s8], s20  }
0xa4: {  	_ =	swait.ge [sflag:s22], s20  }
0xa5: {  	s7 =	ssub.s32 $0x0, s20;
	[sflag:s22] =	ssyncset.done $0x0  }
0xa6: {  	[sflag:s22] =	ssyncadd.s32 s7;
	_ =	sdelay $0x1  }
0xa7: {  	s23 =	simm.s32 $0x1B8B  }
0xa8: {  	_ =	swait.ge [sflag:s23], $0x1  }
0xa9: {  	[sflag:s23] =	ssyncset.done $0x0  }
0xaa: {  	s25 =	simm.s32 $0x1B8E;
	s24 =	sld [smem:$0x3FFE];
	[sflag:s23] =	ssyncadd.s32 $0xFFFFFFFF  }
0xab: {  	s26 =	simm.s32 $execute0_lowered;
	[smem:$0x3FD2] =	sst s25  }
0xac: {  	s8 =	sshll.u32 s26, $0x1;
	_ =	strace $0x80000046;
	[dreg:$0x1] =	wrdreg $0xFFFFFFFF  }
0xad: {  	s28 =	simm.s32 $_size_execute0_lowered;
	s6 =	sadd.s32 s6, s8;
	[dreg:$0x0] =	wrdreg $0x0  }
0xae: {  	s8 =	sshll.u32 s28, $0x1;
	[dreg:$0x2] =	wrdreg s6  }
0xaf: {  	[dreg:$0x3] =	wrdreg s8  }
0xb0: {  	[dreg:$0x4] =	wrdreg $0xC0  }
0xb1: {  	_ =	task [dreg:s10], $0x5FFFF  }
0xb2: {  	[dreg:$0x1] =	wrdreg $0xFFFFFFFF  }
0xb3: {  	[dreg:$0x0] =	wrdreg $0x60  }
0xb4: {  	[dreg:$0x2] =	wrdreg s24  }
0xb5: {  	[dreg:$0x3] =	wrdreg s15  }
0xb6: {  	[dreg:$0x4] =	wrdreg s18  }
0xb7: {  	[dreg:$0x5] =	wrdreg s17  }
0xb8: {  	[dreg:$0x6] =	wrdreg s16  }
0xb9: {  	[dreg:$0x7] =	wrdreg $0x9  }
0xba: {  	_ =	task.clear_ibuf [dreg:s10], $0x8FFFF;
	_ =	strace $0x90000046  }
0xbb: {  	s29 =	simm.s32 $0x9;
	_ =	strace $0x80000048  }
0xbc: {  	_ =	swait.ge [sflag:s29], $0x1  }
0xbd: {  	[sflag:s29] =	ssyncadd.s32 $0xFFFFFFFF  }
0xbe: {  	_ =	strace $0x90000048  }
0xbf: {  	_ =	sfence  }
0xc0: {  	s30 =	sld [smem:$0x0];
	_ =	sdelay $0x2  }
0xc1: {  	s31 =	sshll.u32 s1, $0xD;
	s1 =	sshrl.u32 s1, $0x2  }
0xc2: {  	s3 =	sand.u32 $0x4000, s31;
	s1 =	sadd.s32 s1, s30  }
0xc3: {  	s0 =	sor.u32 s3, s0;
	s1 =	sshll.u32 s1, $0x11  }
0xc4: {  	s0 =	sor.u32 s1, s0  }
0xc5: {  	s0 =	sadd.s32 $0x8F2B, s0  }
0xc6: {  	[sflag:s0] =	ssyncadd.remote.s32 $0x1  }
0xc7: {  	_ =	sfence.sel $0xFFFF  }
0xc8: {  	[dreg:$0x0] =	wrdreg $0xFFFFFFFF;
	(pc) =	sbr.abs _section_cstart, $3  }
0xc9: {  	[dreg:$0x1] =	wrdreg $0xFFFFFFFF  }
0xca: {  	_ =	task.clear_ibuf [dreg:s10], $0x2FFFF;
	_ =	strace $0x9FFFFFFF  }
0xcb: {  	(tm) =	ssettm $0x7FFFFFFF  }
tec
execute0_lowered:
.L_overlay_start_1:
0x0: {  	(tag) =	ssettag $0x1  }
0x1: {  	s0 =	rddreg [dreg:$0x0]  }
0x2: {  	s1 =	rddreg [dreg:$0x1]  }
0x3: {  	s2 =	rddreg [dreg:$0x2]  }
0x4: {  	s8 =	rddreg [dreg:$0x3]  }
0x5: {  	s11 =	rddreg [dreg:$0x4];
	s4 =	simm.s32 $0x0;
	s5 =	srdreg.scid  }
0x6: {  	s3 =	stileid.u32;
	s15 =	simm.s32 $0x50;
	s16 =	simm.s32 $0x173A0  }
0x7: {  	s17 =	simm.s32 $0x19BA0;
	s18 =	simm.s32 $0x1;
	s19 =	simm.s32 $0x8  }
0x8: {  	s20 =	simm.s32 $0x1400;
	s21 =	simm.s32 $0x14C80;
	s22 =	simm.s32 $0x16010  }
0x9: {  	s23 =	simm.s32 $0x2;
	s24 =	simm.s32 $0x3;
	s25 =	simm.s32 $0x0  }
0xa: {  	s7 =	sand.u32 $0x1, s5;
	s6 =	sshll.u32 s3, $0x1;
	s12 =	smul.u32 $0xFFFFFEC0, s3  }
0xb: {  	[smem:$0x7FF] =	sst s4;
	s9 =	smul.u32 $0xFFFFFF60, s7;
	s10 =	sor.u32 s7, s6  }
0xc: {  	_ =	strace $0x80000047;
	s29 =	ssub.s32 $0x2, s7;
	s7 =	smul.u32 $0xA0, s10  }
0xd: {  	s5 =	sadd.s32 $0xC00, s0;
	s6 =	sadd.s32 $0xBECA00, s0;
	s14 =	smul.u32 $0x140, s10  }
0xe: {  	s13 =	sshrl.u32 s29, $0x1;
	s30 =	smul.u32 $0xA00, s10;
	s9 =	sadd.s32 s12, s9  }
0xf: {  	s0 =	ssub.s32 s29, s13;
	s31 =	sadd.s32 $0x1388, s9;
	s8 =	sadd.s32 s8, s14  }
0x10: {  	s9 =	sadd.s32 $0x50, s7;
	s11 =	sadd.s32 s11, s30;
	s10 =	smin.u32 s31, $0xA0  }
0x11: {  	v0 =	vimm.s32 $0x0;
	v1 =	vlaneseq.u32;
	s13 =	smax.u32 s0, $0x1;
	s14 =	simm.s32 $0x4;
	s12 =	sshrl.u32 s10, $0x3  }
.LBB2_1:
0x12: {  	[tilespmem:s4], [sflag:$0x4] =	stream.linear.gather [hbm4b:s2+s4], $0x1400, $0x38;
	[tilespmem:$0x1CDA0] =	vst v63  }
0x13: {  	_ =	swait.ge [sflag:s14], $0x1400  }
0x14: {  	[sflag:s14] =	ssyncset.done $0x0  }
0x15: {  	s26 =	simm.s32 $0x1C3A0;
	[sflag:s14] =	ssyncadd.s32 $0xFFFFEC00  }
0x16: {  	[tilespmem:s26], [sflag:$0x4] =	stream.linear.gather [hbm4b:s8+s4], $0xA00, $0x38;
	[tilespmem:$0x1CDA0] =	vst v63  }
0x17: {  	_ =	swait.ge [sflag:s14], $0xA00  }
0x18: {  	[sflag:s14] =	ssyncset.done $0x0  }
0x19: {  	[sflag:s14] =	ssyncadd.s32 $0xFFFFF600  }
0x1a: {  	[tilespmem:s16], [sflag:$0x1] =	stream.indirect.gather [hbm4b:s1+s15], $0x80, s7, s15, $0xb8;
	[tilespmem:$0x1CDA0] =	vst v63  }
0x1b: {  	_ = 	snop  }
0x1c: {  	[tilespmem:s17], [sflag:$0x1] =	stream.indirect.gather [hbm4b:s1+s15], $0x80, s9, s15, $0xb8;
	[tilespmem:$0x1CDA0] =	vst v63  }
0x1d: {  	_ =	swait.ge [sflag:s18], $0x2800  }
0x1e: {  	[sflag:s18] =	ssyncset.done $0x0  }
0x1f: {  	[sflag:s18] =	ssyncadd.s32 $0xFFFFD800  }
0x20: {  	_ =	swait.ge [sflag:s18], $0x2800  }
0x21: {  	[sflag:s18] =	ssyncset.done $0x0  }
0x22: {  	s28 =	simm.s32 $0x173E0;
	[sflag:s18] =	ssyncadd.s32 $0xFFFFD800  }
0x23: {  	v2 =	vld [tilespmem:s28+$0x10]  }
0x24: {  	v3 =	vld [tilespmem:s28+$0x20]  }
0x25: {  	v5 =	vld [tilespmem:s26+$0x0]  }
0x26: {  	v4 =	vld [tilespmem:s28+$0xFFFFFFF0]  }
0x27: {  	v6 =	vld [tilespmem:s28+$0x0]  }
0x28: {  	v7 =	vld [tilespmem:s28+$0x30]  }
0x29: {  	v8 =	vld [tilespmem:s28+$0xFFFFFFE0]  }
0x2a: {  	v9 =	vld [tilespmem:s28+$0xFFFFFFD0];
	v2 =	vmul.f32 v2, v5  }
0x2b: {  	p0 =	sne.s32 s10, $0x1;
	v10 =	vld [tilespmem:s28+$0xFFFFFFC0];
	v4 =	vmul.f32 v4, v5  }
.Ltmp0:
0x2c: {  	v3 =	vmul.f32 v3, v5;
	[tilespmem:s28+$0x10] =	vst v2;
	(pc) =	sbr.rel @!p0 .LBB2_3-.Ltmp0, $4  }
0x2d: {  	v6 =	vmul.f32 v6, v5;
	[tilespmem:s28+$0xFFFFFFF0] =	vst v4  }
0x2e: {  	v8 =	vmul.f32 v8, v5;
	[tilespmem:s28+$0x20] =	vst v3  }
0x2f: {  	[tilespmem:s28+$0x0] =	vst v6;
	v4 =	vmul.f32 v9, v5  }
0x30: {  	s29 =	sadd.s32 $0xFFFFFFFF, s10;
	s0 =	simm.s32 $0x17460;
	v2 =	vmul.f32 v7, v5;
	v3 =	vmul.f32 v10, v5;
	[tilespmem:s28+$0xFFFFFFE0] =	vst v8  }
.LBB2_2:
0x31: {  	v5 =	vld [tilespmem:s0+$0x10];
	p0 =	sne.s32 s29, $0x1;
	s29 =	sadd.s32 $0xFFFFFFFF, s29;
	[tilespmem:s28+$0xFFFFFFD0] =	vst v4;
	s26 =	sadd.s32 $0x10, s26  }
0x32: {  	v4 =	vld [tilespmem:s0+$0x20];
	[tilespmem:s28+$0xFFFFFFC0] =	vst v3  }
0x33: {  	v3 =	vld [tilespmem:s0+$0xFFFFFFF0];
	[tilespmem:s28+$0x30] =	vst v2;
	s28 =	smov.u32 s0  }
0x34: {  	v6 =	vld [tilespmem:s26+$0x0]  }
0x35: {  	v2 =	vld [tilespmem:s0+$0x0]  }
0x36: {  	v7 =	vld [tilespmem:s0+$0x30]  }
0x37: {  	v8 =	vld [tilespmem:s0+$0xFFFFFFE0]  }
0x38: {  	v9 =	vld [tilespmem:s0+$0xFFFFFFD0]  }
0x39: {  	v10 =	vld [tilespmem:s0+$0xFFFFFFC0];
	v3 =	vmul.f32 v3, v6;
	v5 =	vmul.f32 v5, v6  }
0x3a: {  	v12 =	vmul.f32 v4, v6;
	v11 =	vmul.f32 v2, v6  }
.Ltmp1:
0x3b: {  	[tilespmem:s0+$0x10] =	vst v5;
	v2 =	vmul.f32 v7, v6;
	(pc) =	sbr.rel @p0 .LBB2_2-.Ltmp1, $4  }
0x3c: {  	v5 =	vmul.f32 v8, v6;
	[tilespmem:s0+$0xFFFFFFF0] =	vst v3  }
0x3d: {  	v4 =	vmul.f32 v9, v6;
	[tilespmem:s0+$0x20] =	vst v12  }
0x3e: {  	v3 =	vmul.f32 v10, v6;
	[tilespmem:s0+$0x0] =	vst v11  }
0x3f: {  	s0 =	sadd.s32 $0x80, s0;
	[tilespmem:s28+$0xFFFFFFE0] =	vst v5  }
.LBB2_3:
0x40: {  	[tilespmem:s28+$0xFFFFFFD0] =	vst v4  }
0x41: {  	[tilespmem:s28+$0xFFFFFFC0] =	vst v3  }
0x42: {  	s26 =	simm.s32 $0x0;
	[tilespmem:s28+$0x30] =	vst v2  }
0x43: {  	[hbm4b:s11+s26] =	stream.linear.scatter [tilespmem:s16], [sflag:$0x4], $0x5000, $0x38;
	[tilespmem:$0x1CDA0] =	vst v63  }
0x44: {  	_ =	swait.ge [sflag:s14], $0x5000  }
0x45: {  	[sflag:s14] =	ssyncset.done $0x0  }
0x46: {  	[sflag:s14] =	ssyncadd.s32 $0xFFFFB000  }
.LBB2_4:
0x47: {  	s30 =	sshll.u32 s26, $0x3  }
0x48: {  	s28 =	sadd.s32 s7, s30  }
0x49: {  	[tilespmem:s20], [sflag:$0x1] =	stream.indirect.gather [hbm4b:s5+s19], $0x2710, s28, s19, $0xb8;
	[tilespmem:$0x1CDA0] =	vst v63  }
0x4a: {  	_ =	swait.ge [sflag:s18], $0x13880  }
0x4b: {  	[sflag:s18] =	ssyncset.done $0x0  }
0x4c: {  	s0 =	simm.s32 $0x20;
	[sflag:s18] =	ssyncadd.s32 $0xFFFEC780  }
0x4d: {  	v2 =	vld [tilespmem:s0+$0x10];
	_ =	sdelay $0x3  }
0x4e: {  	v4 =	vld [tilespmem:s0+$0xFFFFFFF0]  }
0x4f: {  	v5 =	vld [tilespmem:s0+$0xFFFFFFE0]  }
0x50: {  	v6 =	vld [tilespmem:s0+$0x0];
	s0 =	simm.s32 $0x60  }
0x51: {  	v9 =	vld [tilespmem:s0+$0x10]  }
0x52: {  	v7 =	vld.idx.msk [tilespmem:v2+s20+$0x0], $0xffff;
	_ =	sdelay $0x1  }
0x53: {  	v3 =	vld [tilespmem:s0+$0xFFFFFFF0]  }
0x54: {  	v8 =	vld [tilespmem:s0+$0xFFFFFFE0]  }
0x55: {  	v2 =	vld [tilespmem:s0+$0x0]  }
0x56: {  	v5 =	vld.idx.msk [tilespmem:v5+s20+$0x0], $0xffff;
	vm0 =	vlt.f32 v7, $0.0e+00;
	vm1 =	vgt.f32 v7, $0.0e+00  }
0x57: {  	v7 =	vld.idx.msk [tilespmem:v4+s20+$0x0], $0xffff;
	vm0 =	vmor vm1, vm0  }
0x58: {  	s29 =	simm.s32 $0x14CA0;
	v6 =	vld.idx.msk [tilespmem:v6+s20+$0x0], $0xffff;
	v10 =	vsel vm0, $0x3F800000, v0  }
0x59: {  	s31 =	simm.s32 $0xA0;
	s0 =	simm.s32 $0x40;
	v4 =	vld.idx.msk [tilespmem:v9+s20+$0x0], $0xffff;
	[tilespmem:s29+$0x10] =	vst v10  }
.LBB2_5:
0x5a: {  	v9 =	vld [tilespmem:s31+$0x10];
	s0 =	sadd.s32 $0x40, s0  }
0x5b: {  	vm0 =	vlt.f32 v5, $0.0e+00;
	vm1 =	vgt.f32 v5, $0.0e+00;
	v10 =	vld [tilespmem:s31+$0xFFFFFFF0];
	p0 =	slt.u32 s0, $0x1340  }
0x5c: {  	vm0 =	vmor vm1, vm0;
	vm1 =	vlt.f32 v7, $0.0e+00;
	vm2 =	vgt.f32 v7, $0.0e+00;
	v11 =	vld [tilespmem:s31+$0x0]  }
0x5d: {  	vm1 =	vmor vm2, vm1;
	vm2 =	vlt.f32 v6, $0.0e+00;
	vm3 =	vgt.f32 v6, $0.0e+00;
	v12 =	vld [tilespmem:s31+$0xFFFFFFE0]  }
.Ltmp2:
0x5e: {  	v6 =	vsel vm0, $0x3F800000, v0;
	vm0 =	vmor vm3, vm2;
	v5 =	vld.idx.msk [tilespmem:v8+s20+$0x0], $0xffff;
	v8 =	vsel vm1, $0x3F800000, v0;
	(pc) =	sbr.rel @p0 .LBB2_5-.Ltmp2, $4  }
0x5f: {  	vm1 =	vlt.f32 v4, $0.0e+00;
	vm2 =	vgt.f32 v4, $0.0e+00;
	v4 =	vsel vm0, $0x3F800000, v0;
	v7 =	vld.idx.msk [tilespmem:v3+s20+$0x0], $0xffff;
	[tilespmem:s29+$0xFFFFFFE0] =	vst v6  }
0x60: {  	vm0 =	vmor vm2, vm1;
	v6 =	vld.idx.msk [tilespmem:v2+s20+$0x0], $0xffff;
	[tilespmem:s29+$0xFFFFFFF0] =	vst v8;
	v3 =	vmov v10  }
0x61: {  	v10 =	vsel vm0, $0x3F800000, v0;
	[tilespmem:s29+$0x0] =	vst v4;
	s29 =	sadd.s32 $0x40, s29;
	v2 =	vmov v11  }
0x62: {  	s31 =	sadd.s32 $0x40, s31;
	v4 =	vld.idx.msk [tilespmem:v9+s20+$0x0], $0xffff;
	[tilespmem:s29+$0x10] =	vst v10;
	v8 =	vmov v12  }
0x63: {  	_ =	sdelay $0x3  }
0x64: {  	vm0 =	vlt.f32 v5, $0.0e+00;
	v8 =	vld.idx.msk [tilespmem:v8+s20+$0x0], $0xffff  }
0x65: {  	vm1 =	vgt.f32 v5, $0.0e+00;
	v3 =	vld.idx.msk [tilespmem:v3+s20+$0x0], $0xffff;
	vm2 =	vlt.f32 v7, $0.0e+00;
	vm3 =	vgt.f32 v7, $0.0e+00  }
0x66: {  	v2 =	vld.idx.msk [tilespmem:v2+s20+$0x0], $0xffff;
	vm0 =	vmor vm1, vm0;
	vm13 =	vmor vm3, vm2;
	vm14 =	vlt.f32 v6, $0.0e+00  }
0x67: {  	vm15 =	vgt.f32 v6, $0.0e+00;
	v5 =	vsel vm0, $0x3F800000, v0;
	v6 =	vsel vm13, $0x3F800000, v0  }
0x68: {  	vm5 =	vmor vm15, vm14;
	vm6 =	vlt.f32 v4, $0.0e+00;
	vm7 =	vgt.f32 v4, $0.0e+00  }
0x69: {  	[tilespmem:s29+$0xFFFFFFE0] =	vst v5;
	v4 =	vsel vm5, $0x3F800000, v0;
	vm8 =	vmor vm7, vm6;
	vm9 =	vlt.f32 v8, $0.0e+00  }
0x6a: {  	[tilespmem:s29+$0xFFFFFFF0] =	vst v6;
	vm10 =	vgt.f32 v8, $0.0e+00;
	vm11 =	vlt.f32 v3, $0.0e+00;
	vm4 =	vgt.f32 v3, $0.0e+00  }
0x6b: {  	s0 =	sadd.s32 $0x40, s29;
	[tilespmem:s29+$0x0] =	vst v4;
	vm14 =	vlt.f32 v2, $0.0e+00;
	v3 =	vsel vm8, $0x3F800000, v0;
	vm12 =	vmor vm10, vm9  }
0x6c: {  	vm15 =	vgt.f32 v2, $0.0e+00;
	vm13 =	vmor vm4, vm11;
	[tilespmem:s0+$0x10] =	vst v3;
	v2 =	vsel vm12, $0x3F800000, v0  }
0x6d: {  	vm4 =	vmor vm15, vm14;
	v3 =	vsel vm13, $0x3F800000, v0;
	[tilespmem:s0+$0xFFFFFFE0] =	vst v2  }
0x6e: {  	v2 =	vsel vm4, $0x3F800000, v0;
	[tilespmem:s0+$0xFFFFFFF0] =	vst v3  }
0x6f: {  	[tilespmem:s0+$0x0] =	vst v2  }
0x70: {  	v2 =	vld [tilespmem:$0x1380];
	_ =	sdelay $0x7  }
0x71: {  	s0 =	sshrl.u32 s30, $0x3;
	v2 =	vld.idx.msk [tilespmem:v2+s20+$0x0], $0xffff  }
0x72: {  	s0 =	sand.u32 $0x1, s0  }
0x73: {  	p0 =	seq.s32 s28, $0x0;
	p1 =	seq.s32 s0, $0x1  }
0x74: {  	p0 =	por !p0, !p1  }
0x75: {  	s0 =	simm.s32 $0x1;
	p0 =	por !p0, !p0  }
0x76: {  	s29 =	sshrl.u32 s28, $0x4;
	s0 =	simm.s32 @!p0 $0x0;
	vm5 =	vlt.f32 v2, $0.0e+00;
	vm6 =	vgt.f32 v2, $0.0e+00  }
0x77: {  	s0 =	ssub.s32 s29, s0;
	vm0 =	vmor vm6, vm5  }
0x78: {  	s0 =	sshll.u32 s0, $0x6;
	v2 =	vsel vm0, $0x3F800000, v0  }
0x79: {  	s0 =	sshra.s32 s0, $0x2;
	[tilespmem:$0x16000] =	vst v2  }
0x7a: {  	v2 =	vld [tilespmem:s0+$0x14C80]  }
0x7b: {  	s30 =	sand.u32 $0x8, s30  }
0x7c: {  	v3 =	vmov s30  }
0x7d: {  	vm7 =	veq.s32 v3, v1  }
0x7e: {  	s30 =	smul.u32 $0x1388, s28;
	v3 =	vsel vm7, $0x3F800000, v0  }
0x7f: {  	v2 =	vadd.f32 v3, v2  }
0x80: {  	s30 =	sshrl.u32 s30, $0x3  }
0x81: {  	[tilespmem:s0+$0x14C80] =	vst v2;
	s0 =	sadd.s32 s6, s30  }
0x82: {  	[hbm4b:s0+s4] =	stream.linear.scatter [tilespmem:s21], [sflag:$0x2], $0x1388, $0x38;
	[tilespmem:$0x1CDA0] =	vst v63  }
0x83: {  	s0 =	simm.s32 $0x20  }
0x84: {  	v2 =	vld [tilespmem:s0+$0x10]  }
0x85: {  	v3 =	vld [tilespmem:s0+$0xFFFFFFF0]  }
0x86: {  	v4 =	vld [tilespmem:s0+$0xFFFFFFE0]  }
0x87: {  	v5 =	vld [tilespmem:s0+$0x0]  }
0x88: {  	s0 =	simm.s32 $0x60  }
0x89: {  	v6 =	vld [tilespmem:s0+$0x10];
	v2 =	vadd.s32 $0x2710, v2  }
0x8a: {  	v7 =	vld [tilespmem:s0+$0xFFFFFFF0];
	v3 =	vadd.s32 $0x2710, v3  }
0x8b: {  	v8 =	vld [tilespmem:s0+$0x0];
	v4 =	vadd.s32 $0x2710, v4  }
0x8c: {  	v9 =	vld [tilespmem:s0+$0xFFFFFFE0];
	s0 =	simm.s32 $0xA0;
	v5 =	vadd.s32 $0x2710, v5  }
0x8d: {  	v11 =	vld [tilespmem:s0+$0x10]  }
0x8e: {  	v2 =	vld.idx.msk [tilespmem:v2+s20+$0x0], $0xffff  }
0x8f: {  	v3 =	vld.idx.msk [tilespmem:v3+s20+$0x0], $0xffff  }
0x90: {  	v6 =	vadd.s32 $0x2710, v6;
	v4 =	vld.idx.msk [tilespmem:v4+s20+$0x0], $0xffff  }
0x91: {  	v5 =	vld.idx.msk [tilespmem:v5+s20+$0x0], $0xffff  }
0x92: {  	v12 =	vld [tilespmem:s0+$0xFFFFFFF0];
	v10 =	vadd.s32 $0x2710, v7  }
0x93: {  	v13 =	vadd.s32 $0x2710, v9;
	v14 =	vadd.s32 $0x2710, v8  }
0x94: {  	v7 =	vld [tilespmem:s0+$0x0];
	v9 =	vadd.s32 $0x2710, v11;
	vm8 =	vlt.f32 v2, $0.0e+00;
	vm9 =	vgt.f32 v2, $0.0e+00  }
0x95: {  	v2 =	vld.idx.msk [tilespmem:v6+s20+$0x0], $0xffff;
	vm10 =	vlt.f32 v3, $0.0e+00;
	vm11 =	vgt.f32 v3, $0.0e+00;
	vm12 =	vlt.f32 v4, $0.0e+00  }
0x96: {  	v8 =	vld [tilespmem:s0+$0xFFFFFFE0];
	vm13 =	vgt.f32 v4, $0.0e+00;
	vm14 =	vlt.f32 v5, $0.0e+00;
	vm15 =	vgt.f32 v5, $0.0e+00  }
0x97: {  	v3 =	vld.idx.msk [tilespmem:v10+s20+$0x0], $0xffff;
	v4 =	vadd.s32 $0x2710, v12;
	vm0 =	vmor vm9, vm8;
	vm1 =	vmor vm13, vm12  }
0x98: {  	s30 =	simm.s32 $0x16030;
	v6 =	vld.idx.msk [tilespmem:v13+s20+$0x0], $0xffff;
	vm2 =	vmor vm15, vm14;
	v15 =	vsel vm0, $0x3F800000, v0;
	vm0 =	vmor vm11, vm10  }
0x99: {  	s31 =	simm.s32 $0x80;
	s0 =	simm.s32 $0xE0;
	v5 =	vld.idx.msk [tilespmem:v14+s20+$0x0], $0xffff;
	v12 =	vsel vm1, $0x3F800000, v0;
	v10 =	vsel vm2, $0x3F800000, v0;
	[tilespmem:s30+$0x10] =	vst v15;
	v11 =	vsel vm0, $0x3F800000, v0  }
.LBB2_7:
0x9a: {  	v13 =	vld [tilespmem:s0+$0x10];
	s31 =	sadd.s32 $0x40, s31;
	v14 =	vadd.s32 $0x2710, v7;
	vm0 =	vlt.f32 v2, $0.0e+00;
	vm1 =	vgt.f32 v2, $0.0e+00;
	[tilespmem:s30+$0xFFFFFFE0] =	vst v12  }
0x9b: {  	v12 =	vld [tilespmem:s0+$0xFFFFFFF0];
	p0 =	slt.u32 s31, $0x1340;
	v15 =	vadd.s32 $0x2710, v8;
	vm0 =	vmor vm1, vm0;
	[tilespmem:s30+$0xFFFFFFF0] =	vst v11  }
0x9c: {  	v2 =	vld.idx.msk [tilespmem:v9+s20+$0x0], $0xffff;
	v8 =	vsel vm0, $0x3F800000, v0;
	[tilespmem:s30+$0x0] =	vst v10;
	s30 =	sadd.s32 $0x40, s30  }
.Ltmp3:
0x9d: {  	vm0 =	vlt.f32 v3, $0.0e+00;
	vm1 =	vgt.f32 v3, $0.0e+00;
	v7 =	vld [tilespmem:s0+$0x0];
	[tilespmem:s30+$0x10] =	vst v8;
	(pc) =	sbr.rel @p0 .LBB2_7-.Ltmp3, $4  }
0x9e: {  	vm2 =	vlt.f32 v6, $0.0e+00;
	vm3 =	vgt.f32 v6, $0.0e+00;
	vm0 =	vmor vm1, vm0;
	v8 =	vld [tilespmem:s0+$0xFFFFFFE0]  }
0x9f: {  	vm1 =	vlt.f32 v5, $0.0e+00;
	vm4 =	vgt.f32 v5, $0.0e+00;
	v9 =	vadd.s32 $0x2710, v13;
	v3 =	vld.idx.msk [tilespmem:v4+s20+$0x0], $0xffff  }
0xa0: {  	vm2 =	vmor vm3, vm2;
	vm1 =	vmor vm4, vm1;
	v4 =	vadd.s32 $0x2710, v12;
	v6 =	vld.idx.msk [tilespmem:v15+s20+$0x0], $0xffff  }
0xa1: {  	s0 =	sadd.s32 $0x40, s0;
	v11 =	vsel vm0, $0x3F800000, v0;
	v12 =	vsel vm2, $0x3F800000, v0;
	v10 =	vsel vm1, $0x3F800000, v0;
	v5 =	vld.idx.msk [tilespmem:v14+s20+$0x0], $0xffff  }
0xa2: {  	_ = 	snop  }
0xa3: {  	v7 =	vadd.s32 $0x2710, v7  }
0xa4: {  	v8 =	vadd.s32 $0x2710, v8  }
0xa5: {  	vm0 =	vlt.f32 v2, $0.0e+00;
	vm1 =	vgt.f32 v2, $0.0e+00  }
0xa6: {  	v2 =	vld.idx.msk [tilespmem:v9+s20+$0x0], $0xffff;
	vm0 =	vmor vm1, vm0  }
0xa7: {  	v4 =	vld.idx.msk [tilespmem:v4+s20+$0x0], $0xffff;
	v9 =	vsel vm0, $0x3F800000, v0;
	vm2 =	vlt.f32 v6, $0.0e+00  }
0xa8: {  	[tilespmem:s30+$0xFFFFFFE0] =	vst v12;
	vm3 =	vgt.f32 v6, $0.0e+00;
	vm4 =	vlt.f32 v5, $0.0e+00;
	vm15 =	vgt.f32 v5, $0.0e+00;
	v5 =	vld.idx.msk [tilespmem:v7+s20+$0x0], $0xffff  }
0xa9: {  	[tilespmem:s30+$0xFFFFFFF0] =	vst v11;
	vm13 =	vlt.f32 v3, $0.0e+00;
	vm14 =	vgt.f32 v3, $0.0e+00;
	vm2 =	vmor vm3, vm2;
	v3 =	vld.idx.msk [tilespmem:v8+s20+$0x0], $0xffff  }
0xaa: {  	[tilespmem:s30+$0x0] =	vst v10;
	s0 =	sadd.s32 $0x40, s30;
	vm0 =	vmor vm14, vm13;
	vm5 =	vmor vm15, vm4;
	v6 =	vsel vm2, $0x3F800000, v0  }
0xab: {  	[tilespmem:s0+$0x10] =	vst v9;
	v7 =	vsel vm0, $0x3F800000, v0;
	vm6 =	vlt.f32 v2, $0.0e+00;
	vm7 =	vgt.f32 v2, $0.0e+00  }
0xac: {  	vm8 =	vlt.f32 v4, $0.0e+00;
	vm9 =	vgt.f32 v4, $0.0e+00;
	v2 =	vsel vm5, $0x3F800000, v0;
	[tilespmem:s0+$0xFFFFFFE0] =	vst v6  }
0xad: {  	vm0 =	vmor vm7, vm6;
	[tilespmem:s0+$0xFFFFFFF0] =	vst v7;
	vm12 =	vmor vm9, vm8;
	vm14 =	vlt.f32 v5, $0.0e+00  }
0xae: {  	[tilespmem:s0+$0x0] =	vst v2;
	s0 =	sadd.s32 $0x40, s0;
	vm10 =	vlt.f32 v3, $0.0e+00;
	vm11 =	vgt.f32 v3, $0.0e+00;
	v3 =	vsel vm0, $0x3F800000, v0  }
0xaf: {  	vm15 =	vgt.f32 v5, $0.0e+00;
	vm13 =	vmor vm11, vm10;
	[tilespmem:s0+$0x10] =	vst v3;
	v3 =	vsel vm12, $0x3F800000, v0  }
0xb0: {  	vm4 =	vmor vm15, vm14;
	v2 =	vsel vm13, $0x3F800000, v0;
	[tilespmem:s0+$0xFFFFFFF0] =	vst v3  }
0xb1: {  	[tilespmem:s0+$0xFFFFFFE0] =	vst v2;
	v2 =	vsel vm4, $0x3F800000, v0  }
0xb2: {  	[tilespmem:s0+$0x0] =	vst v2  }
0xb3: {  	v2 =	vld [tilespmem:$0x1380];
	_ =	sdelay $0x4  }
0xb4: {  	v2 =	vadd.s32 $0x2710, v2;
	_ =	sdelay $0x4  }
0xb5: {  	v2 =	vld.idx.msk [tilespmem:v2+s20+$0x0], $0xffff;
	_ =	sdelay $0x4  }
0xb6: {  	s0 =	sshra.s32 s28, $0x1F;
	vm5 =	vlt.f32 v2, $0.0e+00;
	vm6 =	vgt.f32 v2, $0.0e+00  }
0xb7: {  	s0 =	sadd.s32 s0, s29;
	vm0 =	vmor vm6, vm5  }
0xb8: {  	s0 =	sshll.u32 s0, $0x6;
	v2 =	vsel vm0, $0x3F800000, v0  }
0xb9: {  	s29 =	sshra.s32 s0, $0x2;
	[tilespmem:$0x17390] =	vst v2  }
0xba: {  	s0 =	sor.u32 $0x1, s28;
	v2 =	vld [tilespmem:s29+$0x16010]  }
0xbb: {  	s30 =	sand.u32 $0x9, s0  }
0xbc: {  	v3 =	vmov s30  }
0xbd: {  	vm7 =	veq.s32 v3, v1  }
0xbe: {  	v3 =	vsel vm7, $0x3F800000, v0  }
0xbf: {  	s0 =	smul.u32 $0x271, s0;
	v2 =	vadd.f32 v3, v2;
	_ =	sdelay $0x1  }
0xc0: {  	s0 =	sadd.s32 s6, s0;
	[tilespmem:s29+$0x16010] =	vst v2  }
0xc1: {  	[hbm4b:s0+s4] =	stream.linear.scatter [tilespmem:s22], [sflag:$0x3], $0x1388, $0x38;
	[tilespmem:$0x1CDA0] =	vst v63  }
0xc2: {  	_ =	swait.ge [sflag:s23], $0x1388  }
0xc3: {  	[sflag:s23] =	ssyncset.done $0x0  }
0xc4: {  	s0 =	simm.s32 $0x20;
	[sflag:s23] =	ssyncadd.s32 $0xFFFFEC78  }
0xc5: {  	v2 =	vld [tilespmem:s0+$0x10]  }
0xc6: {  	v3 =	vld [tilespmem:s0+$0xFFFFFFF0]  }
0xc7: {  	v4 =	vld [tilespmem:s0+$0xFFFFFFE0]  }
0xc8: {  	v5 =	vld [tilespmem:s0+$0x0]  }
0xc9: {  	s0 =	simm.s32 $0x60  }
0xca: {  	v6 =	vld [tilespmem:s0+$0x10];
	v2 =	vadd.s32 $0x4E20, v2  }
0xcb: {  	v7 =	vld [tilespmem:s0+$0xFFFFFFF0];
	v3 =	vadd.s32 $0x4E20, v3  }
0xcc: {  	v8 =	vld [tilespmem:s0+$0x0];
	v4 =	vadd.s32 $0x4E20, v4  }
0xcd: {  	v9 =	vld [tilespmem:s0+$0xFFFFFFE0];
	s0 =	simm.s32 $0xA0;
	v5 =	vadd.s32 $0x4E20, v5  }
0xce: {  	v11 =	vld [tilespmem:s0+$0x10]  }
0xcf: {  	v2 =	vld.idx.msk [tilespmem:v2+s20+$0x0], $0xffff  }
0xd0: {  	v3 =	vld.idx.msk [tilespmem:v3+s20+$0x0], $0xffff  }
0xd1: {  	v6 =	vadd.s32 $0x4E20, v6;
	v4 =	vld.idx.msk [tilespmem:v4+s20+$0x0], $0xffff  }
0xd2: {  	v5 =	vld.idx.msk [tilespmem:v5+s20+$0x0], $0xffff  }
0xd3: {  	v12 =	vld [tilespmem:s0+$0xFFFFFFF0];
	v10 =	vadd.s32 $0x4E20, v7  }
0xd4: {  	v13 =	vadd.s32 $0x4E20, v9;
	v14 =	vadd.s32 $0x4E20, v8  }
0xd5: {  	v7 =	vld [tilespmem:s0+$0x0];
	v9 =	vadd.s32 $0x4E20, v11;
	vm8 =	vlt.f32 v2, $0.0e+00;
	vm9 =	vgt.f32 v2, $0.0e+00  }
0xd6: {  	v2 =	vld.idx.msk [tilespmem:v6+s20+$0x0], $0xffff;
	vm10 =	vlt.f32 v3, $0.0e+00;
	vm11 =	vgt.f32 v3, $0.0e+00;
	vm12 =	vlt.f32 v4, $0.0e+00  }
0xd7: {  	v8 =	vld [tilespmem:s0+$0xFFFFFFE0];
	vm13 =	vgt.f32 v4, $0.0e+00;
	vm14 =	vlt.f32 v5, $0.0e+00;
	vm15 =	vgt.f32 v5, $0.0e+00  }
0xd8: {  	v3 =	vld.idx.msk [tilespmem:v10+s20+$0x0], $0xffff;
	v4 =	vadd.s32 $0x4E20, v12;
	vm0 =	vmor vm9, vm8;
	vm1 =	vmor vm13, vm12  }
0xd9: {  	s30 =	simm.s32 $0x14CA0;
	v6 =	vld.idx.msk [tilespmem:v13+s20+$0x0], $0xffff;
	vm2 =	vmor vm15, vm14;
	v15 =	vsel vm0, $0x3F800000, v0;
	vm0 =	vmor vm11, vm10  }
0xda: {  	s31 =	simm.s32 $0x80;
	s0 =	simm.s32 $0xE0;
	v5 =	vld.idx.msk [tilespmem:v14+s20+$0x0], $0xffff;
	v12 =	vsel vm1, $0x3F800000, v0;
	v10 =	vsel vm2, $0x3F800000, v0;
	[tilespmem:s30+$0x10] =	vst v15;
	v11 =	vsel vm0, $0x3F800000, v0  }
.LBB2_9:
0xdb: {  	v13 =	vld [tilespmem:s0+$0x10];
	s31 =	sadd.s32 $0x40, s31;
	v14 =	vadd.s32 $0x4E20, v7;
	vm0 =	vlt.f32 v2, $0.0e+00;
	vm1 =	vgt.f32 v2, $0.0e+00;
	[tilespmem:s30+$0xFFFFFFE0] =	vst v12  }
0xdc: {  	v12 =	vld [tilespmem:s0+$0xFFFFFFF0];
	p0 =	slt.u32 s31, $0x1340;
	v15 =	vadd.s32 $0x4E20, v8;
	vm0 =	vmor vm1, vm0;
	[tilespmem:s30+$0xFFFFFFF0] =	vst v11  }
0xdd: {  	v2 =	vld.idx.msk [tilespmem:v9+s20+$0x0], $0xffff;
	v8 =	vsel vm0, $0x3F800000, v0;
	[tilespmem:s30+$0x0] =	vst v10;
	s30 =	sadd.s32 $0x40, s30  }
.Ltmp4:
0xde: {  	vm0 =	vlt.f32 v3, $0.0e+00;
	vm1 =	vgt.f32 v3, $0.0e+00;
	v7 =	vld [tilespmem:s0+$0x0];
	[tilespmem:s30+$0x10] =	vst v8;
	(pc) =	sbr.rel @p0 .LBB2_9-.Ltmp4, $4  }
0xdf: {  	vm2 =	vlt.f32 v6, $0.0e+00;
	vm3 =	vgt.f32 v6, $0.0e+00;
	vm0 =	vmor vm1, vm0;
	v8 =	vld [tilespmem:s0+$0xFFFFFFE0]  }
0xe0: {  	vm1 =	vlt.f32 v5, $0.0e+00;
	vm4 =	vgt.f32 v5, $0.0e+00;
	v9 =	vadd.s32 $0x4E20, v13;
	v3 =	vld.idx.msk [tilespmem:v4+s20+$0x0], $0xffff  }
0xe1: {  	vm2 =	vmor vm3, vm2;
	vm1 =	vmor vm4, vm1;
	v4 =	vadd.s32 $0x4E20, v12;
	v6 =	vld.idx.msk [tilespmem:v15+s20+$0x0], $0xffff  }
0xe2: {  	s0 =	sadd.s32 $0x40, s0;
	v11 =	vsel vm0, $0x3F800000, v0;
	v12 =	vsel vm2, $0x3F800000, v0;
	v10 =	vsel vm1, $0x3F800000, v0;
	v5 =	vld.idx.msk [tilespmem:v14+s20+$0x0], $0xffff  }
0xe3: {  	_ = 	snop  }
0xe4: {  	v7 =	vadd.s32 $0x4E20, v7  }
0xe5: {  	v8 =	vadd.s32 $0x4E20, v8  }
0xe6: {  	vm0 =	vlt.f32 v2, $0.0e+00;
	vm1 =	vgt.f32 v2, $0.0e+00  }
0xe7: {  	v2 =	vld.idx.msk [tilespmem:v9+s20+$0x0], $0xffff;
	vm0 =	vmor vm1, vm0  }
0xe8: {  	v4 =	vld.idx.msk [tilespmem:v4+s20+$0x0], $0xffff;
	v9 =	vsel vm0, $0x3F800000, v0;
	vm2 =	vlt.f32 v6, $0.0e+00  }
0xe9: {  	[tilespmem:s30+$0xFFFFFFE0] =	vst v12;
	vm3 =	vgt.f32 v6, $0.0e+00;
	vm4 =	vlt.f32 v5, $0.0e+00;
	vm15 =	vgt.f32 v5, $0.0e+00;
	v5 =	vld.idx.msk [tilespmem:v7+s20+$0x0], $0xffff  }
0xea: {  	[tilespmem:s30+$0xFFFFFFF0] =	vst v11;
	vm13 =	vlt.f32 v3, $0.0e+00;
	vm14 =	vgt.f32 v3, $0.0e+00;
	vm2 =	vmor vm3, vm2;
	v3 =	vld.idx.msk [tilespmem:v8+s20+$0x0], $0xffff  }
0xeb: {  	[tilespmem:s30+$0x0] =	vst v10;
	s0 =	sadd.s32 $0x40, s30;
	vm0 =	vmor vm14, vm13;
	vm5 =	vmor vm15, vm4;
	v6 =	vsel vm2, $0x3F800000, v0  }
0xec: {  	[tilespmem:s0+$0x10] =	vst v9;
	v7 =	vsel vm0, $0x3F800000, v0;
	vm6 =	vlt.f32 v2, $0.0e+00;
	vm7 =	vgt.f32 v2, $0.0e+00  }
0xed: {  	vm8 =	vlt.f32 v4, $0.0e+00;
	vm9 =	vgt.f32 v4, $0.0e+00;
	v2 =	vsel vm5, $0x3F800000, v0;
	[tilespmem:s0+$0xFFFFFFE0] =	vst v6  }
0xee: {  	vm0 =	vmor vm7, vm6;
	[tilespmem:s0+$0xFFFFFFF0] =	vst v7;
	vm12 =	vmor vm9, vm8;
	vm14 =	vlt.f32 v5, $0.0e+00  }
0xef: {  	[tilespmem:s0+$0x0] =	vst v2;
	s0 =	sadd.s32 $0x40, s0;
	vm10 =	vlt.f32 v3, $0.0e+00;
	vm11 =	vgt.f32 v3, $0.0e+00;
	v3 =	vsel vm0, $0x3F800000, v0  }
0xf0: {  	vm15 =	vgt.f32 v5, $0.0e+00;
	vm13 =	vmor vm11, vm10;
	[tilespmem:s0+$0x10] =	vst v3;
	v3 =	vsel vm12, $0x3F800000, v0  }
0xf1: {  	vm4 =	vmor vm15, vm14;
	v2 =	vsel vm13, $0x3F800000, v0;
	[tilespmem:s0+$0xFFFFFFF0] =	vst v3  }
0xf2: {  	[tilespmem:s0+$0xFFFFFFE0] =	vst v2;
	v2 =	vsel vm4, $0x3F800000, v0  }
0xf3: {  	[tilespmem:s0+$0x0] =	vst v2  }
0xf4: {  	v2 =	vld [tilespmem:$0x1380];
	_ =	sdelay $0x4  }
0xf5: {  	v2 =	vadd.s32 $0x4E20, v2;
	_ =	sdelay $0x4  }
0xf6: {  	v2 =	vld.idx.msk [tilespmem:v2+s20+$0x0], $0xffff;
	_ =	sdelay $0x4  }
0xf7: {  	vm5 =	vlt.f32 v2, $0.0e+00;
	vm6 =	vgt.f32 v2, $0.0e+00  }
0xf8: {  	vm0 =	vmor vm6, vm5  }
0xf9: {  	v2 =	vsel vm0, $0x3F800000, v0  }
0xfa: {  	[tilespmem:$0x16000] =	vst v2  }
0xfb: {  	s0 =	sor.u32 $0x2, s28;
	v2 =	vld [tilespmem:s29+$0x14C80]  }
0xfc: {  	s30 =	sand.u32 $0xA, s0  }
0xfd: {  	v3 =	vmov s30  }
0xfe: {  	vm7 =	veq.s32 v3, v1  }
0xff: {  	v3 =	vsel vm7, $0x3F800000, v0  }
0x100: {  	s0 =	smul.u32 $0x271, s0;
	v2 =	vadd.f32 v3, v2;
	_ =	sdelay $0x1  }
0x101: {  	s0 =	sadd.s32 s6, s0;
	[tilespmem:s29+$0x14C80] =	vst v2  }
0x102: {  	[hbm4b:s0+s4] =	stream.linear.scatter [tilespmem:s21], [sflag:$0x2], $0x1388, $0x38;
	[tilespmem:$0x1CDA0] =	vst v63  }
0x103: {  	_ =	swait.ge [sflag:s24], $0x1388  }
0x104: {  	[sflag:s24] =	ssyncset.done $0x0  }
0x105: {  	s0 =	simm.s32 $0x20;
	[sflag:s24] =	ssyncadd.s32 $0xFFFFEC78  }
0x106: {  	v2 =	vld [tilespmem:s0+$0x10]  }
0x107: {  	v3 =	vld [tilespmem:s0+$0xFFFFFFF0]  }
0x108: {  	v4 =	vld [tilespmem:s0+$0xFFFFFFE0]  }
0x109: {  	v5 =	vld [tilespmem:s0+$0x0]  }
0x10a: {  	s0 =	simm.s32 $0x60  }
0x10b: {  	v6 =	vld [tilespmem:s0+$0x10];
	v2 =	vadd.s32 $0x7530, v2  }
0x10c: {  	v7 =	vld [tilespmem:s0+$0xFFFFFFF0];
	v3 =	vadd.s32 $0x7530, v3  }
0x10d: {  	v8 =	vld [tilespmem:s0+$0x0];
	v4 =	vadd.s32 $0x7530, v4  }
0x10e: {  	v9 =	vld [tilespmem:s0+$0xFFFFFFE0];
	s0 =	simm.s32 $0xA0;
	v5 =	vadd.s32 $0x7530, v5  }
0x10f: {  	v11 =	vld [tilespmem:s0+$0x10]  }
0x110: {  	v2 =	vld.idx.msk [tilespmem:v2+s20+$0x0], $0xffff  }
0x111: {  	v3 =	vld.idx.msk [tilespmem:v3+s20+$0x0], $0xffff  }
0x112: {  	v6 =	vadd.s32 $0x7530, v6;
	v4 =	vld.idx.msk [tilespmem:v4+s20+$0x0], $0xffff  }
0x113: {  	v5 =	vld.idx.msk [tilespmem:v5+s20+$0x0], $0xffff  }
0x114: {  	v12 =	vld [tilespmem:s0+$0xFFFFFFF0];
	v10 =	vadd.s32 $0x7530, v7  }
0x115: {  	v13 =	vadd.s32 $0x7530, v9;
	v14 =	vadd.s32 $0x7530, v8  }
0x116: {  	v7 =	vld [tilespmem:s0+$0x0];
	v9 =	vadd.s32 $0x7530, v11;
	vm8 =	vlt.f32 v2, $0.0e+00;
	vm9 =	vgt.f32 v2, $0.0e+00  }
0x117: {  	v2 =	vld.idx.msk [tilespmem:v6+s20+$0x0], $0xffff;
	vm10 =	vlt.f32 v3, $0.0e+00;
	vm11 =	vgt.f32 v3, $0.0e+00;
	vm12 =	vlt.f32 v4, $0.0e+00  }
0x118: {  	v8 =	vld [tilespmem:s0+$0xFFFFFFE0];
	vm13 =	vgt.f32 v4, $0.0e+00;
	vm14 =	vlt.f32 v5, $0.0e+00;
	vm15 =	vgt.f32 v5, $0.0e+00  }
0x119: {  	v3 =	vld.idx.msk [tilespmem:v10+s20+$0x0], $0xffff;
	v4 =	vadd.s32 $0x7530, v12;
	vm0 =	vmor vm9, vm8;
	vm1 =	vmor vm13, vm12  }
0x11a: {  	s30 =	simm.s32 $0x16030;
	v6 =	vld.idx.msk [tilespmem:v13+s20+$0x0], $0xffff;
	vm2 =	vmor vm15, vm14;
	v15 =	vsel vm0, $0x3F800000, v0;
	vm0 =	vmor vm11, vm10  }
0x11b: {  	s31 =	simm.s32 $0x80;
	s0 =	simm.s32 $0xE0;
	v5 =	vld.idx.msk [tilespmem:v14+s20+$0x0], $0xffff;
	v12 =	vsel vm1, $0x3F800000, v0;
	v10 =	vsel vm2, $0x3F800000, v0;
	[tilespmem:s30+$0x10] =	vst v15;
	v11 =	vsel vm0, $0x3F800000, v0  }
.LBB2_11:
0x11c: {  	v13 =	vld [tilespmem:s0+$0x10];
	s31 =	sadd.s32 $0x40, s31;
	v14 =	vadd.s32 $0x7530, v7;
	vm0 =	vlt.f32 v2, $0.0e+00;
	vm1 =	vgt.f32 v2, $0.0e+00;
	[tilespmem:s30+$0xFFFFFFE0] =	vst v12  }
0x11d: {  	v12 =	vld [tilespmem:s0+$0xFFFFFFF0];
	p0 =	slt.u32 s31, $0x1340;
	v15 =	vadd.s32 $0x7530, v8;
	vm0 =	vmor vm1, vm0;
	[tilespmem:s30+$0xFFFFFFF0] =	vst v11  }
0x11e: {  	v2 =	vld.idx.msk [tilespmem:v9+s20+$0x0], $0xffff;
	v8 =	vsel vm0, $0x3F800000, v0;
	[tilespmem:s30+$0x0] =	vst v10;
	s30 =	sadd.s32 $0x40, s30  }
.Ltmp5:
0x11f: {  	vm0 =	vlt.f32 v3, $0.0e+00;
	vm1 =	vgt.f32 v3, $0.0e+00;
	v7 =	vld [tilespmem:s0+$0x0];
	[tilespmem:s30+$0x10] =	vst v8;
	(pc) =	sbr.rel @p0 .LBB2_11-.Ltmp5, $4  }
0x120: {  	vm2 =	vlt.f32 v6, $0.0e+00;
	vm3 =	vgt.f32 v6, $0.0e+00;
	vm0 =	vmor vm1, vm0;
	v8 =	vld [tilespmem:s0+$0xFFFFFFE0]  }
0x121: {  	vm1 =	vlt.f32 v5, $0.0e+00;
	vm4 =	vgt.f32 v5, $0.0e+00;
	v9 =	vadd.s32 $0x7530, v13;
	v3 =	vld.idx.msk [tilespmem:v4+s20+$0x0], $0xffff  }
0x122: {  	vm2 =	vmor vm3, vm2;
	vm1 =	vmor vm4, vm1;
	v4 =	vadd.s32 $0x7530, v12;
	v6 =	vld.idx.msk [tilespmem:v15+s20+$0x0], $0xffff  }
0x123: {  	s0 =	sadd.s32 $0x40, s0;
	v11 =	vsel vm0, $0x3F800000, v0;
	v12 =	vsel vm2, $0x3F800000, v0;
	v10 =	vsel vm1, $0x3F800000, v0;
	v5 =	vld.idx.msk [tilespmem:v14+s20+$0x0], $0xffff  }
0x124: {  	_ = 	snop  }
0x125: {  	v7 =	vadd.s32 $0x7530, v7  }
0x126: {  	v8 =	vadd.s32 $0x7530, v8  }
0x127: {  	vm0 =	vlt.f32 v2, $0.0e+00;
	vm1 =	vgt.f32 v2, $0.0e+00  }
0x128: {  	v2 =	vld.idx.msk [tilespmem:v9+s20+$0x0], $0xffff;
	vm0 =	vmor vm1, vm0  }
0x129: {  	v4 =	vld.idx.msk [tilespmem:v4+s20+$0x0], $0xffff;
	v9 =	vsel vm0, $0x3F800000, v0;
	vm2 =	vlt.f32 v6, $0.0e+00  }
0x12a: {  	[tilespmem:s30+$0xFFFFFFE0] =	vst v12;
	vm3 =	vgt.f32 v6, $0.0e+00;
	vm4 =	vlt.f32 v5, $0.0e+00;
	vm15 =	vgt.f32 v5, $0.0e+00;
	v5 =	vld.idx.msk [tilespmem:v7+s20+$0x0], $0xffff  }
0x12b: {  	[tilespmem:s30+$0xFFFFFFF0] =	vst v11;
	vm13 =	vlt.f32 v3, $0.0e+00;
	vm14 =	vgt.f32 v3, $0.0e+00;
	vm2 =	vmor vm3, vm2;
	v3 =	vld.idx.msk [tilespmem:v8+s20+$0x0], $0xffff  }
0x12c: {  	[tilespmem:s30+$0x0] =	vst v10;
	s0 =	sadd.s32 $0x40, s30;
	vm0 =	vmor vm14, vm13;
	vm5 =	vmor vm15, vm4;
	v6 =	vsel vm2, $0x3F800000, v0  }
0x12d: {  	[tilespmem:s0+$0x10] =	vst v9;
	v7 =	vsel vm0, $0x3F800000, v0;
	vm6 =	vlt.f32 v2, $0.0e+00;
	vm7 =	vgt.f32 v2, $0.0e+00  }
0x12e: {  	vm8 =	vlt.f32 v4, $0.0e+00;
	vm9 =	vgt.f32 v4, $0.0e+00;
	v2 =	vsel vm5, $0x3F800000, v0;
	[tilespmem:s0+$0xFFFFFFE0] =	vst v6  }
0x12f: {  	vm0 =	vmor vm7, vm6;
	[tilespmem:s0+$0xFFFFFFF0] =	vst v7;
	vm12 =	vmor vm9, vm8;
	vm14 =	vlt.f32 v5, $0.0e+00  }
0x130: {  	[tilespmem:s0+$0x0] =	vst v2;
	s0 =	sadd.s32 $0x40, s0;
	vm10 =	vlt.f32 v3, $0.0e+00;
	vm11 =	vgt.f32 v3, $0.0e+00;
	v3 =	vsel vm0, $0x3F800000, v0  }
0x131: {  	vm15 =	vgt.f32 v5, $0.0e+00;
	vm13 =	vmor vm11, vm10;
	[tilespmem:s0+$0x10] =	vst v3;
	v3 =	vsel vm12, $0x3F800000, v0  }
0x132: {  	vm4 =	vmor vm15, vm14;
	v2 =	vsel vm13, $0x3F800000, v0;
	[tilespmem:s0+$0xFFFFFFF0] =	vst v3  }
0x133: {  	[tilespmem:s0+$0xFFFFFFE0] =	vst v2;
	v2 =	vsel vm4, $0x3F800000, v0  }
0x134: {  	[tilespmem:s0+$0x0] =	vst v2  }
0x135: {  	v2 =	vld [tilespmem:$0x1380];
	_ =	sdelay $0x4  }
0x136: {  	v2 =	vadd.s32 $0x7530, v2;
	_ =	sdelay $0x4  }
0x137: {  	v2 =	vld.idx.msk [tilespmem:v2+s20+$0x0], $0xffff;
	_ =	sdelay $0x4  }
0x138: {  	vm5 =	vlt.f32 v2, $0.0e+00;
	vm6 =	vgt.f32 v2, $0.0e+00  }
0x139: {  	vm0 =	vmor vm6, vm5  }
0x13a: {  	v2 =	vsel vm0, $0x3F800000, v0  }
0x13b: {  	[tilespmem:$0x17390] =	vst v2  }
0x13c: {  	s0 =	sor.u32 $0x3, s28;
	v2 =	vld [tilespmem:s29+$0x16010]  }
0x13d: {  	s30 =	sand.u32 $0xB, s0  }
0x13e: {  	v3 =	vmov s30  }
0x13f: {  	vm7 =	veq.s32 v3, v1  }
0x140: {  	v3 =	vsel vm7, $0x3F800000, v0  }
0x141: {  	s0 =	smul.u32 $0x271, s0;
	v2 =	vadd.f32 v3, v2;
	_ =	sdelay $0x1  }
0x142: {  	s0 =	sadd.s32 s6, s0;
	[tilespmem:s29+$0x16010] =	vst v2  }
0x143: {  	[hbm4b:s0+s4] =	stream.linear.scatter [tilespmem:s22], [sflag:$0x3], $0x1388, $0x38;
	[tilespmem:$0x1CDA0] =	vst v63  }
0x144: {  	_ =	swait.ge [sflag:s23], $0x1388  }
0x145: {  	[sflag:s23] =	ssyncset.done $0x0  }
0x146: {  	s0 =	simm.s32 $0x20;
	[sflag:s23] =	ssyncadd.s32 $0xFFFFEC78  }
0x147: {  	v2 =	vld [tilespmem:s0+$0x10]  }
0x148: {  	v3 =	vld [tilespmem:s0+$0xFFFFFFF0]  }
0x149: {  	v4 =	vld [tilespmem:s0+$0xFFFFFFE0]  }
0x14a: {  	v5 =	vld [tilespmem:s0+$0x0]  }
0x14b: {  	s0 =	simm.s32 $0x60  }
0x14c: {  	v6 =	vld [tilespmem:s0+$0x10];
	v2 =	vadd.s32 $0x9C40, v2  }
0x14d: {  	v7 =	vld [tilespmem:s0+$0xFFFFFFF0];
	v3 =	vadd.s32 $0x9C40, v3  }
0x14e: {  	v8 =	vld [tilespmem:s0+$0x0];
	v4 =	vadd.s32 $0x9C40, v4  }
0x14f: {  	v9 =	vld [tilespmem:s0+$0xFFFFFFE0];
	s0 =	simm.s32 $0xA0;
	v5 =	vadd.s32 $0x9C40, v5  }
0x150: {  	v11 =	vld [tilespmem:s0+$0x10]  }
0x151: {  	v2 =	vld.idx.msk [tilespmem:v2+s20+$0x0], $0xffff  }
0x152: {  	v3 =	vld.idx.msk [tilespmem:v3+s20+$0x0], $0xffff  }
0x153: {  	v6 =	vadd.s32 $0x9C40, v6;
	v4 =	vld.idx.msk [tilespmem:v4+s20+$0x0], $0xffff  }
0x154: {  	v5 =	vld.idx.msk [tilespmem:v5+s20+$0x0], $0xffff  }
0x155: {  	v12 =	vld [tilespmem:s0+$0xFFFFFFF0];
	v10 =	vadd.s32 $0x9C40, v7  }
0x156: {  	v13 =	vadd.s32 $0x9C40, v9;
	v14 =	vadd.s32 $0x9C40, v8  }
0x157: {  	v7 =	vld [tilespmem:s0+$0x0];
	v9 =	vadd.s32 $0x9C40, v11;
	vm8 =	vlt.f32 v2, $0.0e+00;
	vm9 =	vgt.f32 v2, $0.0e+00  }
0x158: {  	v2 =	vld.idx.msk [tilespmem:v6+s20+$0x0], $0xffff;
	vm10 =	vlt.f32 v3, $0.0e+00;
	vm11 =	vgt.f32 v3, $0.0e+00;
	vm12 =	vlt.f32 v4, $0.0e+00  }
0x159: {  	v8 =	vld [tilespmem:s0+$0xFFFFFFE0];
	vm13 =	vgt.f32 v4, $0.0e+00;
	vm14 =	vlt.f32 v5, $0.0e+00;
	vm15 =	vgt.f32 v5, $0.0e+00  }
0x15a: {  	v3 =	vld.idx.msk [tilespmem:v10+s20+$0x0], $0xffff;
	v4 =	vadd.s32 $0x9C40, v12;
	vm0 =	vmor vm9, vm8;
	vm1 =	vmor vm13, vm12  }
0x15b: {  	s30 =	simm.s32 $0x14CA0;
	v6 =	vld.idx.msk [tilespmem:v13+s20+$0x0], $0xffff;
	vm2 =	vmor vm15, vm14;
	v15 =	vsel vm0, $0x3F800000, v0;
	vm0 =	vmor vm11, vm10  }
0x15c: {  	s31 =	simm.s32 $0x80;
	s0 =	simm.s32 $0xE0;
	v5 =	vld.idx.msk [tilespmem:v14+s20+$0x0], $0xffff;
	v12 =	vsel vm1, $0x3F800000, v0;
	v10 =	vsel vm2, $0x3F800000, v0;
	[tilespmem:s30+$0x10] =	vst v15;
	v11 =	vsel vm0, $0x3F800000, v0  }
.LBB2_13:
0x15d: {  	v13 =	vld [tilespmem:s0+$0x10];
	s31 =	sadd.s32 $0x40, s31;
	v14 =	vadd.s32 $0x9C40, v7;
	vm0 =	vlt.f32 v2, $0.0e+00;
	vm1 =	vgt.f32 v2, $0.0e+00;
	[tilespmem:s30+$0xFFFFFFE0] =	vst v12  }
0x15e: {  	v12 =	vld [tilespmem:s0+$0xFFFFFFF0];
	p0 =	slt.u32 s31, $0x1340;
	v15 =	vadd.s32 $0x9C40, v8;
	vm0 =	vmor vm1, vm0;
	[tilespmem:s30+$0xFFFFFFF0] =	vst v11  }
0x15f: {  	v2 =	vld.idx.msk [tilespmem:v9+s20+$0x0], $0xffff;
	v8 =	vsel vm0, $0x3F800000, v0;
	[tilespmem:s30+$0x0] =	vst v10;
	s30 =	sadd.s32 $0x40, s30  }
.Ltmp6:
0x160: {  	vm0 =	vlt.f32 v3, $0.0e+00;
	vm1 =	vgt.f32 v3, $0.0e+00;
	v7 =	vld [tilespmem:s0+$0x0];
	[tilespmem:s30+$0x10] =	vst v8;
	(pc) =	sbr.rel @p0 .LBB2_13-.Ltmp6, $4  }
0x161: {  	vm2 =	vlt.f32 v6, $0.0e+00;
	vm3 =	vgt.f32 v6, $0.0e+00;
	vm0 =	vmor vm1, vm0;
	v8 =	vld [tilespmem:s0+$0xFFFFFFE0]  }
0x162: {  	vm1 =	vlt.f32 v5, $0.0e+00;
	vm4 =	vgt.f32 v5, $0.0e+00;
	v9 =	vadd.s32 $0x9C40, v13;
	v3 =	vld.idx.msk [tilespmem:v4+s20+$0x0], $0xffff  }
0x163: {  	vm2 =	vmor vm3, vm2;
	vm1 =	vmor vm4, vm1;
	v4 =	vadd.s32 $0x9C40, v12;
	v6 =	vld.idx.msk [tilespmem:v15+s20+$0x0], $0xffff  }
0x164: {  	s0 =	sadd.s32 $0x40, s0;
	v11 =	vsel vm0, $0x3F800000, v0;
	v12 =	vsel vm2, $0x3F800000, v0;
	v10 =	vsel vm1, $0x3F800000, v0;
	v5 =	vld.idx.msk [tilespmem:v14+s20+$0x0], $0xffff  }
0x165: {  	_ = 	snop  }
0x166: {  	v7 =	vadd.s32 $0x9C40, v7  }
0x167: {  	v8 =	vadd.s32 $0x9C40, v8  }
0x168: {  	vm0 =	vlt.f32 v2, $0.0e+00;
	vm1 =	vgt.f32 v2, $0.0e+00  }
0x169: {  	v2 =	vld.idx.msk [tilespmem:v9+s20+$0x0], $0xffff;
	vm0 =	vmor vm1, vm0  }
0x16a: {  	v4 =	vld.idx.msk [tilespmem:v4+s20+$0x0], $0xffff;
	v9 =	vsel vm0, $0x3F800000, v0;
	vm2 =	vlt.f32 v6, $0.0e+00  }
0x16b: {  	[tilespmem:s30+$0xFFFFFFE0] =	vst v12;
	vm3 =	vgt.f32 v6, $0.0e+00;
	vm4 =	vlt.f32 v5, $0.0e+00;
	vm15 =	vgt.f32 v5, $0.0e+00;
	v5 =	vld.idx.msk [tilespmem:v7+s20+$0x0], $0xffff  }
0x16c: {  	[tilespmem:s30+$0xFFFFFFF0] =	vst v11;
	vm13 =	vlt.f32 v3, $0.0e+00;
	vm14 =	vgt.f32 v3, $0.0e+00;
	vm2 =	vmor vm3, vm2;
	v3 =	vld.idx.msk [tilespmem:v8+s20+$0x0], $0xffff  }
0x16d: {  	[tilespmem:s30+$0x0] =	vst v10;
	s0 =	sadd.s32 $0x40, s30;
	vm0 =	vmor vm14, vm13;
	vm5 =	vmor vm15, vm4;
	v6 =	vsel vm2, $0x3F800000, v0  }
0x16e: {  	[tilespmem:s0+$0x10] =	vst v9;
	v7 =	vsel vm0, $0x3F800000, v0;
	vm6 =	vlt.f32 v2, $0.0e+00;
	vm7 =	vgt.f32 v2, $0.0e+00  }
0x16f: {  	vm8 =	vlt.f32 v4, $0.0e+00;
	vm9 =	vgt.f32 v4, $0.0e+00;
	v2 =	vsel vm5, $0x3F800000, v0;
	[tilespmem:s0+$0xFFFFFFE0] =	vst v6  }
0x170: {  	vm0 =	vmor vm7, vm6;
	[tilespmem:s0+$0xFFFFFFF0] =	vst v7;
	vm12 =	vmor vm9, vm8;
	vm14 =	vlt.f32 v5, $0.0e+00  }
0x171: {  	[tilespmem:s0+$0x0] =	vst v2;
	s0 =	sadd.s32 $0x40, s0;
	vm10 =	vlt.f32 v3, $0.0e+00;
	vm11 =	vgt.f32 v3, $0.0e+00;
	v3 =	vsel vm0, $0x3F800000, v0  }
0x172: {  	vm15 =	vgt.f32 v5, $0.0e+00;
	vm13 =	vmor vm11, vm10;
	[tilespmem:s0+$0x10] =	vst v3;
	v3 =	vsel vm12, $0x3F800000, v0  }
0x173: {  	vm4 =	vmor vm15, vm14;
	v2 =	vsel vm13, $0x3F800000, v0;
	[tilespmem:s0+$0xFFFFFFF0] =	vst v3  }
0x174: {  	[tilespmem:s0+$0xFFFFFFE0] =	vst v2;
	v2 =	vsel vm4, $0x3F800000, v0  }
0x175: {  	[tilespmem:s0+$0x0] =	vst v2  }
0x176: {  	v2 =	vld [tilespmem:$0x1380];
	_ =	sdelay $0x4  }
0x177: {  	v2 =	vadd.s32 $0x9C40, v2;
	_ =	sdelay $0x4  }
0x178: {  	v2 =	vld.idx.msk [tilespmem:v2+s20+$0x0], $0xffff;
	_ =	sdelay $0x4  }
0x179: {  	vm5 =	vlt.f32 v2, $0.0e+00;
	vm6 =	vgt.f32 v2, $0.0e+00  }
0x17a: {  	vm0 =	vmor vm6, vm5  }
0x17b: {  	v2 =	vsel vm0, $0x3F800000, v0  }
0x17c: {  	[tilespmem:$0x16000] =	vst v2  }
0x17d: {  	s0 =	sor.u32 $0x4, s28;
	v2 =	vld [tilespmem:s29+$0x14C80]  }
0x17e: {  	s30 =	sand.u32 $0xC, s0  }
0x17f: {  	v3 =	vmov s30  }
0x180: {  	vm7 =	veq.s32 v3, v1  }
0x181: {  	v3 =	vsel vm7, $0x3F800000, v0  }
0x182: {  	s0 =	smul.u32 $0x271, s0;
	v2 =	vadd.f32 v3, v2;
	_ =	sdelay $0x1  }
0x183: {  	s0 =	sadd.s32 s6, s0;
	[tilespmem:s29+$0x14C80] =	vst v2  }
0x184: {  	[hbm4b:s0+s4] =	stream.linear.scatter [tilespmem:s21], [sflag:$0x2], $0x1388, $0x38;
	[tilespmem:$0x1CDA0] =	vst v63  }
0x185: {  	_ =	swait.ge [sflag:s24], $0x1388  }
0x186: {  	[sflag:s24] =	ssyncset.done $0x0  }
0x187: {  	s0 =	simm.s32 $0x20;
	[sflag:s24] =	ssyncadd.s32 $0xFFFFEC78  }
0x188: {  	v2 =	vld [tilespmem:s0+$0x10]  }
0x189: {  	v3 =	vld [tilespmem:s0+$0xFFFFFFF0]  }
0x18a: {  	v4 =	vld [tilespmem:s0+$0xFFFFFFE0]  }
0x18b: {  	v5 =	vld [tilespmem:s0+$0x0]  }
0x18c: {  	s0 =	simm.s32 $0x60  }
0x18d: {  	v6 =	vld [tilespmem:s0+$0x10];
	v2 =	vadd.s32 $0xC350, v2  }
0x18e: {  	v7 =	vld [tilespmem:s0+$0xFFFFFFF0];
	v3 =	vadd.s32 $0xC350, v3  }
0x18f: {  	v8 =	vld [tilespmem:s0+$0x0];
	v4 =	vadd.s32 $0xC350, v4  }
0x190: {  	v9 =	vld [tilespmem:s0+$0xFFFFFFE0];
	s0 =	simm.s32 $0xA0;
	v5 =	vadd.s32 $0xC350, v5  }
0x191: {  	v11 =	vld [tilespmem:s0+$0x10]  }
0x192: {  	v2 =	vld.idx.msk [tilespmem:v2+s20+$0x0], $0xffff  }
0x193: {  	v3 =	vld.idx.msk [tilespmem:v3+s20+$0x0], $0xffff  }
0x194: {  	v6 =	vadd.s32 $0xC350, v6;
	v4 =	vld.idx.msk [tilespmem:v4+s20+$0x0], $0xffff  }
0x195: {  	v5 =	vld.idx.msk [tilespmem:v5+s20+$0x0], $0xffff  }
0x196: {  	v12 =	vld [tilespmem:s0+$0xFFFFFFF0];
	v10 =	vadd.s32 $0xC350, v7  }
0x197: {  	v13 =	vadd.s32 $0xC350, v9;
	v14 =	vadd.s32 $0xC350, v8  }
0x198: {  	v7 =	vld [tilespmem:s0+$0x0];
	v9 =	vadd.s32 $0xC350, v11;
	vm8 =	vlt.f32 v2, $0.0e+00;
	vm9 =	vgt.f32 v2, $0.0e+00  }
0x199: {  	v2 =	vld.idx.msk [tilespmem:v6+s20+$0x0], $0xffff;
	vm10 =	vlt.f32 v3, $0.0e+00;
	vm11 =	vgt.f32 v3, $0.0e+00;
	vm12 =	vlt.f32 v4, $0.0e+00  }
0x19a: {  	v8 =	vld [tilespmem:s0+$0xFFFFFFE0];
	vm13 =	vgt.f32 v4, $0.0e+00;
	vm14 =	vlt.f32 v5, $0.0e+00;
	vm15 =	vgt.f32 v5, $0.0e+00  }
0x19b: {  	v3 =	vld.idx.msk [tilespmem:v10+s20+$0x0], $0xffff;
	v4 =	vadd.s32 $0xC350, v12;
	vm0 =	vmor vm9, vm8;
	vm1 =	vmor vm13, vm12  }
0x19c: {  	s30 =	simm.s32 $0x16030;
	v6 =	vld.idx.msk [tilespmem:v13+s20+$0x0], $0xffff;
	vm2 =	vmor vm15, vm14;
	v15 =	vsel vm0, $0x3F800000, v0;
	vm0 =	vmor vm11, vm10  }
0x19d: {  	s31 =	simm.s32 $0x80;
	s0 =	simm.s32 $0xE0;
	v5 =	vld.idx.msk [tilespmem:v14+s20+$0x0], $0xffff;
	v12 =	vsel vm1, $0x3F800000, v0;
	v10 =	vsel vm2, $0x3F800000, v0;
	[tilespmem:s30+$0x10] =	vst v15;
	v11 =	vsel vm0, $0x3F800000, v0  }
.LBB2_15:
0x19e: {  	v13 =	vld [tilespmem:s0+$0x10];
	s31 =	sadd.s32 $0x40, s31;
	v14 =	vadd.s32 $0xC350, v7;
	vm0 =	vlt.f32 v2, $0.0e+00;
	vm1 =	vgt.f32 v2, $0.0e+00;
	[tilespmem:s30+$0xFFFFFFE0] =	vst v12  }
0x19f: {  	v12 =	vld [tilespmem:s0+$0xFFFFFFF0];
	p0 =	slt.u32 s31, $0x1340;
	v15 =	vadd.s32 $0xC350, v8;
	vm0 =	vmor vm1, vm0;
	[tilespmem:s30+$0xFFFFFFF0] =	vst v11  }
0x1a0: {  	v2 =	vld.idx.msk [tilespmem:v9+s20+$0x0], $0xffff;
	v8 =	vsel vm0, $0x3F800000, v0;
	[tilespmem:s30+$0x0] =	vst v10;
	s30 =	sadd.s32 $0x40, s30  }
.Ltmp7:
0x1a1: {  	vm0 =	vlt.f32 v3, $0.0e+00;
	vm1 =	vgt.f32 v3, $0.0e+00;
	v7 =	vld [tilespmem:s0+$0x0];
	[tilespmem:s30+$0x10] =	vst v8;
	(pc) =	sbr.rel @p0 .LBB2_15-.Ltmp7, $4  }
0x1a2: {  	vm2 =	vlt.f32 v6, $0.0e+00;
	vm3 =	vgt.f32 v6, $0.0e+00;
	vm0 =	vmor vm1, vm0;
	v8 =	vld [tilespmem:s0+$0xFFFFFFE0]  }
0x1a3: {  	vm1 =	vlt.f32 v5, $0.0e+00;
	vm4 =	vgt.f32 v5, $0.0e+00;
	v9 =	vadd.s32 $0xC350, v13;
	v3 =	vld.idx.msk [tilespmem:v4+s20+$0x0], $0xffff  }
0x1a4: {  	vm2 =	vmor vm3, vm2;
	vm1 =	vmor vm4, vm1;
	v4 =	vadd.s32 $0xC350, v12;
	v6 =	vld.idx.msk [tilespmem:v15+s20+$0x0], $0xffff  }
0x1a5: {  	s0 =	sadd.s32 $0x40, s0;
	v11 =	vsel vm0, $0x3F800000, v0;
	v12 =	vsel vm2, $0x3F800000, v0;
	v10 =	vsel vm1, $0x3F800000, v0;
	v5 =	vld.idx.msk [tilespmem:v14+s20+$0x0], $0xffff  }
0x1a6: {  	_ = 	snop  }
0x1a7: {  	v7 =	vadd.s32 $0xC350, v7  }
0x1a8: {  	v8 =	vadd.s32 $0xC350, v8  }
0x1a9: {  	vm0 =	vlt.f32 v2, $0.0e+00;
	vm1 =	vgt.f32 v2, $0.0e+00  }
0x1aa: {  	v2 =	vld.idx.msk [tilespmem:v9+s20+$0x0], $0xffff;
	vm0 =	vmor vm1, vm0  }
0x1ab: {  	v4 =	vld.idx.msk [tilespmem:v4+s20+$0x0], $0xffff;
	v9 =	vsel vm0, $0x3F800000, v0;
	vm2 =	vlt.f32 v6, $0.0e+00  }
0x1ac: {  	[tilespmem:s30+$0xFFFFFFE0] =	vst v12;
	vm3 =	vgt.f32 v6, $0.0e+00;
	vm4 =	vlt.f32 v5, $0.0e+00;
	vm15 =	vgt.f32 v5, $0.0e+00;
	v5 =	vld.idx.msk [tilespmem:v7+s20+$0x0], $0xffff  }
0x1ad: {  	[tilespmem:s30+$0xFFFFFFF0] =	vst v11;
	vm13 =	vlt.f32 v3, $0.0e+00;
	vm14 =	vgt.f32 v3, $0.0e+00;
	vm2 =	vmor vm3, vm2;
	v3 =	vld.idx.msk [tilespmem:v8+s20+$0x0], $0xffff  }
0x1ae: {  	[tilespmem:s30+$0x0] =	vst v10;
	s0 =	sadd.s32 $0x40, s30;
	vm0 =	vmor vm14, vm13;
	vm5 =	vmor vm15, vm4;
	v6 =	vsel vm2, $0x3F800000, v0  }
0x1af: {  	[tilespmem:s0+$0x10] =	vst v9;
	v7 =	vsel vm0, $0x3F800000, v0;
	vm6 =	vlt.f32 v2, $0.0e+00;
	vm7 =	vgt.f32 v2, $0.0e+00  }
0x1b0: {  	vm8 =	vlt.f32 v4, $0.0e+00;
	vm9 =	vgt.f32 v4, $0.0e+00;
	v2 =	vsel vm5, $0x3F800000, v0;
	[tilespmem:s0+$0xFFFFFFE0] =	vst v6  }
0x1b1: {  	vm0 =	vmor vm7, vm6;
	[tilespmem:s0+$0xFFFFFFF0] =	vst v7;
	vm12 =	vmor vm9, vm8;
	vm14 =	vlt.f32 v5, $0.0e+00  }
0x1b2: {  	[tilespmem:s0+$0x0] =	vst v2;
	s0 =	sadd.s32 $0x40, s0;
	vm10 =	vlt.f32 v3, $0.0e+00;
	vm11 =	vgt.f32 v3, $0.0e+00;
	v3 =	vsel vm0, $0x3F800000, v0  }
0x1b3: {  	vm15 =	vgt.f32 v5, $0.0e+00;
	vm13 =	vmor vm11, vm10;
	[tilespmem:s0+$0x10] =	vst v3;
	v3 =	vsel vm12, $0x3F800000, v0  }
0x1b4: {  	vm4 =	vmor vm15, vm14;
	v2 =	vsel vm13, $0x3F800000, v0;
	[tilespmem:s0+$0xFFFFFFF0] =	vst v3  }
0x1b5: {  	[tilespmem:s0+$0xFFFFFFE0] =	vst v2;
	v2 =	vsel vm4, $0x3F800000, v0  }
0x1b6: {  	[tilespmem:s0+$0x0] =	vst v2  }
0x1b7: {  	v2 =	vld [tilespmem:$0x1380];
	_ =	sdelay $0x4  }
0x1b8: {  	v2 =	vadd.s32 $0xC350, v2;
	_ =	sdelay $0x4  }
0x1b9: {  	v2 =	vld.idx.msk [tilespmem:v2+s20+$0x0], $0xffff;
	_ =	sdelay $0x4  }
0x1ba: {  	vm5 =	vlt.f32 v2, $0.0e+00;
	vm6 =	vgt.f32 v2, $0.0e+00  }
0x1bb: {  	vm0 =	vmor vm6, vm5  }
0x1bc: {  	v2 =	vsel vm0, $0x3F800000, v0  }
0x1bd: {  	[tilespmem:$0x17390] =	vst v2  }
0x1be: {  	s0 =	sor.u32 $0x5, s28;
	v2 =	vld [tilespmem:s29+$0x16010]  }
0x1bf: {  	s30 =	sand.u32 $0xD, s0  }
0x1c0: {  	v3 =	vmov s30  }
0x1c1: {  	vm7 =	veq.s32 v3, v1  }
0x1c2: {  	v3 =	vsel vm7, $0x3F800000, v0  }
0x1c3: {  	s0 =	smul.u32 $0x271, s0;
	v2 =	vadd.f32 v3, v2;
	_ =	sdelay $0x1  }
0x1c4: {  	s0 =	sadd.s32 s6, s0;
	[tilespmem:s29+$0x16010] =	vst v2  }
0x1c5: {  	[hbm4b:s0+s4] =	stream.linear.scatter [tilespmem:s22], [sflag:$0x3], $0x1388, $0x38;
	[tilespmem:$0x1CDA0] =	vst v63  }
0x1c6: {  	_ =	swait.ge [sflag:s23], $0x1388  }
0x1c7: {  	[sflag:s23] =	ssyncset.done $0x0  }
0x1c8: {  	s0 =	simm.s32 $0x20;
	[sflag:s23] =	ssyncadd.s32 $0xFFFFEC78  }
0x1c9: {  	v2 =	vld [tilespmem:s0+$0x10]  }
0x1ca: {  	v3 =	vld [tilespmem:s0+$0xFFFFFFF0]  }
0x1cb: {  	v4 =	vld [tilespmem:s0+$0xFFFFFFE0]  }
0x1cc: {  	v5 =	vld [tilespmem:s0+$0x0]  }
0x1cd: {  	s0 =	simm.s32 $0x60  }
0x1ce: {  	v6 =	vld [tilespmem:s0+$0x10];
	v2 =	vadd.s32 $0xEA60, v2  }
0x1cf: {  	v7 =	vld [tilespmem:s0+$0xFFFFFFF0];
	v3 =	vadd.s32 $0xEA60, v3  }
0x1d0: {  	v8 =	vld [tilespmem:s0+$0x0];
	v4 =	vadd.s32 $0xEA60, v4  }
0x1d1: {  	v9 =	vld [tilespmem:s0+$0xFFFFFFE0];
	s0 =	simm.s32 $0xA0;
	v5 =	vadd.s32 $0xEA60, v5  }
0x1d2: {  	v11 =	vld [tilespmem:s0+$0x10]  }
0x1d3: {  	v2 =	vld.idx.msk [tilespmem:v2+s20+$0x0], $0xffff  }
0x1d4: {  	v3 =	vld.idx.msk [tilespmem:v3+s20+$0x0], $0xffff  }
0x1d5: {  	v6 =	vadd.s32 $0xEA60, v6;
	v4 =	vld.idx.msk [tilespmem:v4+s20+$0x0], $0xffff  }
0x1d6: {  	v5 =	vld.idx.msk [tilespmem:v5+s20+$0x0], $0xffff  }
0x1d7: {  	v12 =	vld [tilespmem:s0+$0xFFFFFFF0];
	v10 =	vadd.s32 $0xEA60, v7  }
0x1d8: {  	v13 =	vadd.s32 $0xEA60, v9;
	v14 =	vadd.s32 $0xEA60, v8  }
0x1d9: {  	v7 =	vld [tilespmem:s0+$0x0];
	v9 =	vadd.s32 $0xEA60, v11;
	vm8 =	vlt.f32 v2, $0.0e+00;
	vm9 =	vgt.f32 v2, $0.0e+00  }
0x1da: {  	v2 =	vld.idx.msk [tilespmem:v6+s20+$0x0], $0xffff;
	vm10 =	vlt.f32 v3, $0.0e+00;
	vm11 =	vgt.f32 v3, $0.0e+00;
	vm12 =	vlt.f32 v4, $0.0e+00  }
0x1db: {  	v8 =	vld [tilespmem:s0+$0xFFFFFFE0];
	vm13 =	vgt.f32 v4, $0.0e+00;
	vm14 =	vlt.f32 v5, $0.0e+00;
	vm15 =	vgt.f32 v5, $0.0e+00  }
0x1dc: {  	v3 =	vld.idx.msk [tilespmem:v10+s20+$0x0], $0xffff;
	v4 =	vadd.s32 $0xEA60, v12;
	vm0 =	vmor vm9, vm8;
	vm1 =	vmor vm13, vm12  }
0x1dd: {  	s30 =	simm.s32 $0x14CA0;
	v6 =	vld.idx.msk [tilespmem:v13+s20+$0x0], $0xffff;
	vm2 =	vmor vm15, vm14;
	v15 =	vsel vm0, $0x3F800000, v0;
	vm0 =	vmor vm11, vm10  }
0x1de: {  	s31 =	simm.s32 $0x80;
	s0 =	simm.s32 $0xE0;
	v5 =	vld.idx.msk [tilespmem:v14+s20+$0x0], $0xffff;
	v12 =	vsel vm1, $0x3F800000, v0;
	v10 =	vsel vm2, $0x3F800000, v0;
	[tilespmem:s30+$0x10] =	vst v15;
	v11 =	vsel vm0, $0x3F800000, v0  }
.LBB2_17:
0x1df: {  	v13 =	vld [tilespmem:s0+$0x10];
	s31 =	sadd.s32 $0x40, s31;
	v14 =	vadd.s32 $0xEA60, v7;
	vm0 =	vlt.f32 v2, $0.0e+00;
	vm1 =	vgt.f32 v2, $0.0e+00;
	[tilespmem:s30+$0xFFFFFFE0] =	vst v12  }
0x1e0: {  	v12 =	vld [tilespmem:s0+$0xFFFFFFF0];
	p0 =	slt.u32 s31, $0x1340;
	v15 =	vadd.s32 $0xEA60, v8;
	vm0 =	vmor vm1, vm0;
	[tilespmem:s30+$0xFFFFFFF0] =	vst v11  }
0x1e1: {  	v2 =	vld.idx.msk [tilespmem:v9+s20+$0x0], $0xffff;
	v8 =	vsel vm0, $0x3F800000, v0;
	[tilespmem:s30+$0x0] =	vst v10;
	s30 =	sadd.s32 $0x40, s30  }
.Ltmp8:
0x1e2: {  	vm0 =	vlt.f32 v3, $0.0e+00;
	vm1 =	vgt.f32 v3, $0.0e+00;
	v7 =	vld [tilespmem:s0+$0x0];
	[tilespmem:s30+$0x10] =	vst v8;
	(pc) =	sbr.rel @p0 .LBB2_17-.Ltmp8, $4  }
0x1e3: {  	vm2 =	vlt.f32 v6, $0.0e+00;
	vm3 =	vgt.f32 v6, $0.0e+00;
	vm0 =	vmor vm1, vm0;
	v8 =	vld [tilespmem:s0+$0xFFFFFFE0]  }
0x1e4: {  	vm1 =	vlt.f32 v5, $0.0e+00;
	vm4 =	vgt.f32 v5, $0.0e+00;
	v9 =	vadd.s32 $0xEA60, v13;
	v3 =	vld.idx.msk [tilespmem:v4+s20+$0x0], $0xffff  }
0x1e5: {  	vm2 =	vmor vm3, vm2;
	vm1 =	vmor vm4, vm1;
	v4 =	vadd.s32 $0xEA60, v12;
	v6 =	vld.idx.msk [tilespmem:v15+s20+$0x0], $0xffff  }
0x1e6: {  	s0 =	sadd.s32 $0x40, s0;
	v11 =	vsel vm0, $0x3F800000, v0;
	v12 =	vsel vm2, $0x3F800000, v0;
	v10 =	vsel vm1, $0x3F800000, v0;
	v5 =	vld.idx.msk [tilespmem:v14+s20+$0x0], $0xffff  }
0x1e7: {  	_ = 	snop  }
0x1e8: {  	v7 =	vadd.s32 $0xEA60, v7  }
0x1e9: {  	v8 =	vadd.s32 $0xEA60, v8  }
0x1ea: {  	vm0 =	vlt.f32 v2, $0.0e+00;
	vm1 =	vgt.f32 v2, $0.0e+00  }
0x1eb: {  	v2 =	vld.idx.msk [tilespmem:v9+s20+$0x0], $0xffff;
	vm0 =	vmor vm1, vm0  }
0x1ec: {  	v4 =	vld.idx.msk [tilespmem:v4+s20+$0x0], $0xffff;
	v9 =	vsel vm0, $0x3F800000, v0;
	vm2 =	vlt.f32 v6, $0.0e+00  }
0x1ed: {  	[tilespmem:s30+$0xFFFFFFE0] =	vst v12;
	vm3 =	vgt.f32 v6, $0.0e+00;
	vm4 =	vlt.f32 v5, $0.0e+00;
	vm15 =	vgt.f32 v5, $0.0e+00;
	v5 =	vld.idx.msk [tilespmem:v7+s20+$0x0], $0xffff  }
0x1ee: {  	[tilespmem:s30+$0xFFFFFFF0] =	vst v11;
	vm13 =	vlt.f32 v3, $0.0e+00;
	vm14 =	vgt.f32 v3, $0.0e+00;
	vm2 =	vmor vm3, vm2;
	v3 =	vld.idx.msk [tilespmem:v8+s20+$0x0], $0xffff  }
0x1ef: {  	[tilespmem:s30+$0x0] =	vst v10;
	s0 =	sadd.s32 $0x40, s30;
	vm0 =	vmor vm14, vm13;
	vm5 =	vmor vm15, vm4;
	v6 =	vsel vm2, $0x3F800000, v0  }
0x1f0: {  	[tilespmem:s0+$0x10] =	vst v9;
	v7 =	vsel vm0, $0x3F800000, v0;
	vm6 =	vlt.f32 v2, $0.0e+00;
	vm7 =	vgt.f32 v2, $0.0e+00  }
0x1f1: {  	vm8 =	vlt.f32 v4, $0.0e+00;
	vm9 =	vgt.f32 v4, $0.0e+00;
	v2 =	vsel vm5, $0x3F800000, v0;
	[tilespmem:s0+$0xFFFFFFE0] =	vst v6  }
0x1f2: {  	vm0 =	vmor vm7, vm6;
	[tilespmem:s0+$0xFFFFFFF0] =	vst v7;
	vm12 =	vmor vm9, vm8;
	vm14 =	vlt.f32 v5, $0.0e+00  }
0x1f3: {  	[tilespmem:s0+$0x0] =	vst v2;
	s0 =	sadd.s32 $0x40, s0;
	vm10 =	vlt.f32 v3, $0.0e+00;
	vm11 =	vgt.f32 v3, $0.0e+00;
	v3 =	vsel vm0, $0x3F800000, v0  }
0x1f4: {  	vm15 =	vgt.f32 v5, $0.0e+00;
	vm13 =	vmor vm11, vm10;
	[tilespmem:s0+$0x10] =	vst v3;
	v3 =	vsel vm12, $0x3F800000, v0  }
0x1f5: {  	vm4 =	vmor vm15, vm14;
	v2 =	vsel vm13, $0x3F800000, v0;
	[tilespmem:s0+$0xFFFFFFF0] =	vst v3  }
0x1f6: {  	[tilespmem:s0+$0xFFFFFFE0] =	vst v2;
	v2 =	vsel vm4, $0x3F800000, v0  }
0x1f7: {  	[tilespmem:s0+$0x0] =	vst v2  }
0x1f8: {  	v2 =	vld [tilespmem:$0x1380];
	_ =	sdelay $0x4  }
0x1f9: {  	v2 =	vadd.s32 $0xEA60, v2;
	_ =	sdelay $0x4  }
0x1fa: {  	v2 =	vld.idx.msk [tilespmem:v2+s20+$0x0], $0xffff;
	_ =	sdelay $0x4  }
0x1fb: {  	vm5 =	vlt.f32 v2, $0.0e+00;
	vm6 =	vgt.f32 v2, $0.0e+00  }
0x1fc: {  	vm0 =	vmor vm6, vm5  }
0x1fd: {  	v2 =	vsel vm0, $0x3F800000, v0  }
0x1fe: {  	[tilespmem:$0x16000] =	vst v2  }
0x1ff: {  	s0 =	sor.u32 $0x6, s28;
	v2 =	vld [tilespmem:s29+$0x14C80]  }
0x200: {  	s30 =	sand.u32 $0xE, s0  }
0x201: {  	v3 =	vmov s30  }
0x202: {  	vm7 =	veq.s32 v3, v1  }
0x203: {  	v3 =	vsel vm7, $0x3F800000, v0  }
0x204: {  	s0 =	smul.u32 $0x271, s0;
	v2 =	vadd.f32 v3, v2;
	_ =	sdelay $0x1  }
0x205: {  	s0 =	sadd.s32 s6, s0;
	[tilespmem:s29+$0x14C80] =	vst v2  }
0x206: {  	[hbm4b:s0+s4] =	stream.linear.scatter [tilespmem:s21], [sflag:$0x2], $0x1388, $0x38;
	[tilespmem:$0x1CDA0] =	vst v63  }
0x207: {  	_ =	swait.ge [sflag:s24], $0x1388  }
0x208: {  	[sflag:s24] =	ssyncset.done $0x0  }
0x209: {  	s0 =	simm.s32 $0x20;
	[sflag:s24] =	ssyncadd.s32 $0xFFFFEC78  }
0x20a: {  	v2 =	vld [tilespmem:s0+$0x10]  }
0x20b: {  	v3 =	vld [tilespmem:s0+$0xFFFFFFF0]  }
0x20c: {  	v4 =	vld [tilespmem:s0+$0xFFFFFFE0]  }
0x20d: {  	v5 =	vld [tilespmem:s0+$0x0]  }
0x20e: {  	s0 =	simm.s32 $0x60  }
0x20f: {  	v6 =	vld [tilespmem:s0+$0x10];
	v2 =	vadd.s32 $0x11170, v2  }
0x210: {  	v7 =	vld [tilespmem:s0+$0xFFFFFFF0];
	v3 =	vadd.s32 $0x11170, v3  }
0x211: {  	v8 =	vld [tilespmem:s0+$0x0];
	v4 =	vadd.s32 $0x11170, v4  }
0x212: {  	v9 =	vld [tilespmem:s0+$0xFFFFFFE0];
	s0 =	simm.s32 $0xA0;
	v5 =	vadd.s32 $0x11170, v5  }
0x213: {  	v11 =	vld [tilespmem:s0+$0x10]  }
0x214: {  	v2 =	vld.idx.msk [tilespmem:v2+s20+$0x0], $0xffff  }
0x215: {  	v3 =	vld.idx.msk [tilespmem:v3+s20+$0x0], $0xffff  }
0x216: {  	v6 =	vadd.s32 $0x11170, v6;
	v4 =	vld.idx.msk [tilespmem:v4+s20+$0x0], $0xffff  }
0x217: {  	v5 =	vld.idx.msk [tilespmem:v5+s20+$0x0], $0xffff  }
0x218: {  	v12 =	vld [tilespmem:s0+$0xFFFFFFF0];
	v10 =	vadd.s32 $0x11170, v7  }
0x219: {  	v13 =	vadd.s32 $0x11170, v9;
	v14 =	vadd.s32 $0x11170, v8  }
0x21a: {  	v7 =	vld [tilespmem:s0+$0x0];
	v9 =	vadd.s32 $0x11170, v11;
	vm8 =	vlt.f32 v2, $0.0e+00;
	vm9 =	vgt.f32 v2, $0.0e+00  }
0x21b: {  	v2 =	vld.idx.msk [tilespmem:v6+s20+$0x0], $0xffff;
	vm10 =	vlt.f32 v3, $0.0e+00;
	vm11 =	vgt.f32 v3, $0.0e+00;
	vm12 =	vlt.f32 v4, $0.0e+00  }
0x21c: {  	v8 =	vld [tilespmem:s0+$0xFFFFFFE0];
	vm13 =	vgt.f32 v4, $0.0e+00;
	vm14 =	vlt.f32 v5, $0.0e+00;
	vm15 =	vgt.f32 v5, $0.0e+00  }
0x21d: {  	v3 =	vld.idx.msk [tilespmem:v10+s20+$0x0], $0xffff;
	v4 =	vadd.s32 $0x11170, v12;
	vm0 =	vmor vm9, vm8;
	vm1 =	vmor vm13, vm12  }
0x21e: {  	s30 =	simm.s32 $0x16030;
	v6 =	vld.idx.msk [tilespmem:v13+s20+$0x0], $0xffff;
	vm2 =	vmor vm15, vm14;
	v15 =	vsel vm0, $0x3F800000, v0;
	vm0 =	vmor vm11, vm10  }
0x21f: {  	s31 =	simm.s32 $0x80;
	s0 =	simm.s32 $0xE0;
	v5 =	vld.idx.msk [tilespmem:v14+s20+$0x0], $0xffff;
	v12 =	vsel vm1, $0x3F800000, v0;
	v10 =	vsel vm2, $0x3F800000, v0;
	[tilespmem:s30+$0x10] =	vst v15;
	v11 =	vsel vm0, $0x3F800000, v0  }
.LBB2_19:
0x220: {  	v13 =	vld [tilespmem:s0+$0x10];
	s31 =	sadd.s32 $0x40, s31;
	v14 =	vadd.s32 $0x11170, v7;
	vm0 =	vlt.f32 v2, $0.0e+00;
	vm1 =	vgt.f32 v2, $0.0e+00;
	[tilespmem:s30+$0xFFFFFFE0] =	vst v12  }
0x221: {  	v12 =	vld [tilespmem:s0+$0xFFFFFFF0];
	p0 =	slt.u32 s31, $0x1340;
	v15 =	vadd.s32 $0x11170, v8;
	vm0 =	vmor vm1, vm0;
	[tilespmem:s30+$0xFFFFFFF0] =	vst v11  }
0x222: {  	v2 =	vld.idx.msk [tilespmem:v9+s20+$0x0], $0xffff;
	v8 =	vsel vm0, $0x3F800000, v0;
	[tilespmem:s30+$0x0] =	vst v10;
	s30 =	sadd.s32 $0x40, s30  }
.Ltmp9:
0x223: {  	vm0 =	vlt.f32 v3, $0.0e+00;
	vm1 =	vgt.f32 v3, $0.0e+00;
	v7 =	vld [tilespmem:s0+$0x0];
	[tilespmem:s30+$0x10] =	vst v8;
	(pc) =	sbr.rel @p0 .LBB2_19-.Ltmp9, $4  }
0x224: {  	vm2 =	vlt.f32 v6, $0.0e+00;
	vm3 =	vgt.f32 v6, $0.0e+00;
	vm0 =	vmor vm1, vm0;
	v8 =	vld [tilespmem:s0+$0xFFFFFFE0]  }
0x225: {  	vm1 =	vlt.f32 v5, $0.0e+00;
	vm4 =	vgt.f32 v5, $0.0e+00;
	v9 =	vadd.s32 $0x11170, v13;
	v3 =	vld.idx.msk [tilespmem:v4+s20+$0x0], $0xffff  }
0x226: {  	vm2 =	vmor vm3, vm2;
	vm1 =	vmor vm4, vm1;
	v4 =	vadd.s32 $0x11170, v12;
	v6 =	vld.idx.msk [tilespmem:v15+s20+$0x0], $0xffff  }
0x227: {  	s0 =	sadd.s32 $0x40, s0;
	v11 =	vsel vm0, $0x3F800000, v0;
	v12 =	vsel vm2, $0x3F800000, v0;
	v10 =	vsel vm1, $0x3F800000, v0;
	v5 =	vld.idx.msk [tilespmem:v14+s20+$0x0], $0xffff  }
0x228: {  	_ = 	snop  }
0x229: {  	v7 =	vadd.s32 $0x11170, v7  }
0x22a: {  	v8 =	vadd.s32 $0x11170, v8  }
0x22b: {  	vm0 =	vlt.f32 v2, $0.0e+00;
	vm1 =	vgt.f32 v2, $0.0e+00  }
0x22c: {  	v2 =	vld.idx.msk [tilespmem:v9+s20+$0x0], $0xffff;
	vm0 =	vmor vm1, vm0  }
0x22d: {  	v4 =	vld.idx.msk [tilespmem:v4+s20+$0x0], $0xffff;
	v60 =	vsel vm0, $0x3F800000, v0;
	vm14 =	vlt.f32 v3, $0.0e+00  }
0x22e: {  	[tilespmem:s30+$0xFFFFFFE0] =	vst v12;
	vm15 =	vgt.f32 v3, $0.0e+00;
	vm2 =	vlt.f32 v6, $0.0e+00;
	vm3 =	vgt.f32 v6, $0.0e+00;
	v61 =	vld.idx.msk [tilespmem:v7+s20+$0x0], $0xffff  }
0x22f: {  	[tilespmem:s30+$0xFFFFFFF0] =	vst v11;
	vm0 =	vmor vm15, vm14;
	vm4 =	vlt.f32 v5, $0.0e+00;
	vm8 =	vgt.f32 v5, $0.0e+00;
	v3 =	vld.idx.msk [tilespmem:v8+s20+$0x0], $0xffff  }
0x230: {  	[tilespmem:s30+$0x0] =	vst v10;
	s0 =	sadd.s32 $0x40, s30;
	vm2 =	vmor vm3, vm2;
	v63 =	vsel vm0, $0x3F800000, v0;
	vm9 =	vmor vm8, vm4  }
0x231: {  	[tilespmem:s0+$0x10] =	vst v60;
	v62 =	vsel vm2, $0x3F800000, v0;
	vm10 =	vlt.f32 v2, $0.0e+00;
	vm11 =	vgt.f32 v2, $0.0e+00  }
0x232: {  	vm12 =	vlt.f32 v4, $0.0e+00;
	[tilespmem:s0+$0xFFFFFFF0] =	vst v63;
	vm13 =	vgt.f32 v4, $0.0e+00;
	v2 =	vsel vm9, $0x3F800000, v0  }
0x233: {  	[tilespmem:s0+$0xFFFFFFE0] =	vst v62;
	vm0 =	vmor vm11, vm10;
	vm8 =	vmor vm13, vm12;
	vm10 =	vlt.f32 v61, $0.0e+00  }
0x234: {  	[tilespmem:s0+$0x0] =	vst v2;
	s0 =	sadd.s32 $0x40, s0;
	vm14 =	vlt.f32 v3, $0.0e+00;
	vm15 =	vgt.f32 v3, $0.0e+00;
	v3 =	vsel vm0, $0x3F800000, v0  }
0x235: {  	vm11 =	vgt.f32 v61, $0.0e+00;
	vm9 =	vmor vm15, vm14;
	[tilespmem:s0+$0x10] =	vst v3;
	v3 =	vsel vm8, $0x3F800000, v0  }
0x236: {  	vm12 =	vmor vm11, vm10;
	v2 =	vsel vm9, $0x3F800000, v0;
	[tilespmem:s0+$0xFFFFFFF0] =	vst v3  }
0x237: {  	[tilespmem:s0+$0xFFFFFFE0] =	vst v2;
	v2 =	vsel vm12, $0x3F800000, v0  }
0x238: {  	[tilespmem:s0+$0x0] =	vst v2  }
0x239: {  	v2 =	vld [tilespmem:$0x1380];
	_ =	sdelay $0x4  }
0x23a: {  	v2 =	vadd.s32 $0x11170, v2;
	_ =	sdelay $0x4  }
0x23b: {  	v2 =	vld.idx.msk [tilespmem:v2+s20+$0x0], $0xffff;
	_ =	sdelay $0x4  }
0x23c: {  	vm13 =	vlt.f32 v2, $0.0e+00;
	vm14 =	vgt.f32 v2, $0.0e+00  }
0x23d: {  	vm0 =	vmor vm14, vm13  }
0x23e: {  	v2 =	vsel vm0, $0x3F800000, v0  }
0x23f: {  	[tilespmem:$0x17390] =	vst v2  }
0x240: {  	s31 =	sor.u32 $0x7, s28;
	v2 =	vld [tilespmem:s29+$0x16010]  }
0x241: {  	s28 =	sand.u32 $0xF, s31  }
0x242: {  	v3 =	vmov s28  }
0x243: {  	vm15 =	veq.s32 v3, v1  }
0x244: {  	v3 =	vsel vm15, $0x3F800000, v0  }
0x245: {  	s0 =	smul.u32 $0x271, s31;
	v2 =	vadd.f32 v3, v2;
	_ =	sdelay $0x1  }
0x246: {  	s26 =	sadd.s32 $0x1, s26;
	s0 =	sadd.s32 s6, s0;
	[tilespmem:s29+$0x16010] =	vst v2  }
0x247: {  	[hbm4b:s0+s4] =	stream.linear.scatter [tilespmem:s22], [sflag:$0x3], $0x1388, $0x38;
	[tilespmem:$0x1CDA0] =	vst v63  }
0x248: {  	p0 =	sne.s32 s26, s12;
	_ =	swait.ge [sflag:s23], $0x1388  }
.Ltmp10:
0x249: {  	[sflag:s23] =	ssyncset.done $0x0;
	(pc) =	sbr.rel @p0 .LBB2_4-.Ltmp10, $4  }
0x24a: {  	[sflag:s23] =	ssyncadd.s32 $0xFFFFEC78  }
0x24b: {  	_ =	swait.ge [sflag:s24], $0x1388  }
0x24c: {  	[sflag:s24] =	ssyncset.done $0x0  }
0x24d: {  	[sflag:s24] =	ssyncadd.s32 $0xFFFFEC78  }
0x24e: {  	s25 =	sadd.s32 $0x1, s25  }
0x24f: {  	p0 =	sne.s32 s25, s13  }
.Ltmp11:
0x250: {  	_ = 	snop;
	(pc) =	sbr.rel @p0 .LBB2_1-.Ltmp11, $1  }
0x251: {  	_ =	sdelay $0x3  }
0x252: {  	_ =	sfence.sel $0x180000  }
0x253: {  	[bflag:$0x0] =	sbarrier.arrive $0xFFFF  }
0x254: {  	_ =	strace $0x90000047  }
0x255: {  	[bflag:$0x2] =	sbarrier.arrive $0xFFFF  }
0x256: {  	p0 =	sne.s32 s3, $0x0;
	s0 =	rddreg [dreg:$0x5]  }
0x257: {  	s0 =	sadd.s32 @!p0 $0x100000, s0  }
0x258: {  	[sflag:s0] =	ssyncadd.tile.s32 @!p0 $0x1;
	_ =	shalt  }
.Lfunc_end2:
_tile_overlayer_lowered:
.L_overlay_start_2:
0x259: {  	(tag) =	ssettag $0x2  }
0x25a: {  	s0 =	rddreg [dreg:$0x0];
	s2 =	stileid.u32  }
0x25b: {  	s1 =	rddreg [dreg:$0x1];
	p0 =	sne.s32 s2, $0x0  }
0x25c: {  	s3 =	rddreg [dreg:$0x2];
	[bflag:$0x3] =	sbarrier.arrive $0xFFFF;
	s2 =	simm.s32 @!p0 $0x1C04  }
0x25d: {  	[timem:s3], [sflag:s2] =	dma.local @!p0 [hbm:s0], s1  }
0x25e: {  	s0 =	simm.s32 @!p0 $0x4  }
0x25f: {  	_ =	swait.ge @!p0 [sflag:s0], s1  }
0x260: {  	s1 =	ssub.s32 @!p0 $0x0, s1;
	[sflag:s0] =	ssyncset.done @!p0 $0x0  }
0x261: {  	[sflag:s0] =	ssyncadd.s32 @!p0 s1  }
0x262: {  	[bflag:$0x3] =	sbarrier.arrive $0xFFFF  }
0x263: {  	_ =	shalt  }

</sc_bundles>
